<compile_context>
chip_gen: v7x
topology: tpu7x:2x2x1
jax: 0.10.2.dev20260603
libtpu: 0.0.44.dev20260713+nightly
codegen_flags: <defaults>
</compile_context>

<pallas_src>
import functools

import jax
import jax.numpy as jnp
from jax import lax
from jax.experimental import pallas as pl
from jax.experimental.pallas import tpu as pltpu
from jax.experimental.pallas import tpu_sc as plsc

OUT_ROWS = 576
_NT = 16


@functools.lru_cache(maxsize=None)
def _build_a_fn(rpt: int, in_rows: int):
    a_flat = OUT_ROWS * in_rows
    slice_len = a_flat // _NT
    zch = slice_len // 8
    mesh = plsc.VectorSubcoreMesh(core_axis_name="c", subcore_axis_name="s")

    def body(seg_hbm, idx_hbm, scale_hbm, a_hbm,
             seg_v, idx_v, scale_v, flat_v, zero_v, a_sh, sem):
        cid = lax.axis_index("c")
        tid = lax.axis_index("s")

        @pl.when(cid == 0)
        def _work():
            def zfill(i, carry):
                zero_v[pl.ds(i * 16, 16)] = jnp.zeros((16,), jnp.float32)
                return carry
            lax.fori_loop(0, zch // 16, zfill, 0)
            for j in range(8):
                pltpu.sync_copy(zero_v,
                                a_sh.at[pl.ds(tid * slice_len + j * zch, zch)])

            pltpu.sync_copy(seg_hbm.at[tid], seg_v)
            pltpu.sync_copy(idx_hbm.at[tid], idx_v)
            pltpu.sync_copy(scale_hbm.at[tid], scale_v)

            for r in range(rpt):
                for c in range(8):
                    sl = pl.ds(c * 16, 16)
                    flat_v[r, sl] = seg_v[r, sl] * in_rows + idx_v[r, sl]

            plsc.subcore_barrier()

            descs = [
                pltpu.async_copy(scale_v.at[r], a_sh.at[flat_v.at[r]], sem,
                                 add=True)
                for r in range(rpt)
            ]
            for d in descs:
                d.wait()

            plsc.subcore_barrier()

            off = tid * slice_len
            pltpu.sync_copy(a_sh.at[pl.ds(off, slice_len)],
                            a_hbm.at[pl.ds(off, slice_len)])

    return pl.kernel(
        body,
        out_type=jax.ShapeDtypeStruct((a_flat,), jnp.float32),
        mesh=mesh,
        scratch_types=[
            pltpu.VMEM((rpt, 128), jnp.int32),
            pltpu.VMEM((rpt, 128), jnp.int32),
            pltpu.VMEM((rpt, 128), jnp.float32),
            pltpu.VMEM((rpt, 128), jnp.int32),
            pltpu.VMEM((zch,), jnp.float32),
            pltpu.VMEM_SHARED((a_flat,), jnp.float32),
            pltpu.SemaphoreType.DMA,
        ],
    )


@functools.lru_cache(maxsize=None)
def _matmul_fn(in_rows: int, n_total: int, n_blk: int):

    def body(a_ref, x_ref, o_ref):
        o_ref[...] = jnp.dot(a_ref[...], x_ref[...],
                             preferred_element_type=jnp.float32)

    return pl.pallas_call(
        body,
        grid=(n_total // n_blk,),
        in_specs=[
            pl.BlockSpec((OUT_ROWS, in_rows), lambda i: (0, 0)),
            pl.BlockSpec((in_rows, n_blk), lambda i: (0, i)),
        ],
        out_specs=pl.BlockSpec((OUT_ROWS, n_blk), lambda i: (0, i)),
        out_shape=jax.ShapeDtypeStruct((OUT_ROWS, n_total), jnp.float32),
    )


def kernel(input, scale, index, seg_out):
    b, in_rows, ch = input.shape
    k = scale.shape[0]
    chunk = _NT * 128
    kp = -(-k // chunk) * chunk
    pad = kp - k
    rpt = kp // chunk
    seg_p = jnp.pad(seg_out, (0, pad)).reshape(_NT, rpt, 128)
    idx_p = jnp.pad(index, (0, pad)).reshape(_NT, rpt, 128)
    scale_p = jnp.pad(scale, (0, pad)).reshape(_NT, rpt, 128)
    a_flat = _build_a_fn(rpt, in_rows)(seg_p, idx_p, scale_p)
    a_mat = a_flat.reshape(OUT_ROWS, in_rows).astype(jnp.bfloat16)
    xt = jnp.swapaxes(input, 0, 1).reshape(in_rows, b * ch).astype(
        jnp.bfloat16)
    out_t = _matmul_fn(in_rows, b * ch, 2048)(a_mat, xt)
    return jnp.swapaxes(out_t.reshape(OUT_ROWS, b, ch), 0, 1)

# --- scband reference (transcript-rebuilt; emitter-appended) ---
"""Pipeline reference for scband-ref-wrapper-module-7232724927053 (READ-ONLY COPY).

The authoritative reference and input builder live on the scoring server;
editing this copy changes nothing except your own understanding.
"""

import jax, jax.numpy as jnp
import numpy as np

# Structural translation of the e3nn-style SparseScale op:
#   inter = input.index_select(-2, index) * scale[:, None]
#   out   = segment_sum(inter, seg_out)  along the -2 axis
# Shapes follow irreps1='32x0e+32x1o+32x2e' (dim 288), irreps2='0e+1o+2e' (dim 9)
# so in_size = 288*9 = 2592, and irreps_out='64x0e+64x1o+64x2e' (dim 576 = out_size).
# The CG-derived (index, scale, seg_out) info is materialized as deterministic
# pseudo-random arrays with a realistic nnz count K = 8 * in_size.

B = 1024
IN_SIZE = 2592
OUT_SIZE = 576
C = 16
K = 8 * IN_SIZE  # 20736 nonzero CG-path entries


def setup_inputs(seed: int = 0) -> dict:
    key = jax.random.key(seed)
    k1, k2, k3, k4 = jax.random.split(key, 4)
    x = jax.random.normal(k1, (B, IN_SIZE, C), dtype=jnp.float32)
    index = jax.random.randint(k2, (K,), 0, IN_SIZE, dtype=jnp.int32)
    scale = jax.random.normal(k3, (K,), dtype=jnp.float32) * 0.1
    seg_out = jnp.sort(jax.random.randint(k4, (K,), 0, OUT_SIZE, dtype=jnp.int32))
    return {"input": x, "scale": scale, "index": index, "seg_out": seg_out}


def reference(input, scale, index, seg_out):
    # input: [B, in_size, C] (the ndim==2 path just adds/removes a batch dim)
    inter = jnp.take(input, index, axis=-2)          # gather rows: [B, K, C]
    inter = inter * scale[:, None]                   # per-entry CG scale
    out = jnp.zeros((input.shape[0], OUT_SIZE, input.shape[-1]), dtype=input.dtype)
    out = out.at[:, seg_out, :].add(inter)           # segment-sum into out rows
    return out

if __name__ == "__main__":
    import jax
    _d = setup_inputs()
    print(jax.jit(kernel)(*tuple(_d.values())))

</pallas_src>

<mosaic_0001>
#map = affine_map<(d0, d1) -> (0, 0, 0)>
#map1 = affine_map<(d0, d1) -> (0)>
module attributes {stable_mosaic.version = 14 : i64} {
  func.func @body(%arg0: i32, %arg1: i32, %arg2: memref<16x11x128xi32, #tpu.memory_space<hbm>>, %arg3: memref<16x11x128xi32, #tpu.memory_space<hbm>>, %arg4: memref<16x11x128xf32, #tpu.memory_space<hbm>>, %arg5: memref<1492992xf32, #tpu.memory_space<hbm>>, %arg6: memref<11x128xi32, #tpu.memory_space<vmem>>, %arg7: memref<11x128xi32, #tpu.memory_space<vmem>>, %arg8: memref<11x128xf32, #tpu.memory_space<vmem>>, %arg9: memref<11x128xi32, #tpu.memory_space<vmem>>, %arg10: memref<11664xf32, #tpu.memory_space<vmem>>, %arg11: memref<1492992xf32, #tpu.memory_space<vmem_shared>>, %arg12: memref<!tpu.dma_semaphore, #tpu.memory_space<semaphore_mem>>) attributes {dimension_semantics = [#tpu.dimension_semantics<core_parallel>, #tpu.dimension_semantics<subcore_parallel>], iteration_bounds = array<i64: 2, 16>, scalar_prefetch = 0 : i64, scratch_operands = 7 : i64, tpu.core_type = #tpu.core_type<sc_vector_subcore>, window_params = [{transform_indices = #map}, {transform_indices = #map}, {transform_indices = #map}, {transform_indices = #map1}]} {
    %eq3A = arith.constant 0 : i32
    %eq3A_0 = arith.cmpi eq, %arg0, %eq3A : i32
    %convert_element_type3A = arith.extui %eq3A_0 : i1 to i32
    %cond3A = arith.constant 0 : i32
    %cond3A_1 = arith.cmpi ne, %convert_element_type3A, %cond3A : i32
    scf.if %cond3A_1 {
      %scan3A = arith.constant 0 : i32
      %scan3A_2 = arith.constant 0 : i32
      %scan3A_3 = arith.constant 729 : i32
      %scan3A_4 = arith.addi %scan3A_2, %scan3A_3 : i32
      %scan3A_5 = arith.constant 1 : i32
      scf.for %scan3A_2016 = %scan3A_2 to %scan3A_4 step %scan3A_5  : i32 {
        %broadcast_in_dim3A = arith.constant 0.000000e+00 : f32
        %broadcast_in_dim3A_2017 = vector.broadcast %broadcast_in_dim3A : f32 to vector<16xf32>
        %mul3A_2018 = arith.constant 16 : i32
        %mul3A_2019 = arith.muli %scan3A_2016, %mul3A_2018 : i32
        %swap3A_2020 = arith.index_cast %mul3A_2019 : i32 to index
        %swap3A_2021 = tpu.vector_load %arg10[%swap3A_2020] {strides = array<i32>} : memref<11664xf32, #tpu.memory_space<vmem>>, vector<16xf32>,
        %swap3A_2022 = vector.shape_cast %swap3A_2021 : vector<16xf32> to vector<16xf32>
        %swap3A_2023 = vector.shape_cast %broadcast_in_dim3A_2017 : vector<16xf32> to vector<16xf32>
        tpu.vector_store %arg10[%swap3A_2020], %swap3A_2023 {strides = array<i32>} : memref<11664xf32, #tpu.memory_space<vmem>>, vector<16xf32>,
      }
      %scan3A_6 = arith.constant 729 : i32
      %mul3A = arith.constant 93312 : i32
      %mul3A_7 = arith.muli %arg1, %mul3A : i32
      %add3A = arith.constant 0 : i32
      %add3A_8 = arith.addi %mul3A_7, %add3A : i32
      "tpu.region"() ({
        %run_scoped3A = tpu.sem_alloc : memref<!tpu.dma_semaphore, #tpu.memory_space<semaphore_mem>>
        %dma_start3A_2016 = tpu.memref_slice %arg11[%add3A_8] : memref<1492992xf32, #tpu.memory_space<vmem_shared>> -> memref<11664xf32, #tpu.memory_space<vmem_shared>>
        %dma_start3A_2017 = tpu.memref_slice %arg11[%add3A_8] : memref<1492992xf32, #tpu.memory_space<vmem_shared>> -> memref<11664xf32, #tpu.memory_space<vmem_shared>>
        tpu.enqueue_dma source(%arg10 : memref<11664xf32, #tpu.memory_space<vmem>>) target(%dma_start3A_2017 : memref<11664xf32, #tpu.memory_space<vmem_shared>>) target_semaphore(%run_scoped3A : memref<!tpu.dma_semaphore, #tpu.memory_space<semaphore_mem>>)
        %dma_wait3A_2018 = tpu.memref_slice %arg11[%add3A_8] : memref<1492992xf32, #tpu.memory_space<vmem_shared>> -> memref<11664xf32, #tpu.memory_space<vmem_shared>>
        %dma_wait3A_2019 = tpu.memref_slice %arg11[%add3A_8] : memref<1492992xf32, #tpu.memory_space<vmem_shared>> -> memref<11664xf32, #tpu.memory_space<vmem_shared>>
        tpu.wait_dma2 semaphore(%run_scoped3A : memref<!tpu.dma_semaphore, #tpu.memory_space<semaphore_mem>>) src(%arg10 : memref<11664xf32, #tpu.memory_space<vmem>>) dst(%dma_wait3A_2019 : memref<11664xf32, #tpu.memory_space<vmem_shared>>)
        tpu.yield
      }) : () -> ()
      %mul3A_9 = arith.constant 93312 : i32
      %mul3A_10 = arith.muli %arg1, %mul3A_9 : i32
      %add3A_11 = arith.constant 11664 : i32
      %add3A_12 = arith.addi %mul3A_10, %add3A_11 : i32
      "tpu.region"() ({
        %run_scoped3A = tpu.sem_alloc : memref<!tpu.dma_semaphore, #tpu.memory_space<semaphore_mem>>
        %dma_start3A_2016 = tpu.memref_slice %arg11[%add3A_12] : memref<1492992xf32, #tpu.memory_space<vmem_shared>> -> memref<11664xf32, #tpu.memory_space<vmem_shared>>
        %dma_start3A_2017 = tpu.memref_slice %arg11[%add3A_12] : memref<1492992xf32, #tpu.memory_space<vmem_shared>> -> memref<11664xf32, #tpu.memory_space<vmem_shared>>
        tpu.enqueue_dma source(%arg10 : memref<11664xf32, #tpu.memory_space<vmem>>) target(%dma_start3A_2017 : memref<11664xf32, #tpu.memory_space<vmem_shared>>) target_semaphore(%run_scoped3A : memref<!tpu.dma_semaphore, #tpu.memory_space<semaphore_mem>>)
        %dma_wait3A_2018 = tpu.memref_slice %arg11[%add3A_12] : memref<1492992xf32, #tpu.memory_space<vmem_shared>> -> memref<11664xf32, #tpu.memory_space<vmem_shared>>
        %dma_wait3A_2019 = tpu.memref_slice %arg11[%add3A_12] : memref<1492992xf32, #tpu.memory_space<vmem_shared>> -> memref<11664xf32, #tpu.memory_space<vmem_shared>>
        tpu.wait_dma2 semaphore(%run_scoped3A : memref<!tpu.dma_semaphore, #tpu.memory_space<semaphore_mem>>) src(%arg10 : memref<11664xf32, #tpu.memory_space<vmem>>) dst(%dma_wait3A_2019 : memref<11664xf32, #tpu.memory_space<vmem_shared>>)
        tpu.yield
      }) : () -> ()
      %mul3A_13 = arith.constant 93312 : i32
      %mul3A_14 = arith.muli %arg1, %mul3A_13 : i32
      %add3A_15 = arith.constant 23328 : i32
      %add3A_16 = arith.addi %mul3A_14, %add3A_15 : i32
      "tpu.region"() ({
        %run_scoped3A = tpu.sem_alloc : memref<!tpu.dma_semaphore, #tpu.memory_space<semaphore_mem>>
        %dma_start3A_2016 = tpu.memref_slice %arg11[%add3A_16] : memref<1492992xf32, #tpu.memory_space<vmem_shared>> -> memref<11664xf32, #tpu.memory_space<vmem_shared>>
        %dma_start3A_2017 = tpu.memref_slice %arg11[%add3A_16] : memref<1492992xf32, #tpu.memory_space<vmem_shared>> -> memref<11664xf32, #tpu.memory_space<vmem_shared>>
        tpu.enqueue_dma source(%arg10 : memref<11664xf32, #tpu.memory_space<vmem>>) target(%dma_start3A_2017 : memref<11664xf32, #tpu.memory_space<vmem_shared>>) target_semaphore(%run_scoped3A : memref<!tpu.dma_semaphore, #tpu.memory_space<semaphore_mem>>)
        %dma_wait3A_2018 = tpu.memref_slice %arg11[%add3A_16] : memref<1492992xf32, #tpu.memory_space<vmem_shared>> -> memref<11664xf32, #tpu.memory_space<vmem_shared>>
        %dma_wait3A_2019 = tpu.memref_slice %arg11[%add3A_16] : memref<1492992xf32, #tpu.memory_space<vmem_shared>> -> memref<11664xf32, #tpu.memory_space<vmem_shared>>
        tpu.wait_dma2 semaphore(%run_scoped3A : memref<!tpu.dma_semaphore, #tpu.memory_space<semaphore_mem>>) src(%arg10 : memref<11664xf32, #tpu.memory_space<vmem>>) dst(%dma_wait3A_2019 : memref<11664xf32, #tpu.memory_space<vmem_shared>>)
        tpu.yield
      }) : () -> ()
      %mul3A_17 = arith.constant 93312 : i32
      %mul3A_18 = arith.muli %arg1, %mul3A_17 : i32
      %add3A_19 = arith.constant 34992 : i32
      %add3A_20 = arith.addi %mul3A_18, %add3A_19 : i32
      "tpu.region"() ({
        %run_scoped3A = tpu.sem_alloc : memref<!tpu.dma_semaphore, #tpu.memory_space<semaphore_mem>>
        %dma_start3A_2016 = tpu.memref_slice %arg11[%add3A_20] : memref<1492992xf32, #tpu.memory_space<vmem_shared>> -> memref<11664xf32, #tpu.memory_space<vmem_shared>>
        %dma_start3A_2017 = tpu.memref_slice %arg11[%add3A_20] : memref<1492992xf32, #tpu.memory_space<vmem_shared>> -> memref<11664xf32, #tpu.memory_space<vmem_shared>>
        tpu.enqueue_dma source(%arg10 : memref<11664xf32, #tpu.memory_space<vmem>>) target(%dma_start3A_2017 : memref<11664xf32, #tpu.memory_space<vmem_shared>>) target_semaphore(%run_scoped3A : memref<!tpu.dma_semaphore, #tpu.memory_space<semaphore_mem>>)
        %dma_wait3A_2018 = tpu.memref_slice %arg11[%add3A_20] : memref<1492992xf32, #tpu.memory_space<vmem_shared>> -> memref<11664xf32, #tpu.memory_space<vmem_shared>>
        %dma_wait3A_2019 = tpu.memref_slice %arg11[%add3A_20] : memref<1492992xf32, #tpu.memory_space<vmem_shared>> -> memref<11664xf32, #tpu.memory_space<vmem_shared>>
        tpu.wait_dma2 semaphore(%run_scoped3A : memref<!tpu.dma_semaphore, #tpu.memory_space<semaphore_mem>>) src(%arg10 : memref<11664xf32, #tpu.memory_space<vmem>>) dst(%dma_wait3A_2019 : memref<11664xf32, #tpu.memory_space<vmem_shared>>)
        tpu.yield
      }) : () -> ()
      %mul3A_21 = arith.constant 93312 : i32
      %mul3A_22 = arith.muli %arg1, %mul3A_21 : i32
      %add3A_23 = arith.constant 46656 : i32
      %add3A_24 = arith.addi %mul3A_22, %add3A_23 : i32
      "tpu.region"() ({
        %run_scoped3A = tpu.sem_alloc : memref<!tpu.dma_semaphore, #tpu.memory_space<semaphore_mem>>
        %dma_start3A_2016 = tpu.memref_slice %arg11[%add3A_24] : memref<1492992xf32, #tpu.memory_space<vmem_shared>> -> memref<11664xf32, #tpu.memory_space<vmem_shared>>
        %dma_start3A_2017 = tpu.memref_slice %arg11[%add3A_24] : memref<1492992xf32, #tpu.memory_space<vmem_shared>> -> memref<11664xf32, #tpu.memory_space<vmem_shared>>
        tpu.enqueue_dma source(%arg10 : memref<11664xf32, #tpu.memory_space<vmem>>) target(%dma_start3A_2017 : memref<11664xf32, #tpu.memory_space<vmem_shared>>) target_semaphore(%run_scoped3A : memref<!tpu.dma_semaphore, #tpu.memory_space<semaphore_mem>>)
        %dma_wait3A_2018 = tpu.memref_slice %arg11[%add3A_24] : memref<1492992xf32, #tpu.memory_space<vmem_shared>> -> memref<11664xf32, #tpu.memory_space<vmem_shared>>
        %dma_wait3A_2019 = tpu.memref_slice %arg11[%add3A_24] : memref<1492992xf32, #tpu.memory_space<vmem_shared>> -> memref<11664xf32, #tpu.memory_space<vmem_shared>>
        tpu.wait_dma2 semaphore(%run_scoped3A : memref<!tpu.dma_semaphore, #tpu.memory_space<semaphore_mem>>) src(%arg10 : memref<11664xf32, #tpu.memory_space<vmem>>) dst(%dma_wait3A_2019 : memref<11664xf32, #tpu.memory_space<vmem_shared>>)
        tpu.yield
      }) : () -> ()
      %mul3A_25 = arith.constant 93312 : i32
      %mul3A_26 = arith.muli %arg1, %mul3A_25 : i32
      %add3A_27 = arith.constant 58320 : i32
      %add3A_28 = arith.addi %mul3A_26, %add3A_27 : i32
      "tpu.region"() ({
        %run_scoped3A = tpu.sem_alloc : memref<!tpu.dma_semaphore, #tpu.memory_space<semaphore_mem>>
        %dma_start3A_2016 = tpu.memref_slice %arg11[%add3A_28] : memref<1492992xf32, #tpu.memory_space<vmem_shared>> -> memref<11664xf32, #tpu.memory_space<vmem_shared>>
        %dma_start3A_2017 = tpu.memref_slice %arg11[%add3A_28] : memref<1492992xf32, #tpu.memory_space<vmem_shared>> -> memref<11664xf32, #tpu.memory_space<vmem_shared>>
        tpu.enqueue_dma source(%arg10 : memref<11664xf32, #tpu.memory_space<vmem>>) target(%dma_start3A_2017 : memref<11664xf32, #tpu.memory_space<vmem_shared>>) target_semaphore(%run_scoped3A : memref<!tpu.dma_semaphore, #tpu.memory_space<semaphore_mem>>)
        %dma_wait3A_2018 = tpu.memref_slice %arg11[%add3A_28] : memref<1492992xf32, #tpu.memory_space<vmem_shared>> -> memref<11664xf32, #tpu.memory_space<vmem_shared>>
        %dma_wait3A_2019 = tpu.memref_slice %arg11[%add3A_28] : memref<1492992xf32, #tpu.memory_space<vmem_shared>> -> memref<11664xf32, #tpu.memory_space<vmem_shared>>
        tpu.wait_dma2 semaphore(%run_scoped3A : memref<!tpu.dma_semaphore, #tpu.memory_space<semaphore_mem>>) src(%arg10 : memref<11664xf32, #tpu.memory_space<vmem>>) dst(%dma_wait3A_2019 : memref<11664xf32, #tpu.memory_space<vmem_shared>>)
        tpu.yield
      }) : () -> ()
      %mul3A_29 = arith.constant 93312 : i32
      %mul3A_30 = arith.muli %arg1, %mul3A_29 : i32
      %add3A_31 = arith.constant 69984 : i32
      %add3A_32 = arith.addi %mul3A_30, %add3A_31 : i32
      "tpu.region"() ({
        %run_scoped3A = tpu.sem_alloc : memref<!tpu.dma_semaphore, #tpu.memory_space<semaphore_mem>>
        %dma_start3A_2016 = tpu.memref_slice %arg11[%add3A_32] : memref<1492992xf32, #tpu.memory_space<vmem_shared>> -> memref<11664xf32, #tpu.memory_space<vmem_shared>>
        %dma_start3A_2017 = tpu.memref_slice %arg11[%add3A_32] : memref<1492992xf32, #tpu.memory_space<vmem_shared>> -> memref<11664xf32, #tpu.memory_space<vmem_shared>>
        tpu.enqueue_dma source(%arg10 : memref<11664xf32, #tpu.memory_space<vmem>>) target(%dma_start3A_2017 : memref<11664xf32, #tpu.memory_space<vmem_shared>>) target_semaphore(%run_scoped3A : memref<!tpu.dma_semaphore, #tpu.memory_space<semaphore_mem>>)
        %dma_wait3A_2018 = tpu.memref_slice %arg11[%add3A_32] : memref<1492992xf32, #tpu.memory_space<vmem_shared>> -> memref<11664xf32, #tpu.memory_space<vmem_shared>>
        %dma_wait3A_2019 = tpu.memref_slice %arg11[%add3A_32] : memref<1492992xf32, #tpu.memory_space<vmem_shared>> -> memref<11664xf32, #tpu.memory_space<vmem_shared>>
        tpu.wait_dma2 semaphore(%run_scoped3A : memref<!tpu.dma_semaphore, #tpu.memory_space<semaphore_mem>>) src(%arg10 : memref<11664xf32, #tpu.memory_space<vmem>>) dst(%dma_wait3A_2019 : memref<11664xf32, #tpu.memory_space<vmem_shared>>)
        tpu.yield
      }) : () -> ()
      %mul3A_33 = arith.constant 93312 : i32
      %mul3A_34 = arith.muli %arg1, %mul3A_33 : i32
      %add3A_35 = arith.constant 81648 : i32
      %add3A_36 = arith.addi %mul3A_34, %add3A_35 : i32
      "tpu.region"() ({
        %run_scoped3A = tpu.sem_alloc : memref<!tpu.dma_semaphore, #tpu.memory_space<semaphore_mem>>
        %dma_start3A_2016 = tpu.memref_slice %arg11[%add3A_36] : memref<1492992xf32, #tpu.memory_space<vmem_shared>> -> memref<11664xf32, #tpu.memory_space<vmem_shared>>
        %dma_start3A_2017 = tpu.memref_slice %arg11[%add3A_36] : memref<1492992xf32, #tpu.memory_space<vmem_shared>> -> memref<11664xf32, #tpu.memory_space<vmem_shared>>
        tpu.enqueue_dma source(%arg10 : memref<11664xf32, #tpu.memory_space<vmem>>) target(%dma_start3A_2017 : memref<11664xf32, #tpu.memory_space<vmem_shared>>) target_semaphore(%run_scoped3A : memref<!tpu.dma_semaphore, #tpu.memory_space<semaphore_mem>>)
        %dma_wait3A_2018 = tpu.memref_slice %arg11[%add3A_36] : memref<1492992xf32, #tpu.memory_space<vmem_shared>> -> memref<11664xf32, #tpu.memory_space<vmem_shared>>
        %dma_wait3A_2019 = tpu.memref_slice %arg11[%add3A_36] : memref<1492992xf32, #tpu.memory_space<vmem_shared>> -> memref<11664xf32, #tpu.memory_space<vmem_shared>>
        tpu.wait_dma2 semaphore(%run_scoped3A : memref<!tpu.dma_semaphore, #tpu.memory_space<semaphore_mem>>) src(%arg10 : memref<11664xf32, #tpu.memory_space<vmem>>) dst(%dma_wait3A_2019 : memref<11664xf32, #tpu.memory_space<vmem_shared>>)
        tpu.yield
      }) : () -> ()
      "tpu.region"() ({
        %run_scoped3A = tpu.sem_alloc : memref<!tpu.dma_semaphore, #tpu.memory_space<semaphore_mem>>
        %dma_start3A_2016 = arith.constant 0 : i32
        %dma_start3A_2017 = arith.constant 0 : i32
        %dma_start3A_2018 = tpu.memref_slice %arg2[%arg1, %dma_start3A_2016, %dma_start3A_2017] : memref<16x11x128xi32, #tpu.memory_space<hbm>> -> memref<1x11x128xi32, #tpu.memory_space<hbm>>
        %dma_start3A_2019 = tpu.memref_squeeze %dma_start3A_2018 : memref<1x11x128xi32, #tpu.memory_space<hbm>> -> memref<11x128xi32, #tpu.memory_space<hbm>>
        %dma_start3A_2020 = arith.constant 0 : i32
        %dma_start3A_2021 = arith.constant 0 : i32
        %dma_start3A_2022 = tpu.memref_slice %arg2[%arg1, %dma_start3A_2020, %dma_start3A_2021] : memref<16x11x128xi32, #tpu.memory_space<hbm>> -> memref<1x11x128xi32, #tpu.memory_space<hbm>>
        %dma_start3A_2023 = tpu.memref_squeeze %dma_start3A_2022 : memref<1x11x128xi32, #tpu.memory_space<hbm>> -> memref<11x128xi32, #tpu.memory_space<hbm>>
        tpu.enqueue_dma source(%dma_start3A_2023 : memref<11x128xi32, #tpu.memory_space<hbm>>) target(%arg6 : memref<11x128xi32, #tpu.memory_space<vmem>>) target_semaphore(%run_scoped3A : memref<!tpu.dma_semaphore, #tpu.memory_space<semaphore_mem>>)
        %dma_wait3A_2024 = arith.constant 0 : i32
        %dma_wait3A_2025 = arith.constant 0 : i32
        %dma_wait3A_2026 = tpu.memref_slice %arg2[%arg1, %dma_wait3A_2024, %dma_wait3A_2025] : memref<16x11x128xi32, #tpu.memory_space<hbm>> -> memref<1x11x128xi32, #tpu.memory_space<hbm>>
        %dma_wait3A_2027 = tpu.memref_squeeze %dma_wait3A_2026 : memref<1x11x128xi32, #tpu.memory_space<hbm>> -> memref<11x128xi32, #tpu.memory_space<hbm>>
        %dma_wait3A_2028 = arith.constant 0 : i32
        %dma_wait3A_2029 = arith.constant 0 : i32
        %dma_wait3A_2030 = tpu.memref_slice %arg2[%arg1, %dma_wait3A_2028, %dma_wait3A_2029] : memref<16x11x128xi32, #tpu.memory_space<hbm>> -> memref<1x11x128xi32, #tpu.memory_space<hbm>>
        %dma_wait3A_2031 = tpu.memref_squeeze %dma_wait3A_2030 : memref<1x11x128xi32, #tpu.memory_space<hbm>> -> memref<11x128xi32, #tpu.memory_space<hbm>>
        tpu.wait_dma2 semaphore(%run_scoped3A : memref<!tpu.dma_semaphore, #tpu.memory_space<semaphore_mem>>) src(%dma_wait3A_2031 : memref<11x128xi32, #tpu.memory_space<hbm>>) dst(%arg6 : memref<11x128xi32, #tpu.memory_space<vmem>>)
        tpu.yield
      }) : () -> ()
      "tpu.region"() ({
        %run_scoped3A = tpu.sem_alloc : memref<!tpu.dma_semaphore, #tpu.memory_space<semaphore_mem>>
        %dma_start3A_2016 = arith.constant 0 : i32
        %dma_start3A_2017 = arith.constant 0 : i32
        %dma_start3A_2018 = tpu.memref_slice %arg3[%arg1, %dma_start3A_2016, %dma_start3A_2017] : memref<16x11x128xi32, #tpu.memory_space<hbm>> -> memref<1x11x128xi32, #tpu.memory_space<hbm>>
        %dma_start3A_2019 = tpu.memref_squeeze %dma_start3A_2018 : memref<1x11x128xi32, #tpu.memory_space<hbm>> -> memref<11x128xi32, #tpu.memory_space<hbm>>
        %dma_start3A_2020 = arith.constant 0 : i32
        %dma_start3A_2021 = arith.constant 0 : i32
        %dma_start3A_2022 = tpu.memref_slice %arg3[%arg1, %dma_start3A_2020, %dma_start3A_2021] : memref<16x11x128xi32, #tpu.memory_space<hbm>> -> memref<1x11x128xi32, #tpu.memory_space<hbm>>
        %dma_start3A_2023 = tpu.memref_squeeze %dma_start3A_2022 : memref<1x11x128xi32, #tpu.memory_space<hbm>> -> memref<11x128xi32, #tpu.memory_space<hbm>>
        tpu.enqueue_dma source(%dma_start3A_2023 : memref<11x128xi32, #tpu.memory_space<hbm>>) target(%arg7 : memref<11x128xi32, #tpu.memory_space<vmem>>) target_semaphore(%run_scoped3A : memref<!tpu.dma_semaphore, #tpu.memory_space<semaphore_mem>>)
        %dma_wait3A_2024 = arith.constant 0 : i32
        %dma_wait3A_2025 = arith.constant 0 : i32
        %dma_wait3A_2026 = tpu.memref_slice %arg3[%arg1, %dma_wait3A_2024, %dma_wait3A_2025] : memref<16x11x128xi32, #tpu.memory_space<hbm>> -> memref<1x11x128xi32, #tpu.memory_space<hbm>>
        %dma_wait3A_2027 = tpu.memref_squeeze %dma_wait3A_2026 : memref<1x11x128xi32, #tpu.memory_space<hbm>> -> memref<11x128xi32, #tpu.memory_space<hbm>>
        %dma_wait3A_2028 = arith.constant 0 : i32
        %dma_wait3A_2029 = arith.constant 0 : i32
        %dma_wait3A_2030 = tpu.memref_slice %arg3[%arg1, %dma_wait3A_2028, %dma_wait3A_2029] : memref<16x11x128xi32, #tpu.memory_space<hbm>> -> memref<1x11x128xi32, #tpu.memory_space<hbm>>
        %dma_wait3A_2031 = tpu.memref_squeeze %dma_wait3A_2030 : memref<1x11x128xi32, #tpu.memory_space<hbm>> -> memref<11x128xi32, #tpu.memory_space<hbm>>
        tpu.wait_dma2 semaphore(%run_scoped3A : memref<!tpu.dma_semaphore, #tpu.memory_space<semaphore_mem>>) src(%dma_wait3A_2031 : memref<11x128xi32, #tpu.memory_space<hbm>>) dst(%arg7 : memref<11x128xi32, #tpu.memory_space<vmem>>)
        tpu.yield
      }) : () -> ()
      "tpu.region"() ({
        %run_scoped3A = tpu.sem_alloc : memref<!tpu.dma_semaphore, #tpu.memory_space<semaphore_mem>>
        %dma_start3A_2016 = arith.constant 0 : i32
        %dma_start3A_2017 = arith.constant 0 : i32
        %dma_start3A_2018 = tpu.memref_slice %arg4[%arg1, %dma_start3A_2016, %dma_start3A_2017] : memref<16x11x128xf32, #tpu.memory_space<hbm>> -> memref<1x11x128xf32, #tpu.memory_space<hbm>>
        %dma_start3A_2019 = tpu.memref_squeeze %dma_start3A_2018 : memref<1x11x128xf32, #tpu.memory_space<hbm>> -> memref<11x128xf32, #tpu.memory_space<hbm>>
        %dma_start3A_2020 = arith.constant 0 : i32
        %dma_start3A_2021 = arith.constant 0 : i32
        %dma_start3A_2022 = tpu.memref_slice %arg4[%arg1, %dma_start3A_2020, %dma_start3A_2021] : memref<16x11x128xf32, #tpu.memory_space<hbm>> -> memref<1x11x128xf32, #tpu.memory_space<hbm>>
        %dma_start3A_2023 = tpu.memref_squeeze %dma_start3A_2022 : memref<1x11x128xf32, #tpu.memory_space<hbm>> -> memref<11x128xf32, #tpu.memory_space<hbm>>
        tpu.enqueue_dma source(%dma_start3A_2023 : memref<11x128xf32, #tpu.memory_space<hbm>>) target(%arg8 : memref<11x128xf32, #tpu.memory_space<vmem>>) target_semaphore(%run_scoped3A : memref<!tpu.dma_semaphore, #tpu.memory_space<semaphore_mem>>)
        %dma_wait3A_2024 = arith.constant 0 : i32
        %dma_wait3A_2025 = arith.constant 0 : i32
        %dma_wait3A_2026 = tpu.memref_slice %arg4[%arg1, %dma_wait3A_2024, %dma_wait3A_2025] : memref<16x11x128xf32, #tpu.memory_space<hbm>> -> memref<1x11x128xf32, #tpu.memory_space<hbm>>
        %dma_wait3A_2027 = tpu.memref_squeeze %dma_wait3A_2026 : memref<1x11x128xf32, #tpu.memory_space<hbm>> -> memref<11x128xf32, #tpu.memory_space<hbm>>
        %dma_wait3A_2028 = arith.constant 0 : i32
        %dma_wait3A_2029 = arith.constant 0 : i32
        %dma_wait3A_2030 = tpu.memref_slice %arg4[%arg1, %dma_wait3A_2028, %dma_wait3A_2029] : memref<16x11x128xf32, #tpu.memory_space<hbm>> -> memref<1x11x128xf32, #tpu.memory_space<hbm>>
        %dma_wait3A_2031 = tpu.memref_squeeze %dma_wait3A_2030 : memref<1x11x128xf32, #tpu.memory_space<hbm>> -> memref<11x128xf32, #tpu.memory_space<hbm>>
        tpu.wait_dma2 semaphore(%run_scoped3A : memref<!tpu.dma_semaphore, #tpu.memory_space<semaphore_mem>>) src(%dma_wait3A_2031 : memref<11x128xf32, #tpu.memory_space<hbm>>) dst(%arg8 : memref<11x128xf32, #tpu.memory_space<vmem>>)
        tpu.yield
      }) : () -> ()
      %get3A = arith.constant 0 : i32
      %get3A_37 = arith.index_cast %get3A : i32 to index
      %get3A_38 = arith.constant 0 : index
      %get3A_39 = tpu.vector_load %arg6[%get3A_37, %get3A_38] {strides = array<i32>} : memref<11x128xi32, #tpu.memory_space<vmem>>, vector<1x16xi32>,
      %get3A_40 = vector.shape_cast %get3A_39 : vector<1x16xi32> to vector<16xi32>
      %mul3A_41 = arith.constant 2592 : i32
      %mul3A_42 = vector.broadcast %mul3A_41 : i32 to vector<16xi32>
      %mul3A_43 = arith.muli %get3A_40, %mul3A_42 : vector<16xi32>
      %get3A_44 = arith.constant 0 : i32
      %get3A_45 = arith.index_cast %get3A_44 : i32 to index
      %get3A_46 = arith.constant 0 : index
      %get3A_47 = tpu.vector_load %arg7[%get3A_45, %get3A_46] {strides = array<i32>} : memref<11x128xi32, #tpu.memory_space<vmem>>, vector<1x16xi32>,
      %get3A_48 = vector.shape_cast %get3A_47 : vector<1x16xi32> to vector<16xi32>
      %add3A_49 = arith.addi %mul3A_43, %get3A_48 : vector<16xi32>
      %swap3A = arith.constant 0 : i32
      %swap3A_50 = arith.index_cast %swap3A : i32 to index
      %swap3A_51 = arith.constant 0 : index
      %swap3A_52 = tpu.vector_load %arg9[%swap3A_50, %swap3A_51] {strides = array<i32>} : memref<11x128xi32, #tpu.memory_space<vmem>>, vector<1x16xi32>,
      %swap3A_53 = vector.shape_cast %swap3A_52 : vector<1x16xi32> to vector<16xi32>
      %swap3A_54 = vector.shape_cast %add3A_49 : vector<16xi32> to vector<1x16xi32>
      tpu.vector_store %arg9[%swap3A_50, %swap3A_51], %swap3A_54 {strides = array<i32>} : memref<11x128xi32, #tpu.memory_space<vmem>>, vector<1x16xi32>,
      %get3A_55 = arith.constant 0 : i32
      %get3A_56 = arith.index_cast %get3A_55 : i32 to index
      %get3A_57 = arith.constant 16 : index
      %get3A_58 = tpu.vector_load %arg6[%get3A_56, %get3A_57] {strides = array<i32>} : memref<11x128xi32, #tpu.memory_space<vmem>>, vector<1x16xi32>,
      %get3A_59 = vector.shape_cast %get3A_58 : vector<1x16xi32> to vector<16xi32>
      %mul3A_60 = arith.constant 2592 : i32
      %mul3A_61 = vector.broadcast %mul3A_60 : i32 to vector<16xi32>
      %mul3A_62 = arith.muli %get3A_59, %mul3A_61 : vector<16xi32>
      %get3A_63 = arith.constant 0 : i32
      %get3A_64 = arith.index_cast %get3A_63 : i32 to index
      %get3A_65 = arith.constant 16 : index
      %get3A_66 = tpu.vector_load %arg7[%get3A_64, %get3A_65] {strides = array<i32>} : memref<11x128xi32, #tpu.memory_space<vmem>>, vector<1x16xi32>,
      %get3A_67 = vector.shape_cast %get3A_66 : vector<1x16xi32> to vector<16xi32>
      %add3A_68 = arith.addi %mul3A_62, %get3A_67 : vector<16xi32>
      %swap3A_69 = arith.constant 0 : i32
      %swap3A_70 = arith.index_cast %swap3A_69 : i32 to index
      %swap3A_71 = arith.constant 16 : index
      %swap3A_72 = tpu.vector_load %arg9[%swap3A_70, %swap3A_71] {strides = array<i32>} : memref<11x128xi32, #tpu.memory_space<vmem>>, vector<1x16xi32>,
      %swap3A_73 = vector.shape_cast %swap3A_72 : vector<1x16xi32> to vector<16xi32>
      %swap3A_74 = vector.shape_cast %add3A_68 : vector<16xi32> to vector<1x16xi32>
      tpu.vector_store %arg9[%swap3A_70, %swap3A_71], %swap3A_74 {strides = array<i32>} : memref<11x128xi32, #tpu.memory_space<vmem>>, vector<1x16xi32>,
      %get3A_75 = arith.constant 0 : i32
      %get3A_76 = arith.index_cast %get3A_75 : i32 to index
      %get3A_77 = arith.constant 32 : index
      %get3A_78 = tpu.vector_load %arg6[%get3A_76, %get3A_77] {strides = array<i32>} : memref<11x128xi32, #tpu.memory_space<vmem>>, vector<1x16xi32>,
      %get3A_79 = vector.shape_cast %get3A_78 : vector<1x16xi32> to vector<16xi32>
      %mul3A_80 = arith.constant 2592 : i32
      %mul3A_81 = vector.broadcast %mul3A_80 : i32 to vector<16xi32>
      %mul3A_82 = arith.muli %get3A_79, %mul3A_81 : vector<16xi32>
      %get3A_83 = arith.constant 0 : i32
      %get3A_84 = arith.index_cast %get3A_83 : i32 to index
      %get3A_85 = arith.constant 32 : index
      %get3A_86 = tpu.vector_load %arg7[%get3A_84, %get3A_85] {strides = array<i32>} : memref<11x128xi32, #tpu.memory_space<vmem>>, vector<1x16xi32>,
      %get3A_87 = vector.shape_cast %get3A_86 : vector<1x16xi32> to vector<16xi32>
      %add3A_88 = arith.addi %mul3A_82, %get3A_87 : vector<16xi32>
      %swap3A_89 = arith.constant 0 : i32
      %swap3A_90 = arith.index_cast %swap3A_89 : i32 to index
      %swap3A_91 = arith.constant 32 : index
      %swap3A_92 = tpu.vector_load %arg9[%swap3A_90, %swap3A_91] {strides = array<i32>} : memref<11x128xi32, #tpu.memory_space<vmem>>, vector<1x16xi32>,
      %swap3A_93 = vector.shape_cast %swap3A_92 : vector<1x16xi32> to vector<16xi32>
      %swap3A_94 = vector.shape_cast %add3A_88 : vector<16xi32> to vector<1x16xi32>
      tpu.vector_store %arg9[%swap3A_90, %swap3A_91], %swap3A_94 {strides = array<i32>} : memref<11x128xi32, #tpu.memory_space<vmem>>, vector<1x16xi32>,
      %get3A_95 = arith.constant 0 : i32
      %get3A_96 = arith.index_cast %get3A_95 : i32 to index
      %get3A_97 = arith.constant 48 : index
      %get3A_98 = tpu.vector_load %arg6[%get3A_96, %get3A_97] {strides = array<i32>} : memref<11x128xi32, #tpu.memory_space<vmem>>, vector<1x16xi32>,
      %get3A_99 = vector.shape_cast %get3A_98 : vector<1x16xi32> to vector<16xi32>
      %mul3A_100 = arith.constant 2592 : i32
      %mul3A_101 = vector.broadcast %mul3A_100 : i32 to vector<16xi32>
      %mul3A_102 = arith.muli %get3A_99, %mul3A_101 : vector<16xi32>
      %get3A_103 = arith.constant 0 : i32
      %get3A_104 = arith.index_cast %get3A_103 : i32 to index
      %get3A_105 = arith.constant 48 : index
      %get3A_106 = tpu.vector_load %arg7[%get3A_104, %get3A_105] {strides = array<i32>} : memref<11x128xi32, #tpu.memory_space<vmem>>, vector<1x16xi32>,
      %get3A_107 = vector.shape_cast %get3A_106 : vector<1x16xi32> to vector<16xi32>
      %add3A_108 = arith.addi %mul3A_102, %get3A_107 : vector<16xi32>
      %swap3A_109 = arith.constant 0 : i32
      %swap3A_110 = arith.index_cast %swap3A_109 : i32 to index
      %swap3A_111 = arith.constant 48 : index
      %swap3A_112 = tpu.vector_load %arg9[%swap3A_110, %swap3A_111] {strides = array<i32>} : memref<11x128xi32, #tpu.memory_space<vmem>>, vector<1x16xi32>,
      %swap3A_113 = vector.shape_cast %swap3A_112 : vector<1x16xi32> to vector<16xi32>
      %swap3A_114 = vector.shape_cast %add3A_108 : vector<16xi32> to vector<1x16xi32>
      tpu.vector_store %arg9[%swap3A_110, %swap3A_111], %swap3A_114 {strides = array<i32>} : memref<11x128xi32, #tpu.memory_space<vmem>>, vector<1x16xi32>,
      %get3A_115 = arith.constant 0 : i32
      %get3A_116 = arith.index_cast %get3A_115 : i32 to index
      %get3A_117 = arith.constant 64 : index
      %get3A_118 = tpu.vector_load %arg6[%get3A_116, %get3A_117] {strides = array<i32>} : memref<11x128xi32, #tpu.memory_space<vmem>>, vector<1x16xi32>,
      %get3A_119 = vector.shape_cast %get3A_118 : vector<1x16xi32> to vector<16xi32>
      %mul3A_120 = arith.constant 2592 : i32
      %mul3A_121 = vector.broadcast %mul3A_120 : i32 to vector<16xi32>
      %mul3A_122 = arith.muli %get3A_119, %mul3A_121 : vector<16xi32>
      %get3A_123 = arith.constant 0 : i32
      %get3A_124 = arith.index_cast %get3A_123 : i32 to index
      %get3A_125 = arith.constant 64 : index
      %get3A_126 = tpu.vector_load %arg7[%get3A_124, %get3A_125] {strides = array<i32>} : memref<11x128xi32, #tpu.memory_space<vmem>>, vector<1x16xi32>,
      %get3A_127 = vector.shape_cast %get3A_126 : vector<1x16xi32> to vector<16xi32>
      %add3A_128 = arith.addi %mul3A_122, %get3A_127 : vector<16xi32>
      %swap3A_129 = arith.constant 0 : i32
      %swap3A_130 = arith.index_cast %swap3A_129 : i32 to index
      %swap3A_131 = arith.constant 64 : index
      %swap3A_132 = tpu.vector_load %arg9[%swap3A_130, %swap3A_131] {strides = array<i32>} : memref<11x128xi32, #tpu.memory_space<vmem>>, vector<1x16xi32>,
      %swap3A_133 = vector.shape_cast %swap3A_132 : vector<1x16xi32> to vector<16xi32>
      %swap3A_134 = vector.shape_cast %add3A_128 : vector<16xi32> to vector<1x16xi32>
      tpu.vector_store %arg9[%swap3A_130, %swap3A_131], %swap3A_134 {strides = array<i32>} : memref<11x128xi32, #tpu.memory_space<vmem>>, vector<1x16xi32>,
      %get3A_135 = arith.constant 0 : i32
      %get3A_136 = arith.index_cast %get3A_135 : i32 to index
      %get3A_137 = arith.constant 80 : index
      %get3A_138 = tpu.vector_load %arg6[%get3A_136, %get3A_137] {strides = array<i32>} : memref<11x128xi32, #tpu.memory_space<vmem>>, vector<1x16xi32>,
      %get3A_139 = vector.shape_cast %get3A_138 : vector<1x16xi32> to vector<16xi32>
      %mul3A_140 = arith.constant 2592 : i32
      %mul3A_141 = vector.broadcast %mul3A_140 : i32 to vector<16xi32>
      %mul3A_142 = arith.muli %get3A_139, %mul3A_141 : vector<16xi32>
      %get3A_143 = arith.constant 0 : i32
      %get3A_144 = arith.index_cast %get3A_143 : i32 to index
      %get3A_145 = arith.constant 80 : index
      %get3A_146 = tpu.vector_load %arg7[%get3A_144, %get3A_145] {strides = array<i32>} : memref<11x128xi32, #tpu.memory_space<vmem>>, vector<1x16xi32>,
      %get3A_147 = vector.shape_cast %get3A_146 : vector<1x16xi32> to vector<16xi32>
      %add3A_148 = arith.addi %mul3A_142, %get3A_147 : vector<16xi32>
      %swap3A_149 = arith.constant 0 : i32
      %swap3A_150 = arith.index_cast %swap3A_149 : i32 to index
      %swap3A_151 = arith.constant 80 : index
      %swap3A_152 = tpu.vector_load %arg9[%swap3A_150, %swap3A_151] {strides = array<i32>} : memref<11x128xi32, #tpu.memory_space<vmem>>, vector<1x16xi32>,
      %swap3A_153 = vector.shape_cast %swap3A_152 : vector<1x16xi32> to vector<16xi32>
      %swap3A_154 = vector.shape_cast %add3A_148 : vector<16xi32> to vector<1x16xi32>
      tpu.vector_store %arg9[%swap3A_150, %swap3A_151], %swap3A_154 {strides = array<i32>} : memref<11x128xi32, #tpu.memory_space<vmem>>, vector<1x16xi32>,
      %get3A_155 = arith.constant 0 : i32
      %get3A_156 = arith.index_cast %get3A_155 : i32 to index
      %get3A_157 = arith.constant 96 : index
      %get3A_158 = tpu.vector_load %arg6[%get3A_156, %get3A_157] {strides = array<i32>} : memref<11x128xi32, #tpu.memory_space<vmem>>, vector<1x16xi32>,
      %get3A_159 = vector.shape_cast %get3A_158 : vector<1x16xi32> to vector<16xi32>
      %mul3A_160 = arith.constant 2592 : i32
      %mul3A_161 = vector.broadcast %mul3A_160 : i32 to vector<16xi32>
      %mul3A_162 = arith.muli %get3A_159, %mul3A_161 : vector<16xi32>
      %get3A_163 = arith.constant 0 : i32
      %get3A_164 = arith.index_cast %get3A_163 : i32 to index
      %get3A_165 = arith.constant 96 : index
      %get3A_166 = tpu.vector_load %arg7[%get3A_164, %get3A_165] {strides = array<i32>} : memref<11x128xi32, #tpu.memory_space<vmem>>, vector<1x16xi32>,
      %get3A_167 = vector.shape_cast %get3A_166 : vector<1x16xi32> to vector<16xi32>
      %add3A_168 = arith.addi %mul3A_162, %get3A_167 : vector<16xi32>
      %swap3A_169 = arith.constant 0 : i32
      %swap3A_170 = arith.index_cast %swap3A_169 : i32 to index
      %swap3A_171 = arith.constant 96 : index
      %swap3A_172 = tpu.vector_load %arg9[%swap3A_170, %swap3A_171] {strides = array<i32>} : memref<11x128xi32, #tpu.memory_space<vmem>>, vector<1x16xi32>,
      %swap3A_173 = vector.shape_cast %swap3A_172 : vector<1x16xi32> to vector<16xi32>
      %swap3A_174 = vector.shape_cast %add3A_168 : vector<16xi32> to vector<1x16xi32>
      tpu.vector_store %arg9[%swap3A_170, %swap3A_171], %swap3A_174 {strides = array<i32>} : memref<11x128xi32, #tpu.memory_space<vmem>>, vector<1x16xi32>,
      %get3A_175 = arith.constant 0 : i32
      %get3A_176 = arith.index_cast %get3A_175 : i32 to index
      %get3A_177 = arith.constant 112 : index
      %get3A_178 = tpu.vector_load %arg6[%get3A_176, %get3A_177] {strides = array<i32>} : memref<11x128xi32, #tpu.memory_space<vmem>>, vector<1x16xi32>,
      %get3A_179 = vector.shape_cast %get3A_178 : vector<1x16xi32> to vector<16xi32>
      %mul3A_180 = arith.constant 2592 : i32
      %mul3A_181 = vector.broadcast %mul3A_180 : i32 to vector<16xi32>
      %mul3A_182 = arith.muli %get3A_179, %mul3A_181 : vector<16xi32>
      %get3A_183 = arith.constant 0 : i32
      %get3A_184 = arith.index_cast %get3A_183 : i32 to index
      %get3A_185 = arith.constant 112 : index
      %get3A_186 = tpu.vector_load %arg7[%get3A_184, %get3A_185] {strides = array<i32>} : memref<11x128xi32, #tpu.memory_space<vmem>>, vector<1x16xi32>,
      %get3A_187 = vector.shape_cast %get3A_186 : vector<1x16xi32> to vector<16xi32>
      %add3A_188 = arith.addi %mul3A_182, %get3A_187 : vector<16xi32>
      %swap3A_189 = arith.constant 0 : i32
      %swap3A_190 = arith.index_cast %swap3A_189 : i32 to index
      %swap3A_191 = arith.constant 112 : index
      %swap3A_192 = tpu.vector_load %arg9[%swap3A_190, %swap3A_191] {strides = array<i32>} : memref<11x128xi32, #tpu.memory_space<vmem>>, vector<1x16xi32>,
      %swap3A_193 = vector.shape_cast %swap3A_192 : vector<1x16xi32> to vector<16xi32>
      %swap3A_194 = vector.shape_cast %add3A_188 : vector<16xi32> to vector<1x16xi32>
      tpu.vector_store %arg9[%swap3A_190, %swap3A_191], %swap3A_194 {strides = array<i32>} : memref<11x128xi32, #tpu.memory_space<vmem>>, vector<1x16xi32>,
      %get3A_195 = arith.constant 1 : i32
      %get3A_196 = arith.index_cast %get3A_195 : i32 to index
      %get3A_197 = arith.constant 0 : index
      %get3A_198 = tpu.vector_load %arg6[%get3A_196, %get3A_197] {strides = array<i32>} : memref<11x128xi32, #tpu.memory_space<vmem>>, vector<1x16xi32>,
      %get3A_199 = vector.shape_cast %get3A_198 : vector<1x16xi32> to vector<16xi32>
      %mul3A_200 = arith.constant 2592 : i32
      %mul3A_201 = vector.broadcast %mul3A_200 : i32 to vector<16xi32>
      %mul3A_202 = arith.muli %get3A_199, %mul3A_201 : vector<16xi32>
      %get3A_203 = arith.constant 1 : i32
      %get3A_204 = arith.index_cast %get3A_203 : i32 to index
      %get3A_205 = arith.constant 0 : index
      %get3A_206 = tpu.vector_load %arg7[%get3A_204, %get3A_205] {strides = array<i32>} : memref<11x128xi32, #tpu.memory_space<vmem>>, vector<1x16xi32>,
      %get3A_207 = vector.shape_cast %get3A_206 : vector<1x16xi32> to vector<16xi32>
      %add3A_208 = arith.addi %mul3A_202, %get3A_207 : vector<16xi32>
      %swap3A_209 = arith.constant 1 : i32
      %swap3A_210 = arith.index_cast %swap3A_209 : i32 to index
      %swap3A_211 = arith.constant 0 : index
      %swap3A_212 = tpu.vector_load %arg9[%swap3A_210, %swap3A_211] {strides = array<i32>} : memref<11x128xi32, #tpu.memory_space<vmem>>, vector<1x16xi32>,
      %swap3A_213 = vector.shape_cast %swap3A_212 : vector<1x16xi32> to vector<16xi32>
      %swap3A_214 = vector.shape_cast %add3A_208 : vector<16xi32> to vector<1x16xi32>
      tpu.vector_store %arg9[%swap3A_210, %swap3A_211], %swap3A_214 {strides = array<i32>} : memref<11x128xi32, #tpu.memory_space<vmem>>, vector<1x16xi32>,
      %get3A_215 = arith.constant 1 : i32
      %get3A_216 = arith.index_cast %get3A_215 : i32 to index
      %get3A_217 = arith.constant 16 : index
      %get3A_218 = tpu.vector_load %arg6[%get3A_216, %get3A_217] {strides = array<i32>} : memref<11x128xi32, #tpu.memory_space<vmem>>, vector<1x16xi32>,
      %get3A_219 = vector.shape_cast %get3A_218 : vector<1x16xi32> to vector<16xi32>
      %mul3A_220 = arith.constant 2592 : i32
      %mul3A_221 = vector.broadcast %mul3A_220 : i32 to vector<16xi32>
      %mul3A_222 = arith.muli %get3A_219, %mul3A_221 : vector<16xi32>
      %get3A_223 = arith.constant 1 : i32
      %get3A_224 = arith.index_cast %get3A_223 : i32 to index
      %get3A_225 = arith.constant 16 : index
      %get3A_226 = tpu.vector_load %arg7[%get3A_224, %get3A_225] {strides = array<i32>} : memref<11x128xi32, #tpu.memory_space<vmem>>, vector<1x16xi32>,
      %get3A_227 = vector.shape_cast %get3A_226 : vector<1x16xi32> to vector<16xi32>
      %add3A_228 = arith.addi %mul3A_222, %get3A_227 : vector<16xi32>
      %swap3A_229 = arith.constant 1 : i32
      %swap3A_230 = arith.index_cast %swap3A_229 : i32 to index
      %swap3A_231 = arith.constant 16 : index
      %swap3A_232 = tpu.vector_load %arg9[%swap3A_230, %swap3A_231] {strides = array<i32>} : memref<11x128xi32, #tpu.memory_space<vmem>>, vector<1x16xi32>,
      %swap3A_233 = vector.shape_cast %swap3A_232 : vector<1x16xi32> to vector<16xi32>
      %swap3A_234 = vector.shape_cast %add3A_228 : vector<16xi32> to vector<1x16xi32>
      tpu.vector_store %arg9[%swap3A_230, %swap3A_231], %swap3A_234 {strides = array<i32>} : memref<11x128xi32, #tpu.memory_space<vmem>>, vector<1x16xi32>,
      %get3A_235 = arith.constant 1 : i32
      %get3A_236 = arith.index_cast %get3A_235 : i32 to index
      %get3A_237 = arith.constant 32 : index
      %get3A_238 = tpu.vector_load %arg6[%get3A_236, %get3A_237] {strides = array<i32>} : memref<11x128xi32, #tpu.memory_space<vmem>>, vector<1x16xi32>,
      %get3A_239 = vector.shape_cast %get3A_238 : vector<1x16xi32> to vector<16xi32>
      %mul3A_240 = arith.constant 2592 : i32
      %mul3A_241 = vector.broadcast %mul3A_240 : i32 to vector<16xi32>
      %mul3A_242 = arith.muli %get3A_239, %mul3A_241 : vector<16xi32>
      %get3A_243 = arith.constant 1 : i32
      %get3A_244 = arith.index_cast %get3A_243 : i32 to index
      %get3A_245 = arith.constant 32 : index
      %get3A_246 = tpu.vector_load %arg7[%get3A_244, %get3A_245] {strides = array<i32>} : memref<11x128xi32, #tpu.memory_space<vmem>>, vector<1x16xi32>,
      %get3A_247 = vector.shape_cast %get3A_246 : vector<1x16xi32> to vector<16xi32>
      %add3A_248 = arith.addi %mul3A_242, %get3A_247 : vector<16xi32>
      %swap3A_249 = arith.constant 1 : i32
      %swap3A_250 = arith.index_cast %swap3A_249 : i32 to index
      %swap3A_251 = arith.constant 32 : index
      %swap3A_252 = tpu.vector_load %arg9[%swap3A_250, %swap3A_251] {strides = array<i32>} : memref<11x128xi32, #tpu.memory_space<vmem>>, vector<1x16xi32>,
      %swap3A_253 = vector.shape_cast %swap3A_252 : vector<1x16xi32> to vector<16xi32>
      %swap3A_254 = vector.shape_cast %add3A_248 : vector<16xi32> to vector<1x16xi32>
      tpu.vector_store %arg9[%swap3A_250, %swap3A_251], %swap3A_254 {strides = array<i32>} : memref<11x128xi32, #tpu.memory_space<vmem>>, vector<1x16xi32>,
      %get3A_255 = arith.constant 1 : i32
      %get3A_256 = arith.index_cast %get3A_255 : i32 to index
      %get3A_257 = arith.constant 48 : index
      %get3A_258 = tpu.vector_load %arg6[%get3A_256, %get3A_257] {strides = array<i32>} : memref<11x128xi32, #tpu.memory_space<vmem>>, vector<1x16xi32>,
      %get3A_259 = vector.shape_cast %get3A_258 : vector<1x16xi32> to vector<16xi32>
      %mul3A_260 = arith.constant 2592 : i32
      %mul3A_261 = vector.broadcast %mul3A_260 : i32 to vector<16xi32>
      %mul3A_262 = arith.muli %get3A_259, %mul3A_261 : vector<16xi32>
      %get3A_263 = arith.constant 1 : i32
      %get3A_264 = arith.index_cast %get3A_263 : i32 to index
      %get3A_265 = arith.constant 48 : index
      %get3A_266 = tpu.vector_load %arg7[%get3A_264, %get3A_265] {strides = array<i32>} : memref<11x128xi32, #tpu.memory_space<vmem>>, vector<1x16xi32>,
      %get3A_267 = vector.shape_cast %get3A_266 : vector<1x16xi32> to vector<16xi32>
      %add3A_268 = arith.addi %mul3A_262, %get3A_267 : vector<16xi32>
      %swap3A_269 = arith.constant 1 : i32
      %swap3A_270 = arith.index_cast %swap3A_269 : i32 to index
      %swap3A_271 = arith.constant 48 : index
      %swap3A_272 = tpu.vector_load %arg9[%swap3A_270, %swap3A_271] {strides = array<i32>} : memref<11x128xi32, #tpu.memory_space<vmem>>, vector<1x16xi32>,
      %swap3A_273 = vector.shape_cast %swap3A_272 : vector<1x16xi32> to vector<16xi32>
      %swap3A_274 = vector.shape_cast %add3A_268 : vector<16xi32> to vector<1x16xi32>
      tpu.vector_store %arg9[%swap3A_270, %swap3A_271], %swap3A_274 {strides = array<i32>} : memref<11x128xi32, #tpu.memory_space<vmem>>, vector<1x16xi32>,
      %get3A_275 = arith.constant 1 : i32
      %get3A_276 = arith.index_cast %get3A_275 : i32 to index
      %get3A_277 = arith.constant 64 : index
      %get3A_278 = tpu.vector_load %arg6[%get3A_276, %get3A_277] {strides = array<i32>} : memref<11x128xi32, #tpu.memory_space<vmem>>, vector<1x16xi32>,
      %get3A_279 = vector.shape_cast %get3A_278 : vector<1x16xi32> to vector<16xi32>
      %mul3A_280 = arith.constant 2592 : i32
      %mul3A_281 = vector.broadcast %mul3A_280 : i32 to vector<16xi32>
      %mul3A_282 = arith.muli %get3A_279, %mul3A_281 : vector<16xi32>
      %get3A_283 = arith.constant 1 : i32
      %get3A_284 = arith.index_cast %get3A_283 : i32 to index
      %get3A_285 = arith.constant 64 : index
      %get3A_286 = tpu.vector_load %arg7[%get3A_284, %get3A_285] {strides = array<i32>} : memref<11x128xi32, #tpu.memory_space<vmem>>, vector<1x16xi32>,
      %get3A_287 = vector.shape_cast %get3A_286 : vector<1x16xi32> to vector<16xi32>
      %add3A_288 = arith.addi %mul3A_282, %get3A_287 : vector<16xi32>
      %swap3A_289 = arith.constant 1 : i32
      %swap3A_290 = arith.index_cast %swap3A_289 : i32 to index
      %swap3A_291 = arith.constant 64 : index
      %swap3A_292 = tpu.vector_load %arg9[%swap3A_290, %swap3A_291] {strides = array<i32>} : memref<11x128xi32, #tpu.memory_space<vmem>>, vector<1x16xi32>,
      %swap3A_293 = vector.shape_cast %swap3A_292 : vector<1x16xi32> to vector<16xi32>
      %swap3A_294 = vector.shape_cast %add3A_288 : vector<16xi32> to vector<1x16xi32>
      tpu.vector_store %arg9[%swap3A_290, %swap3A_291], %swap3A_294 {strides = array<i32>} : memref<11x128xi32, #tpu.memory_space<vmem>>, vector<1x16xi32>,
      %get3A_295 = arith.constant 1 : i32
      %get3A_296 = arith.index_cast %get3A_295 : i32 to index
      %get3A_297 = arith.constant 80 : index
      %get3A_298 = tpu.vector_load %arg6[%get3A_296, %get3A_297] {strides = array<i32>} : memref<11x128xi32, #tpu.memory_space<vmem>>, vector<1x16xi32>,
      %get3A_299 = vector.shape_cast %get3A_298 : vector<1x16xi32> to vector<16xi32>
      %mul3A_300 = arith.constant 2592 : i32
      %mul3A_301 = vector.broadcast %mul3A_300 : i32 to vector<16xi32>
      %mul3A_302 = arith.muli %get3A_299, %mul3A_301 : vector<16xi32>
      %get3A_303 = arith.constant 1 : i32
      %get3A_304 = arith.index_cast %get3A_303 : i32 to index
      %get3A_305 = arith.constant 80 : index
      %get3A_306 = tpu.vector_load %arg7[%get3A_304, %get3A_305] {strides = array<i32>} : memref<11x128xi32, #tpu.memory_space<vmem>>, vector<1x16xi32>,
      %get3A_307 = vector.shape_cast %get3A_306 : vector<1x16xi32> to vector<16xi32>
      %add3A_308 = arith.addi %mul3A_302, %get3A_307 : vector<16xi32>
      %swap3A_309 = arith.constant 1 : i32
      %swap3A_310 = arith.index_cast %swap3A_309 : i32 to index
      %swap3A_311 = arith.constant 80 : index
      %swap3A_312 = tpu.vector_load %arg9[%swap3A_310, %swap3A_311] {strides = array<i32>} : memref<11x128xi32, #tpu.memory_space<vmem>>, vector<1x16xi32>,
      %swap3A_313 = vector.shape_cast %swap3A_312 : vector<1x16xi32> to vector<16xi32>
      %swap3A_314 = vector.shape_cast %add3A_308 : vector<16xi32> to vector<1x16xi32>
      tpu.vector_store %arg9[%swap3A_310, %swap3A_311], %swap3A_314 {strides = array<i32>} : memref<11x128xi32, #tpu.memory_space<vmem>>, vector<1x16xi32>,
      %get3A_315 = arith.constant 1 : i32
      %get3A_316 = arith.index_cast %get3A_315 : i32 to index
      %get3A_317 = arith.constant 96 : index
      %get3A_318 = tpu.vector_load %arg6[%get3A_316, %get3A_317] {strides = array<i32>} : memref<11x128xi32, #tpu.memory_space<vmem>>, vector<1x16xi32>,
      %get3A_319 = vector.shape_cast %get3A_318 : vector<1x16xi32> to vector<16xi32>
      %mul3A_320 = arith.constant 2592 : i32
      %mul3A_321 = vector.broadcast %mul3A_320 : i32 to vector<16xi32>
      %mul3A_322 = arith.muli %get3A_319, %mul3A_321 : vector<16xi32>
      %get3A_323 = arith.constant 1 : i32
      %get3A_324 = arith.index_cast %get3A_323 : i32 to index
      %get3A_325 = arith.constant 96 : index
      %get3A_326 = tpu.vector_load %arg7[%get3A_324, %get3A_325] {strides = array<i32>} : memref<11x128xi32, #tpu.memory_space<vmem>>, vector<1x16xi32>,
      %get3A_327 = vector.shape_cast %get3A_326 : vector<1x16xi32> to vector<16xi32>
      %add3A_328 = arith.addi %mul3A_322, %get3A_327 : vector<16xi32>
      %swap3A_329 = arith.constant 1 : i32
      %swap3A_330 = arith.index_cast %swap3A_329 : i32 to index
      %swap3A_331 = arith.constant 96 : index
      %swap3A_332 = tpu.vector_load %arg9[%swap3A_330, %swap3A_331] {strides = array<i32>} : memref<11x128xi32, #tpu.memory_space<vmem>>, vector<1x16xi32>,
      %swap3A_333 = vector.shape_cast %swap3A_332 : vector<1x16xi32> to vector<16xi32>
      %swap3A_334 = vector.shape_cast %add3A_328 : vector<16xi32> to vector<1x16xi32>
      tpu.vector_store %arg9[%swap3A_330, %swap3A_331], %swap3A_334 {strides = array<i32>} : memref<11x128xi32, #tpu.memory_space<vmem>>, vector<1x16xi32>,
      %get3A_335 = arith.constant 1 : i32
      %get3A_336 = arith.index_cast %get3A_335 : i32 to index
      %get3A_337 = arith.constant 112 : index
      %get3A_338 = tpu.vector_load %arg6[%get3A_336, %get3A_337] {strides = array<i32>} : memref<11x128xi32, #tpu.memory_space<vmem>>, vector<1x16xi32>,
      %get3A_339 = vector.shape_cast %get3A_338 : vector<1x16xi32> to vector<16xi32>
      %mul3A_340 = arith.constant 2592 : i32
      %mul3A_341 = vector.broadcast %mul3A_340 : i32 to vector<16xi32>
      %mul3A_342 = arith.muli %get3A_339, %mul3A_341 : vector<16xi32>
      %get3A_343 = arith.constant 1 : i32
      %get3A_344 = arith.index_cast %get3A_343 : i32 to index
      %get3A_345 = arith.constant 112 : index
      %get3A_346 = tpu.vector_load %arg7[%get3A_344, %get3A_345] {strides = array<i32>} : memref<11x128xi32, #tpu.memory_space<vmem>>, vector<1x16xi32>,
      %get3A_347 = vector.shape_cast %get3A_346 : vector<1x16xi32> to vector<16xi32>
      %add3A_348 = arith.addi %mul3A_342, %get3A_347 : vector<16xi32>
      %swap3A_349 = arith.constant 1 : i32
      %swap3A_350 = arith.index_cast %swap3A_349 : i32 to index
      %swap3A_351 = arith.constant 112 : index
      %swap3A_352 = tpu.vector_load %arg9[%swap3A_350, %swap3A_351] {strides = array<i32>} : memref<11x128xi32, #tpu.memory_space<vmem>>, vector<1x16xi32>,
      %swap3A_353 = vector.shape_cast %swap3A_352 : vector<1x16xi32> to vector<16xi32>
      %swap3A_354 = vector.shape_cast %add3A_348 : vector<16xi32> to vector<1x16xi32>
      tpu.vector_store %arg9[%swap3A_350, %swap3A_351], %swap3A_354 {strides = array<i32>} : memref<11x128xi32, #tpu.memory_space<vmem>>, vector<1x16xi32>,
      %get3A_355 = arith.constant 2 : i32
      %get3A_356 = arith.index_cast %get3A_355 : i32 to index
      %get3A_357 = arith.constant 0 : index
      %get3A_358 = tpu.vector_load %arg6[%get3A_356, %get3A_357] {strides = array<i32>} : memref<11x128xi32, #tpu.memory_space<vmem>>, vector<1x16xi32>,
      %get3A_359 = vector.shape_cast %get3A_358 : vector<1x16xi32> to vector<16xi32>
      %mul3A_360 = arith.constant 2592 : i32
      %mul3A_361 = vector.broadcast %mul3A_360 : i32 to vector<16xi32>
      %mul3A_362 = arith.muli %get3A_359, %mul3A_361 : vector<16xi32>
      %get3A_363 = arith.constant 2 : i32
      %get3A_364 = arith.index_cast %get3A_363 : i32 to index
      %get3A_365 = arith.constant 0 : index
      %get3A_366 = tpu.vector_load %arg7[%get3A_364, %get3A_365] {strides = array<i32>} : memref<11x128xi32, #tpu.memory_space<vmem>>, vector<1x16xi32>,
      %get3A_367 = vector.shape_cast %get3A_366 : vector<1x16xi32> to vector<16xi32>
      %add3A_368 = arith.addi %mul3A_362, %get3A_367 : vector<16xi32>
      %swap3A_369 = arith.constant 2 : i32
      %swap3A_370 = arith.index_cast %swap3A_369 : i32 to index
      %swap3A_371 = arith.constant 0 : index
      %swap3A_372 = tpu.vector_load %arg9[%swap3A_370, %swap3A_371] {strides = array<i32>} : memref<11x128xi32, #tpu.memory_space<vmem>>, vector<1x16xi32>,
      %swap3A_373 = vector.shape_cast %swap3A_372 : vector<1x16xi32> to vector<16xi32>
      %swap3A_374 = vector.shape_cast %add3A_368 : vector<16xi32> to vector<1x16xi32>
      tpu.vector_store %arg9[%swap3A_370, %swap3A_371], %swap3A_374 {strides = array<i32>} : memref<11x128xi32, #tpu.memory_space<vmem>>, vector<1x16xi32>,
      %get3A_375 = arith.constant 2 : i32
      %get3A_376 = arith.index_cast %get3A_375 : i32 to index
      %get3A_377 = arith.constant 16 : index
      %get3A_378 = tpu.vector_load %arg6[%get3A_376, %get3A_377] {strides = array<i32>} : memref<11x128xi32, #tpu.memory_space<vmem>>, vector<1x16xi32>,
      %get3A_379 = vector.shape_cast %get3A_378 : vector<1x16xi32> to vector<16xi32>
      %mul3A_380 = arith.constant 2592 : i32
      %mul3A_381 = vector.broadcast %mul3A_380 : i32 to vector<16xi32>
      %mul3A_382 = arith.muli %get3A_379, %mul3A_381 : vector<16xi32>
      %get3A_383 = arith.constant 2 : i32
      %get3A_384 = arith.index_cast %get3A_383 : i32 to index
      %get3A_385 = arith.constant 16 : index
      %get3A_386 = tpu.vector_load %arg7[%get3A_384, %get3A_385] {strides = array<i32>} : memref<11x128xi32, #tpu.memory_space<vmem>>, vector<1x16xi32>,
      %get3A_387 = vector.shape_cast %get3A_386 : vector<1x16xi32> to vector<16xi32>
      %add3A_388 = arith.addi %mul3A_382, %get3A_387 : vector<16xi32>
      %swap3A_389 = arith.constant 2 : i32
      %swap3A_390 = arith.index_cast %swap3A_389 : i32 to index
      %swap3A_391 = arith.constant 16 : index
      %swap3A_392 = tpu.vector_load %arg9[%swap3A_390, %swap3A_391] {strides = array<i32>} : memref<11x128xi32, #tpu.memory_space<vmem>>, vector<1x16xi32>,
      %swap3A_393 = vector.shape_cast %swap3A_392 : vector<1x16xi32> to vector<16xi32>
      %swap3A_394 = vector.shape_cast %add3A_388 : vector<16xi32> to vector<1x16xi32>
      tpu.vector_store %arg9[%swap3A_390, %swap3A_391], %swap3A_394 {strides = array<i32>} : memref<11x128xi32, #tpu.memory_space<vmem>>, vector<1x16xi32>,
      %get3A_395 = arith.constant 2 : i32
      %get3A_396 = arith.index_cast %get3A_395 : i32 to index
      %get3A_397 = arith.constant 32 : index
      %get3A_398 = tpu.vector_load %arg6[%get3A_396, %get3A_397] {strides = array<i32>} : memref<11x128xi32, #tpu.memory_space<vmem>>, vector<1x16xi32>,
      %get3A_399 = vector.shape_cast %get3A_398 : vector<1x16xi32> to vector<16xi32>
      %mul3A_400 = arith.constant 2592 : i32
      %mul3A_401 = vector.broadcast %mul3A_400 : i32 to vector<16xi32>
      %mul3A_402 = arith.muli %get3A_399, %mul3A_401 : vector<16xi32>
      %get3A_403 = arith.constant 2 : i32
      %get3A_404 = arith.index_cast %get3A_403 : i32 to index
      %get3A_405 = arith.constant 32 : index
      %get3A_406 = tpu.vector_load %arg7[%get3A_404, %get3A_405] {strides = array<i32>} : memref<11x128xi32, #tpu.memory_space<vmem>>, vector<1x16xi32>,
      %get3A_407 = vector.shape_cast %get3A_406 : vector<1x16xi32> to vector<16xi32>
      %add3A_408 = arith.addi %mul3A_402, %get3A_407 : vector<16xi32>
      %swap3A_409 = arith.constant 2 : i32
      %swap3A_410 = arith.index_cast %swap3A_409 : i32 to index
      %swap3A_411 = arith.constant 32 : index
      %swap3A_412 = tpu.vector_load %arg9[%swap3A_410, %swap3A_411] {strides = array<i32>} : memref<11x128xi32, #tpu.memory_space<vmem>>, vector<1x16xi32>,
      %swap3A_413 = vector.shape_cast %swap3A_412 : vector<1x16xi32> to vector<16xi32>
      %swap3A_414 = vector.shape_cast %add3A_408 : vector<16xi32> to vector<1x16xi32>
      tpu.vector_store %arg9[%swap3A_410, %swap3A_411], %swap3A_414 {strides = array<i32>} : memref<11x128xi32, #tpu.memory_space<vmem>>, vector<1x16xi32>,
      %get3A_415 = arith.constant 2 : i32
      %get3A_416 = arith.index_cast %get3A_415 : i32 to index
      %get3A_417 = arith.constant 48 : index
      %get3A_418 = tpu.vector_load %arg6[%get3A_416, %get3A_417] {strides = array<i32>} : memref<11x128xi32, #tpu.memory_space<vmem>>, vector<1x16xi32>,
      %get3A_419 = vector.shape_cast %get3A_418 : vector<1x16xi32> to vector<16xi32>
      %mul3A_420 = arith.constant 2592 : i32
      %mul3A_421 = vector.broadcast %mul3A_420 : i32 to vector<16xi32>
      %mul3A_422 = arith.muli %get3A_419, %mul3A_421 : vector<16xi32>
      %get3A_423 = arith.constant 2 : i32
      %get3A_424 = arith.index_cast %get3A_423 : i32 to index
      %get3A_425 = arith.constant 48 : index
      %get3A_426 = tpu.vector_load %arg7[%get3A_424, %get3A_425] {strides = array<i32>} : memref<11x128xi32, #tpu.memory_space<vmem>>, vector<1x16xi32>,
      %get3A_427 = vector.shape_cast %get3A_426 : vector<1x16xi32> to vector<16xi32>
      %add3A_428 = arith.addi %mul3A_422, %get3A_427 : vector<16xi32>
      %swap3A_429 = arith.constant 2 : i32
      %swap3A_430 = arith.index_cast %swap3A_429 : i32 to index
      %swap3A_431 = arith.constant 48 : index
      %swap3A_432 = tpu.vector_load %arg9[%swap3A_430, %swap3A_431] {strides = array<i32>} : memref<11x128xi32, #tpu.memory_space<vmem>>, vector<1x16xi32>,
      %swap3A_433 = vector.shape_cast %swap3A_432 : vector<1x16xi32> to vector<16xi32>
      %swap3A_434 = vector.shape_cast %add3A_428 : vector<16xi32> to vector<1x16xi32>
      tpu.vector_store %arg9[%swap3A_430, %swap3A_431], %swap3A_434 {strides = array<i32>} : memref<11x128xi32, #tpu.memory_space<vmem>>, vector<1x16xi32>,
      %get3A_435 = arith.constant 2 : i32
      %get3A_436 = arith.index_cast %get3A_435 : i32 to index
      %get3A_437 = arith.constant 64 : index
      %get3A_438 = tpu.vector_load %arg6[%get3A_436, %get3A_437] {strides = array<i32>} : memref<11x128xi32, #tpu.memory_space<vmem>>, vector<1x16xi32>,
      %get3A_439 = vector.shape_cast %get3A_438 : vector<1x16xi32> to vector<16xi32>
      %mul3A_440 = arith.constant 2592 : i32
      %mul3A_441 = vector.broadcast %mul3A_440 : i32 to vector<16xi32>
      %mul3A_442 = arith.muli %get3A_439, %mul3A_441 : vector<16xi32>
      %get3A_443 = arith.constant 2 : i32
      %get3A_444 = arith.index_cast %get3A_443 : i32 to index
      %get3A_445 = arith.constant 64 : index
      %get3A_446 = tpu.vector_load %arg7[%get3A_444, %get3A_445] {strides = array<i32>} : memref<11x128xi32, #tpu.memory_space<vmem>>, vector<1x16xi32>,
      %get3A_447 = vector.shape_cast %get3A_446 : vector<1x16xi32> to vector<16xi32>
      %add3A_448 = arith.addi %mul3A_442, %get3A_447 : vector<16xi32>
      %swap3A_449 = arith.constant 2 : i32
      %swap3A_450 = arith.index_cast %swap3A_449 : i32 to index
      %swap3A_451 = arith.constant 64 : index
      %swap3A_452 = tpu.vector_load %arg9[%swap3A_450, %swap3A_451] {strides = array<i32>} : memref<11x128xi32, #tpu.memory_space<vmem>>, vector<1x16xi32>,
      %swap3A_453 = vector.shape_cast %swap3A_452 : vector<1x16xi32> to vector<16xi32>
      %swap3A_454 = vector.shape_cast %add3A_448 : vector<16xi32> to vector<1x16xi32>
      tpu.vector_store %arg9[%swap3A_450, %swap3A_451], %swap3A_454 {strides = array<i32>} : memref<11x128xi32, #tpu.memory_space<vmem>>, vector<1x16xi32>,
      %get3A_455 = arith.constant 2 : i32
      %get3A_456 = arith.index_cast %get3A_455 : i32 to index
      %get3A_457 = arith.constant 80 : index
      %get3A_458 = tpu.vector_load %arg6[%get3A_456, %get3A_457] {strides = array<i32>} : memref<11x128xi32, #tpu.memory_space<vmem>>, vector<1x16xi32>,
      %get3A_459 = vector.shape_cast %get3A_458 : vector<1x16xi32> to vector<16xi32>
      %mul3A_460 = arith.constant 2592 : i32
      %mul3A_461 = vector.broadcast %mul3A_460 : i32 to vector<16xi32>
      %mul3A_462 = arith.muli %get3A_459, %mul3A_461 : vector<16xi32>
      %get3A_463 = arith.constant 2 : i32
      %get3A_464 = arith.index_cast %get3A_463 : i32 to index
      %get3A_465 = arith.constant 80 : index
      %get3A_466 = tpu.vector_load %arg7[%get3A_464, %get3A_465] {strides = array<i32>} : memref<11x128xi32, #tpu.memory_space<vmem>>, vector<1x16xi32>,
      %get3A_467 = vector.shape_cast %get3A_466 : vector<1x16xi32> to vector<16xi32>
      %add3A_468 = arith.addi %mul3A_462, %get3A_467 : vector<16xi32>
      %swap3A_469 = arith.constant 2 : i32
      %swap3A_470 = arith.index_cast %swap3A_469 : i32 to index
      %swap3A_471 = arith.constant 80 : index
      %swap3A_472 = tpu.vector_load %arg9[%swap3A_470, %swap3A_471] {strides = array<i32>} : memref<11x128xi32, #tpu.memory_space<vmem>>, vector<1x16xi32>,
      %swap3A_473 = vector.shape_cast %swap3A_472 : vector<1x16xi32> to vector<16xi32>
      %swap3A_474 = vector.shape_cast %add3A_468 : vector<16xi32> to vector<1x16xi32>
      tpu.vector_store %arg9[%swap3A_470, %swap3A_471], %swap3A_474 {strides = array<i32>} : memref<11x128xi32, #tpu.memory_space<vmem>>, vector<1x16xi32>,
      %get3A_475 = arith.constant 2 : i32
      %get3A_476 = arith.index_cast %get3A_475 : i32 to index
      %get3A_477 = arith.constant 96 : index
      %get3A_478 = tpu.vector_load %arg6[%get3A_476, %get3A_477] {strides = array<i32>} : memref<11x128xi32, #tpu.memory_space<vmem>>, vector<1x16xi32>,
      %get3A_479 = vector.shape_cast %get3A_478 : vector<1x16xi32> to vector<16xi32>
      %mul3A_480 = arith.constant 2592 : i32
      %mul3A_481 = vector.broadcast %mul3A_480 : i32 to vector<16xi32>
      %mul3A_482 = arith.muli %get3A_479, %mul3A_481 : vector<16xi32>
      %get3A_483 = arith.constant 2 : i32
      %get3A_484 = arith.index_cast %get3A_483 : i32 to index
      %get3A_485 = arith.constant 96 : index
      %get3A_486 = tpu.vector_load %arg7[%get3A_484, %get3A_485] {strides = array<i32>} : memref<11x128xi32, #tpu.memory_space<vmem>>, vector<1x16xi32>,
      %get3A_487 = vector.shape_cast %get3A_486 : vector<1x16xi32> to vector<16xi32>
      %add3A_488 = arith.addi %mul3A_482, %get3A_487 : vector<16xi32>
      %swap3A_489 = arith.constant 2 : i32
      %swap3A_490 = arith.index_cast %swap3A_489 : i32 to index
      %swap3A_491 = arith.constant 96 : index
      %swap3A_492 = tpu.vector_load %arg9[%swap3A_490, %swap3A_491] {strides = array<i32>} : memref<11x128xi32, #tpu.memory_space<vmem>>, vector<1x16xi32>,
      %swap3A_493 = vector.shape_cast %swap3A_492 : vector<1x16xi32> to vector<16xi32>
      %swap3A_494 = vector.shape_cast %add3A_488 : vector<16xi32> to vector<1x16xi32>
      tpu.vector_store %arg9[%swap3A_490, %swap3A_491], %swap3A_494 {strides = array<i32>} : memref<11x128xi32, #tpu.memory_space<vmem>>, vector<1x16xi32>,
      %get3A_495 = arith.constant 2 : i32
      %get3A_496 = arith.index_cast %get3A_495 : i32 to index
      %get3A_497 = arith.constant 112 : index
      %get3A_498 = tpu.vector_load %arg6[%get3A_496, %get3A_497] {strides = array<i32>} : memref<11x128xi32, #tpu.memory_space<vmem>>, vector<1x16xi32>,
      %get3A_499 = vector.shape_cast %get3A_498 : vector<1x16xi32> to vector<16xi32>
      %mul3A_500 = arith.constant 2592 : i32
      %mul3A_501 = vector.broadcast %mul3A_500 : i32 to vector<16xi32>
      %mul3A_502 = arith.muli %get3A_499, %mul3A_501 : vector<16xi32>
      %get3A_503 = arith.constant 2 : i32
      %get3A_504 = arith.index_cast %get3A_503 : i32 to index
      %get3A_505 = arith.constant 112 : index
      %get3A_506 = tpu.vector_load %arg7[%get3A_504, %get3A_505] {strides = array<i32>} : memref<11x128xi32, #tpu.memory_space<vmem>>, vector<1x16xi32>,
      %get3A_507 = vector.shape_cast %get3A_506 : vector<1x16xi32> to vector<16xi32>
      %add3A_508 = arith.addi %mul3A_502, %get3A_507 : vector<16xi32>
      %swap3A_509 = arith.constant 2 : i32
      %swap3A_510 = arith.index_cast %swap3A_509 : i32 to index
      %swap3A_511 = arith.constant 112 : index
      %swap3A_512 = tpu.vector_load %arg9[%swap3A_510, %swap3A_511] {strides = array<i32>} : memref<11x128xi32, #tpu.memory_space<vmem>>, vector<1x16xi32>,
      %swap3A_513 = vector.shape_cast %swap3A_512 : vector<1x16xi32> to vector<16xi32>
      %swap3A_514 = vector.shape_cast %add3A_508 : vector<16xi32> to vector<1x16xi32>
      tpu.vector_store %arg9[%swap3A_510, %swap3A_511], %swap3A_514 {strides = array<i32>} : memref<11x128xi32, #tpu.memory_space<vmem>>, vector<1x16xi32>,
      %get3A_515 = arith.constant 3 : i32
      %get3A_516 = arith.index_cast %get3A_515 : i32 to index
      %get3A_517 = arith.constant 0 : index
      %get3A_518 = tpu.vector_load %arg6[%get3A_516, %get3A_517] {strides = array<i32>} : memref<11x128xi32, #tpu.memory_space<vmem>>, vector<1x16xi32>,
      %get3A_519 = vector.shape_cast %get3A_518 : vector<1x16xi32> to vector<16xi32>
      %mul3A_520 = arith.constant 2592 : i32
      %mul3A_521 = vector.broadcast %mul3A_520 : i32 to vector<16xi32>
      %mul3A_522 = arith.muli %get3A_519, %mul3A_521 : vector<16xi32>
      %get3A_523 = arith.constant 3 : i32
      %get3A_524 = arith.index_cast %get3A_523 : i32 to index
      %get3A_525 = arith.constant 0 : index
      %get3A_526 = tpu.vector_load %arg7[%get3A_524, %get3A_525] {strides = array<i32>} : memref<11x128xi32, #tpu.memory_space<vmem>>, vector<1x16xi32>,
      %get3A_527 = vector.shape_cast %get3A_526 : vector<1x16xi32> to vector<16xi32>
      %add3A_528 = arith.addi %mul3A_522, %get3A_527 : vector<16xi32>
      %swap3A_529 = arith.constant 3 : i32
      %swap3A_530 = arith.index_cast %swap3A_529 : i32 to index
      %swap3A_531 = arith.constant 0 : index
      %swap3A_532 = tpu.vector_load %arg9[%swap3A_530, %swap3A_531] {strides = array<i32>} : memref<11x128xi32, #tpu.memory_space<vmem>>, vector<1x16xi32>,
      %swap3A_533 = vector.shape_cast %swap3A_532 : vector<1x16xi32> to vector<16xi32>
      %swap3A_534 = vector.shape_cast %add3A_528 : vector<16xi32> to vector<1x16xi32>
      tpu.vector_store %arg9[%swap3A_530, %swap3A_531], %swap3A_534 {strides = array<i32>} : memref<11x128xi32, #tpu.memory_space<vmem>>, vector<1x16xi32>,
      %get3A_535 = arith.constant 3 : i32
      %get3A_536 = arith.index_cast %get3A_535 : i32 to index
      %get3A_537 = arith.constant 16 : index
      %get3A_538 = tpu.vector_load %arg6[%get3A_536, %get3A_537] {strides = array<i32>} : memref<11x128xi32, #tpu.memory_space<vmem>>, vector<1x16xi32>,
      %get3A_539 = vector.shape_cast %get3A_538 : vector<1x16xi32> to vector<16xi32>
      %mul3A_540 = arith.constant 2592 : i32
      %mul3A_541 = vector.broadcast %mul3A_540 : i32 to vector<16xi32>
      %mul3A_542 = arith.muli %get3A_539, %mul3A_541 : vector<16xi32>
      %get3A_543 = arith.constant 3 : i32
      %get3A_544 = arith.index_cast %get3A_543 : i32 to index
      %get3A_545 = arith.constant 16 : index
      %get3A_546 = tpu.vector_load %arg7[%get3A_544, %get3A_545] {strides = array<i32>} : memref<11x128xi32, #tpu.memory_space<vmem>>, vector<1x16xi32>,
      %get3A_547 = vector.shape_cast %get3A_546 : vector<1x16xi32> to vector<16xi32>
      %add3A_548 = arith.addi %mul3A_542, %get3A_547 : vector<16xi32>
      %swap3A_549 = arith.constant 3 : i32
      %swap3A_550 = arith.index_cast %swap3A_549 : i32 to index
      %swap3A_551 = arith.constant 16 : index
      %swap3A_552 = tpu.vector_load %arg9[%swap3A_550, %swap3A_551] {strides = array<i32>} : memref<11x128xi32, #tpu.memory_space<vmem>>, vector<1x16xi32>,
      %swap3A_553 = vector.shape_cast %swap3A_552 : vector<1x16xi32> to vector<16xi32>
      %swap3A_554 = vector.shape_cast %add3A_548 : vector<16xi32> to vector<1x16xi32>
      tpu.vector_store %arg9[%swap3A_550, %swap3A_551], %swap3A_554 {strides = array<i32>} : memref<11x128xi32, #tpu.memory_space<vmem>>, vector<1x16xi32>,
      %get3A_555 = arith.constant 3 : i32
      %get3A_556 = arith.index_cast %get3A_555 : i32 to index
      %get3A_557 = arith.constant 32 : index
      %get3A_558 = tpu.vector_load %arg6[%get3A_556, %get3A_557] {strides = array<i32>} : memref<11x128xi32, #tpu.memory_space<vmem>>, vector<1x16xi32>,
      %get3A_559 = vector.shape_cast %get3A_558 : vector<1x16xi32> to vector<16xi32>
      %mul3A_560 = arith.constant 2592 : i32
      %mul3A_561 = vector.broadcast %mul3A_560 : i32 to vector<16xi32>
      %mul3A_562 = arith.muli %get3A_559, %mul3A_561 : vector<16xi32>
      %get3A_563 = arith.constant 3 : i32
      %get3A_564 = arith.index_cast %get3A_563 : i32 to index
      %get3A_565 = arith.constant 32 : index
      %get3A_566 = tpu.vector_load %arg7[%get3A_564, %get3A_565] {strides = array<i32>} : memref<11x128xi32, #tpu.memory_space<vmem>>, vector<1x16xi32>,
      %get3A_567 = vector.shape_cast %get3A_566 : vector<1x16xi32> to vector<16xi32>
      %add3A_568 = arith.addi %mul3A_562, %get3A_567 : vector<16xi32>
      %swap3A_569 = arith.constant 3 : i32
      %swap3A_570 = arith.index_cast %swap3A_569 : i32 to index
      %swap3A_571 = arith.constant 32 : index
      %swap3A_572 = tpu.vector_load %arg9[%swap3A_570, %swap3A_571] {strides = array<i32>} : memref<11x128xi32, #tpu.memory_space<vmem>>, vector<1x16xi32>,
      %swap3A_573 = vector.shape_cast %swap3A_572 : vector<1x16xi32> to vector<16xi32>
      %swap3A_574 = vector.shape_cast %add3A_568 : vector<16xi32> to vector<1x16xi32>
      tpu.vector_store %arg9[%swap3A_570, %swap3A_571], %swap3A_574 {strides = array<i32>} : memref<11x128xi32, #tpu.memory_space<vmem>>, vector<1x16xi32>,
      %get3A_575 = arith.constant 3 : i32
      %get3A_576 = arith.index_cast %get3A_575 : i32 to index
      %get3A_577 = arith.constant 48 : index
      %get3A_578 = tpu.vector_load %arg6[%get3A_576, %get3A_577] {strides = array<i32>} : memref<11x128xi32, #tpu.memory_space<vmem>>, vector<1x16xi32>,
      %get3A_579 = vector.shape_cast %get3A_578 : vector<1x16xi32> to vector<16xi32>
      %mul3A_580 = arith.constant 2592 : i32
      %mul3A_581 = vector.broadcast %mul3A_580 : i32 to vector<16xi32>
      %mul3A_582 = arith.muli %get3A_579, %mul3A_581 : vector<16xi32>
      %get3A_583 = arith.constant 3 : i32
      %get3A_584 = arith.index_cast %get3A_583 : i32 to index
      %get3A_585 = arith.constant 48 : index
      %get3A_586 = tpu.vector_load %arg7[%get3A_584, %get3A_585] {strides = array<i32>} : memref<11x128xi32, #tpu.memory_space<vmem>>, vector<1x16xi32>,
      %get3A_587 = vector.shape_cast %get3A_586 : vector<1x16xi32> to vector<16xi32>
      %add3A_588 = arith.addi %mul3A_582, %get3A_587 : vector<16xi32>
      %swap3A_589 = arith.constant 3 : i32
      %swap3A_590 = arith.index_cast %swap3A_589 : i32 to index
      %swap3A_591 = arith.constant 48 : index
      %swap3A_592 = tpu.vector_load %arg9[%swap3A_590, %swap3A_591] {strides = array<i32>} : memref<11x128xi32, #tpu.memory_space<vmem>>, vector<1x16xi32>,
      %swap3A_593 = vector.shape_cast %swap3A_592 : vector<1x16xi32> to vector<16xi32>
      %swap3A_594 = vector.shape_cast %add3A_588 : vector<16xi32> to vector<1x16xi32>
      tpu.vector_store %arg9[%swap3A_590, %swap3A_591], %swap3A_594 {strides = array<i32>} : memref<11x128xi32, #tpu.memory_space<vmem>>, vector<1x16xi32>,
      %get3A_595 = arith.constant 3 : i32
      %get3A_596 = arith.index_cast %get3A_595 : i32 to index
      %get3A_597 = arith.constant 64 : index
      %get3A_598 = tpu.vector_load %arg6[%get3A_596, %get3A_597] {strides = array<i32>} : memref<11x128xi32, #tpu.memory_space<vmem>>, vector<1x16xi32>,
      %get3A_599 = vector.shape_cast %get3A_598 : vector<1x16xi32> to vector<16xi32>
      %mul3A_600 = arith.constant 2592 : i32
      %mul3A_601 = vector.broadcast %mul3A_600 : i32 to vector<16xi32>
      %mul3A_602 = arith.muli %get3A_599, %mul3A_601 : vector<16xi32>
      %get3A_603 = arith.constant 3 : i32
      %get3A_604 = arith.index_cast %get3A_603 : i32 to index
      %get3A_605 = arith.constant 64 : index
      %get3A_606 = tpu.vector_load %arg7[%get3A_604, %get3A_605] {strides = array<i32>} : memref<11x128xi32, #tpu.memory_space<vmem>>, vector<1x16xi32>,
      %get3A_607 = vector.shape_cast %get3A_606 : vector<1x16xi32> to vector<16xi32>
      %add3A_608 = arith.addi %mul3A_602, %get3A_607 : vector<16xi32>
      %swap3A_609 = arith.constant 3 : i32
      %swap3A_610 = arith.index_cast %swap3A_609 : i32 to index
      %swap3A_611 = arith.constant 64 : index
      %swap3A_612 = tpu.vector_load %arg9[%swap3A_610, %swap3A_611] {strides = array<i32>} : memref<11x128xi32, #tpu.memory_space<vmem>>, vector<1x16xi32>,
      %swap3A_613 = vector.shape_cast %swap3A_612 : vector<1x16xi32> to vector<16xi32>
      %swap3A_614 = vector.shape_cast %add3A_608 : vector<16xi32> to vector<1x16xi32>
      tpu.vector_store %arg9[%swap3A_610, %swap3A_611], %swap3A_614 {strides = array<i32>} : memref<11x128xi32, #tpu.memory_space<vmem>>, vector<1x16xi32>,
      %get3A_615 = arith.constant 3 : i32
      %get3A_616 = arith.index_cast %get3A_615 : i32 to index
      %get3A_617 = arith.constant 80 : index
      %get3A_618 = tpu.vector_load %arg6[%get3A_616, %get3A_617] {strides = array<i32>} : memref<11x128xi32, #tpu.memory_space<vmem>>, vector<1x16xi32>,
      %get3A_619 = vector.shape_cast %get3A_618 : vector<1x16xi32> to vector<16xi32>
      %mul3A_620 = arith.constant 2592 : i32
      %mul3A_621 = vector.broadcast %mul3A_620 : i32 to vector<16xi32>
      %mul3A_622 = arith.muli %get3A_619, %mul3A_621 : vector<16xi32>
      %get3A_623 = arith.constant 3 : i32
      %get3A_624 = arith.index_cast %get3A_623 : i32 to index
      %get3A_625 = arith.constant 80 : index
      %get3A_626 = tpu.vector_load %arg7[%get3A_624, %get3A_625] {strides = array<i32>} : memref<11x128xi32, #tpu.memory_space<vmem>>, vector<1x16xi32>,
      %get3A_627 = vector.shape_cast %get3A_626 : vector<1x16xi32> to vector<16xi32>
      %add3A_628 = arith.addi %mul3A_622, %get3A_627 : vector<16xi32>
      %swap3A_629 = arith.constant 3 : i32
      %swap3A_630 = arith.index_cast %swap3A_629 : i32 to index
      %swap3A_631 = arith.constant 80 : index
      %swap3A_632 = tpu.vector_load %arg9[%swap3A_630, %swap3A_631] {strides = array<i32>} : memref<11x128xi32, #tpu.memory_space<vmem>>, vector<1x16xi32>,
      %swap3A_633 = vector.shape_cast %swap3A_632 : vector<1x16xi32> to vector<16xi32>
      %swap3A_634 = vector.shape_cast %add3A_628 : vector<16xi32> to vector<1x16xi32>
      tpu.vector_store %arg9[%swap3A_630, %swap3A_631], %swap3A_634 {strides = array<i32>} : memref<11x128xi32, #tpu.memory_space<vmem>>, vector<1x16xi32>,
      %get3A_635 = arith.constant 3 : i32
      %get3A_636 = arith.index_cast %get3A_635 : i32 to index
      %get3A_637 = arith.constant 96 : index
      %get3A_638 = tpu.vector_load %arg6[%get3A_636, %get3A_637] {strides = array<i32>} : memref<11x128xi32, #tpu.memory_space<vmem>>, vector<1x16xi32>,
      %get3A_639 = vector.shape_cast %get3A_638 : vector<1x16xi32> to vector<16xi32>
      %mul3A_640 = arith.constant 2592 : i32
      %mul3A_641 = vector.broadcast %mul3A_640 : i32 to vector<16xi32>
      %mul3A_642 = arith.muli %get3A_639, %mul3A_641 : vector<16xi32>
      %get3A_643 = arith.constant 3 : i32
      %get3A_644 = arith.index_cast %get3A_643 : i32 to index
      %get3A_645 = arith.constant 96 : index
      %get3A_646 = tpu.vector_load %arg7[%get3A_644, %get3A_645] {strides = array<i32>} : memref<11x128xi32, #tpu.memory_space<vmem>>, vector<1x16xi32>,
      %get3A_647 = vector.shape_cast %get3A_646 : vector<1x16xi32> to vector<16xi32>
      %add3A_648 = arith.addi %mul3A_642, %get3A_647 : vector<16xi32>
      %swap3A_649 = arith.constant 3 : i32
      %swap3A_650 = arith.index_cast %swap3A_649 : i32 to index
      %swap3A_651 = arith.constant 96 : index
      %swap3A_652 = tpu.vector_load %arg9[%swap3A_650, %swap3A_651] {strides = array<i32>} : memref<11x128xi32, #tpu.memory_space<vmem>>, vector<1x16xi32>,
      %swap3A_653 = vector.shape_cast %swap3A_652 : vector<1x16xi32> to vector<16xi32>
      %swap3A_654 = vector.shape_cast %add3A_648 : vector<16xi32> to vector<1x16xi32>
      tpu.vector_store %arg9[%swap3A_650, %swap3A_651], %swap3A_654 {strides = array<i32>} : memref<11x128xi32, #tpu.memory_space<vmem>>, vector<1x16xi32>,
      %get3A_655 = arith.constant 3 : i32
      %get3A_656 = arith.index_cast %get3A_655 : i32 to index
      %get3A_657 = arith.constant 112 : index
      %get3A_658 = tpu.vector_load %arg6[%get3A_656, %get3A_657] {strides = array<i32>} : memref<11x128xi32, #tpu.memory_space<vmem>>, vector<1x16xi32>,
      %get3A_659 = vector.shape_cast %get3A_658 : vector<1x16xi32> to vector<16xi32>
      %mul3A_660 = arith.constant 2592 : i32
      %mul3A_661 = vector.broadcast %mul3A_660 : i32 to vector<16xi32>
      %mul3A_662 = arith.muli %get3A_659, %mul3A_661 : vector<16xi32>
      %get3A_663 = arith.constant 3 : i32
      %get3A_664 = arith.index_cast %get3A_663 : i32 to index
      %get3A_665 = arith.constant 112 : index
      %get3A_666 = tpu.vector_load %arg7[%get3A_664, %get3A_665] {strides = array<i32>} : memref<11x128xi32, #tpu.memory_space<vmem>>, vector<1x16xi32>,
      %get3A_667 = vector.shape_cast %get3A_666 : vector<1x16xi32> to vector<16xi32>
      %add3A_668 = arith.addi %mul3A_662, %get3A_667 : vector<16xi32>
      %swap3A_669 = arith.constant 3 : i32
      %swap3A_670 = arith.index_cast %swap3A_669 : i32 to index
      %swap3A_671 = arith.constant 112 : index
      %swap3A_672 = tpu.vector_load %arg9[%swap3A_670, %swap3A_671] {strides = array<i32>} : memref<11x128xi32, #tpu.memory_space<vmem>>, vector<1x16xi32>,
      %swap3A_673 = vector.shape_cast %swap3A_672 : vector<1x16xi32> to vector<16xi32>
      %swap3A_674 = vector.shape_cast %add3A_668 : vector<16xi32> to vector<1x16xi32>
      tpu.vector_store %arg9[%swap3A_670, %swap3A_671], %swap3A_674 {strides = array<i32>} : memref<11x128xi32, #tpu.memory_space<vmem>>, vector<1x16xi32>,
      %get3A_675 = arith.constant 4 : i32
      %get3A_676 = arith.index_cast %get3A_675 : i32 to index
      %get3A_677 = arith.constant 0 : index
      %get3A_678 = tpu.vector_load %arg6[%get3A_676, %get3A_677] {strides = array<i32>} : memref<11x128xi32, #tpu.memory_space<vmem>>, vector<1x16xi32>,
      %get3A_679 = vector.shape_cast %get3A_678 : vector<1x16xi32> to vector<16xi32>
      %mul3A_680 = arith.constant 2592 : i32
      %mul3A_681 = vector.broadcast %mul3A_680 : i32 to vector<16xi32>
      %mul3A_682 = arith.muli %get3A_679, %mul3A_681 : vector<16xi32>
      %get3A_683 = arith.constant 4 : i32
      %get3A_684 = arith.index_cast %get3A_683 : i32 to index
      %get3A_685 = arith.constant 0 : index
      %get3A_686 = tpu.vector_load %arg7[%get3A_684, %get3A_685] {strides = array<i32>} : memref<11x128xi32, #tpu.memory_space<vmem>>, vector<1x16xi32>,
      %get3A_687 = vector.shape_cast %get3A_686 : vector<1x16xi32> to vector<16xi32>
      %add3A_688 = arith.addi %mul3A_682, %get3A_687 : vector<16xi32>
      %swap3A_689 = arith.constant 4 : i32
      %swap3A_690 = arith.index_cast %swap3A_689 : i32 to index
      %swap3A_691 = arith.constant 0 : index
      %swap3A_692 = tpu.vector_load %arg9[%swap3A_690, %swap3A_691] {strides = array<i32>} : memref<11x128xi32, #tpu.memory_space<vmem>>, vector<1x16xi32>,
      %swap3A_693 = vector.shape_cast %swap3A_692 : vector<1x16xi32> to vector<16xi32>
      %swap3A_694 = vector.shape_cast %add3A_688 : vector<16xi32> to vector<1x16xi32>
      tpu.vector_store %arg9[%swap3A_690, %swap3A_691], %swap3A_694 {strides = array<i32>} : memref<11x128xi32, #tpu.memory_space<vmem>>, vector<1x16xi32>,
      %get3A_695 = arith.constant 4 : i32
      %get3A_696 = arith.index_cast %get3A_695 : i32 to index
      %get3A_697 = arith.constant 16 : index
      %get3A_698 = tpu.vector_load %arg6[%get3A_696, %get3A_697] {strides = array<i32>} : memref<11x128xi32, #tpu.memory_space<vmem>>, vector<1x16xi32>,
      %get3A_699 = vector.shape_cast %get3A_698 : vector<1x16xi32> to vector<16xi32>
      %mul3A_700 = arith.constant 2592 : i32
      %mul3A_701 = vector.broadcast %mul3A_700 : i32 to vector<16xi32>
      %mul3A_702 = arith.muli %get3A_699, %mul3A_701 : vector<16xi32>
      %get3A_703 = arith.constant 4 : i32
      %get3A_704 = arith.index_cast %get3A_703 : i32 to index
      %get3A_705 = arith.constant 16 : index
      %get3A_706 = tpu.vector_load %arg7[%get3A_704, %get3A_705] {strides = array<i32>} : memref<11x128xi32, #tpu.memory_space<vmem>>, vector<1x16xi32>,
      %get3A_707 = vector.shape_cast %get3A_706 : vector<1x16xi32> to vector<16xi32>
      %add3A_708 = arith.addi %mul3A_702, %get3A_707 : vector<16xi32>
      %swap3A_709 = arith.constant 4 : i32
      %swap3A_710 = arith.index_cast %swap3A_709 : i32 to index
      %swap3A_711 = arith.constant 16 : index
      %swap3A_712 = tpu.vector_load %arg9[%swap3A_710, %swap3A_711] {strides = array<i32>} : memref<11x128xi32, #tpu.memory_space<vmem>>, vector<1x16xi32>,
      %swap3A_713 = vector.shape_cast %swap3A_712 : vector<1x16xi32> to vector<16xi32>
      %swap3A_714 = vector.shape_cast %add3A_708 : vector<16xi32> to vector<1x16xi32>
      tpu.vector_store %arg9[%swap3A_710, %swap3A_711], %swap3A_714 {strides = array<i32>} : memref<11x128xi32, #tpu.memory_space<vmem>>, vector<1x16xi32>,
      %get3A_715 = arith.constant 4 : i32
      %get3A_716 = arith.index_cast %get3A_715 : i32 to index
      %get3A_717 = arith.constant 32 : index
      %get3A_718 = tpu.vector_load %arg6[%get3A_716, %get3A_717] {strides = array<i32>} : memref<11x128xi32, #tpu.memory_space<vmem>>, vector<1x16xi32>,
      %get3A_719 = vector.shape_cast %get3A_718 : vector<1x16xi32> to vector<16xi32>
      %mul3A_720 = arith.constant 2592 : i32
      %mul3A_721 = vector.broadcast %mul3A_720 : i32 to vector<16xi32>
      %mul3A_722 = arith.muli %get3A_719, %mul3A_721 : vector<16xi32>
      %get3A_723 = arith.constant 4 : i32
      %get3A_724 = arith.index_cast %get3A_723 : i32 to index
      %get3A_725 = arith.constant 32 : index
      %get3A_726 = tpu.vector_load %arg7[%get3A_724, %get3A_725] {strides = array<i32>} : memref<11x128xi32, #tpu.memory_space<vmem>>, vector<1x16xi32>,
      %get3A_727 = vector.shape_cast %get3A_726 : vector<1x16xi32> to vector<16xi32>
      %add3A_728 = arith.addi %mul3A_722, %get3A_727 : vector<16xi32>
      %swap3A_729 = arith.constant 4 : i32
      %swap3A_730 = arith.index_cast %swap3A_729 : i32 to index
      %swap3A_731 = arith.constant 32 : index
      %swap3A_732 = tpu.vector_load %arg9[%swap3A_730, %swap3A_731] {strides = array<i32>} : memref<11x128xi32, #tpu.memory_space<vmem>>, vector<1x16xi32>,
      %swap3A_733 = vector.shape_cast %swap3A_732 : vector<1x16xi32> to vector<16xi32>
      %swap3A_734 = vector.shape_cast %add3A_728 : vector<16xi32> to vector<1x16xi32>
      tpu.vector_store %arg9[%swap3A_730, %swap3A_731], %swap3A_734 {strides = array<i32>} : memref<11x128xi32, #tpu.memory_space<vmem>>, vector<1x16xi32>,
      %get3A_735 = arith.constant 4 : i32
      %get3A_736 = arith.index_cast %get3A_735 : i32 to index
      %get3A_737 = arith.constant 48 : index
      %get3A_738 = tpu.vector_load %arg6[%get3A_736, %get3A_737] {strides = array<i32>} : memref<11x128xi32, #tpu.memory_space<vmem>>, vector<1x16xi32>,
      %get3A_739 = vector.shape_cast %get3A_738 : vector<1x16xi32> to vector<16xi32>
      %mul3A_740 = arith.constant 2592 : i32
      %mul3A_741 = vector.broadcast %mul3A_740 : i32 to vector<16xi32>
      %mul3A_742 = arith.muli %get3A_739, %mul3A_741 : vector<16xi32>
      %get3A_743 = arith.constant 4 : i32
      %get3A_744 = arith.index_cast %get3A_743 : i32 to index
      %get3A_745 = arith.constant 48 : index
      %get3A_746 = tpu.vector_load %arg7[%get3A_744, %get3A_745] {strides = array<i32>} : memref<11x128xi32, #tpu.memory_space<vmem>>, vector<1x16xi32>,
      %get3A_747 = vector.shape_cast %get3A_746 : vector<1x16xi32> to vector<16xi32>
      %add3A_748 = arith.addi %mul3A_742, %get3A_747 : vector<16xi32>
      %swap3A_749 = arith.constant 4 : i32
      %swap3A_750 = arith.index_cast %swap3A_749 : i32 to index
      %swap3A_751 = arith.constant 48 : index
      %swap3A_752 = tpu.vector_load %arg9[%swap3A_750, %swap3A_751] {strides = array<i32>} : memref<11x128xi32, #tpu.memory_space<vmem>>, vector<1x16xi32>,
      %swap3A_753 = vector.shape_cast %swap3A_752 : vector<1x16xi32> to vector<16xi32>
      %swap3A_754 = vector.shape_cast %add3A_748 : vector<16xi32> to vector<1x16xi32>
      tpu.vector_store %arg9[%swap3A_750, %swap3A_751], %swap3A_754 {strides = array<i32>} : memref<11x128xi32, #tpu.memory_space<vmem>>, vector<1x16xi32>,
      %get3A_755 = arith.constant 4 : i32
      %get3A_756 = arith.index_cast %get3A_755 : i32 to index
      %get3A_757 = arith.constant 64 : index
      %get3A_758 = tpu.vector_load %arg6[%get3A_756, %get3A_757] {strides = array<i32>} : memref<11x128xi32, #tpu.memory_space<vmem>>, vector<1x16xi32>,
      %get3A_759 = vector.shape_cast %get3A_758 : vector<1x16xi32> to vector<16xi32>
      %mul3A_760 = arith.constant 2592 : i32
      %mul3A_761 = vector.broadcast %mul3A_760 : i32 to vector<16xi32>
      %mul3A_762 = arith.muli %get3A_759, %mul3A_761 : vector<16xi32>
      %get3A_763 = arith.constant 4 : i32
      %get3A_764 = arith.index_cast %get3A_763 : i32 to index
      %get3A_765 = arith.constant 64 : index
      %get3A_766 = tpu.vector_load %arg7[%get3A_764, %get3A_765] {strides = array<i32>} : memref<11x128xi32, #tpu.memory_space<vmem>>, vector<1x16xi32>,
      %get3A_767 = vector.shape_cast %get3A_766 : vector<1x16xi32> to vector<16xi32>
      %add3A_768 = arith.addi %mul3A_762, %get3A_767 : vector<16xi32>
      %swap3A_769 = arith.constant 4 : i32
      %swap3A_770 = arith.index_cast %swap3A_769 : i32 to index
      %swap3A_771 = arith.constant 64 : index
      %swap3A_772 = tpu.vector_load %arg9[%swap3A_770, %swap3A_771] {strides = array<i32>} : memref<11x128xi32, #tpu.memory_space<vmem>>, vector<1x16xi32>,
      %swap3A_773 = vector.shape_cast %swap3A_772 : vector<1x16xi32> to vector<16xi32>
      %swap3A_774 = vector.shape_cast %add3A_768 : vector<16xi32> to vector<1x16xi32>
      tpu.vector_store %arg9[%swap3A_770, %swap3A_771], %swap3A_774 {strides = array<i32>} : memref<11x128xi32, #tpu.memory_space<vmem>>, vector<1x16xi32>,
      %get3A_775 = arith.constant 4 : i32
      %get3A_776 = arith.index_cast %get3A_775 : i32 to index
      %get3A_777 = arith.constant 80 : index
      %get3A_778 = tpu.vector_load %arg6[%get3A_776, %get3A_777] {strides = array<i32>} : memref<11x128xi32, #tpu.memory_space<vmem>>, vector<1x16xi32>,
      %get3A_779 = vector.shape_cast %get3A_778 : vector<1x16xi32> to vector<16xi32>
      %mul3A_780 = arith.constant 2592 : i32
      %mul3A_781 = vector.broadcast %mul3A_780 : i32 to vector<16xi32>
      %mul3A_782 = arith.muli %get3A_779, %mul3A_781 : vector<16xi32>
      %get3A_783 = arith.constant 4 : i32
      %get3A_784 = arith.index_cast %get3A_783 : i32 to index
      %get3A_785 = arith.constant 80 : index
      %get3A_786 = tpu.vector_load %arg7[%get3A_784, %get3A_785] {strides = array<i32>} : memref<11x128xi32, #tpu.memory_space<vmem>>, vector<1x16xi32>,
      %get3A_787 = vector.shape_cast %get3A_786 : vector<1x16xi32> to vector<16xi32>
      %add3A_788 = arith.addi %mul3A_782, %get3A_787 : vector<16xi32>
      %swap3A_789 = arith.constant 4 : i32
      %swap3A_790 = arith.index_cast %swap3A_789 : i32 to index
      %swap3A_791 = arith.constant 80 : index
      %swap3A_792 = tpu.vector_load %arg9[%swap3A_790, %swap3A_791] {strides = array<i32>} : memref<11x128xi32, #tpu.memory_space<vmem>>, vector<1x16xi32>,
      %swap3A_793 = vector.shape_cast %swap3A_792 : vector<1x16xi32> to vector<16xi32>
      %swap3A_794 = vector.shape_cast %add3A_788 : vector<16xi32> to vector<1x16xi32>
      tpu.vector_store %arg9[%swap3A_790, %swap3A_791], %swap3A_794 {strides = array<i32>} : memref<11x128xi32, #tpu.memory_space<vmem>>, vector<1x16xi32>,
      %get3A_795 = arith.constant 4 : i32
      %get3A_796 = arith.index_cast %get3A_795 : i32 to index
      %get3A_797 = arith.constant 96 : index
      %get3A_798 = tpu.vector_load %arg6[%get3A_796, %get3A_797] {strides = array<i32>} : memref<11x128xi32, #tpu.memory_space<vmem>>, vector<1x16xi32>,
      %get3A_799 = vector.shape_cast %get3A_798 : vector<1x16xi32> to vector<16xi32>
      %mul3A_800 = arith.constant 2592 : i32
      %mul3A_801 = vector.broadcast %mul3A_800 : i32 to vector<16xi32>
      %mul3A_802 = arith.muli %get3A_799, %mul3A_801 : vector<16xi32>
      %get3A_803 = arith.constant 4 : i32
      %get3A_804 = arith.index_cast %get3A_803 : i32 to index
      %get3A_805 = arith.constant 96 : index
      %get3A_806 = tpu.vector_load %arg7[%get3A_804, %get3A_805] {strides = array<i32>} : memref<11x128xi32, #tpu.memory_space<vmem>>, vector<1x16xi32>,
      %get3A_807 = vector.shape_cast %get3A_806 : vector<1x16xi32> to vector<16xi32>
      %add3A_808 = arith.addi %mul3A_802, %get3A_807 : vector<16xi32>
      %swap3A_809 = arith.constant 4 : i32
      %swap3A_810 = arith.index_cast %swap3A_809 : i32 to index
      %swap3A_811 = arith.constant 96 : index
      %swap3A_812 = tpu.vector_load %arg9[%swap3A_810, %swap3A_811] {strides = array<i32>} : memref<11x128xi32, #tpu.memory_space<vmem>>, vector<1x16xi32>,
      %swap3A_813 = vector.shape_cast %swap3A_812 : vector<1x16xi32> to vector<16xi32>
      %swap3A_814 = vector.shape_cast %add3A_808 : vector<16xi32> to vector<1x16xi32>
      tpu.vector_store %arg9[%swap3A_810, %swap3A_811], %swap3A_814 {strides = array<i32>} : memref<11x128xi32, #tpu.memory_space<vmem>>, vector<1x16xi32>,
      %get3A_815 = arith.constant 4 : i32
      %get3A_816 = arith.index_cast %get3A_815 : i32 to index
      %get3A_817 = arith.constant 112 : index
      %get3A_818 = tpu.vector_load %arg6[%get3A_816, %get3A_817] {strides = array<i32>} : memref<11x128xi32, #tpu.memory_space<vmem>>, vector<1x16xi32>,
      %get3A_819 = vector.shape_cast %get3A_818 : vector<1x16xi32> to vector<16xi32>
      %mul3A_820 = arith.constant 2592 : i32
      %mul3A_821 = vector.broadcast %mul3A_820 : i32 to vector<16xi32>
      %mul3A_822 = arith.muli %get3A_819, %mul3A_821 : vector<16xi32>
      %get3A_823 = arith.constant 4 : i32
      %get3A_824 = arith.index_cast %get3A_823 : i32 to index
      %get3A_825 = arith.constant 112 : index
      %get3A_826 = tpu.vector_load %arg7[%get3A_824, %get3A_825] {strides = array<i32>} : memref<11x128xi32, #tpu.memory_space<vmem>>, vector<1x16xi32>,
      %get3A_827 = vector.shape_cast %get3A_826 : vector<1x16xi32> to vector<16xi32>
      %add3A_828 = arith.addi %mul3A_822, %get3A_827 : vector<16xi32>
      %swap3A_829 = arith.constant 4 : i32
      %swap3A_830 = arith.index_cast %swap3A_829 : i32 to index
      %swap3A_831 = arith.constant 112 : index
      %swap3A_832 = tpu.vector_load %arg9[%swap3A_830, %swap3A_831] {strides = array<i32>} : memref<11x128xi32, #tpu.memory_space<vmem>>, vector<1x16xi32>,
      %swap3A_833 = vector.shape_cast %swap3A_832 : vector<1x16xi32> to vector<16xi32>
      %swap3A_834 = vector.shape_cast %add3A_828 : vector<16xi32> to vector<1x16xi32>
      tpu.vector_store %arg9[%swap3A_830, %swap3A_831], %swap3A_834 {strides = array<i32>} : memref<11x128xi32, #tpu.memory_space<vmem>>, vector<1x16xi32>,
      %get3A_835 = arith.constant 5 : i32
      %get3A_836 = arith.index_cast %get3A_835 : i32 to index
      %get3A_837 = arith.constant 0 : index
      %get3A_838 = tpu.vector_load %arg6[%get3A_836, %get3A_837] {strides = array<i32>} : memref<11x128xi32, #tpu.memory_space<vmem>>, vector<1x16xi32>,
      %get3A_839 = vector.shape_cast %get3A_838 : vector<1x16xi32> to vector<16xi32>
      %mul3A_840 = arith.constant 2592 : i32
      %mul3A_841 = vector.broadcast %mul3A_840 : i32 to vector<16xi32>
      %mul3A_842 = arith.muli %get3A_839, %mul3A_841 : vector<16xi32>
      %get3A_843 = arith.constant 5 : i32
      %get3A_844 = arith.index_cast %get3A_843 : i32 to index
      %get3A_845 = arith.constant 0 : index
      %get3A_846 = tpu.vector_load %arg7[%get3A_844, %get3A_845] {strides = array<i32>} : memref<11x128xi32, #tpu.memory_space<vmem>>, vector<1x16xi32>,
      %get3A_847 = vector.shape_cast %get3A_846 : vector<1x16xi32> to vector<16xi32>
      %add3A_848 = arith.addi %mul3A_842, %get3A_847 : vector<16xi32>
      %swap3A_849 = arith.constant 5 : i32
      %swap3A_850 = arith.index_cast %swap3A_849 : i32 to index
      %swap3A_851 = arith.constant 0 : index
      %swap3A_852 = tpu.vector_load %arg9[%swap3A_850, %swap3A_851] {strides = array<i32>} : memref<11x128xi32, #tpu.memory_space<vmem>>, vector<1x16xi32>,
      %swap3A_853 = vector.shape_cast %swap3A_852 : vector<1x16xi32> to vector<16xi32>
      %swap3A_854 = vector.shape_cast %add3A_848 : vector<16xi32> to vector<1x16xi32>
      tpu.vector_store %arg9[%swap3A_850, %swap3A_851], %swap3A_854 {strides = array<i32>} : memref<11x128xi32, #tpu.memory_space<vmem>>, vector<1x16xi32>,
      %get3A_855 = arith.constant 5 : i32
      %get3A_856 = arith.index_cast %get3A_855 : i32 to index
      %get3A_857 = arith.constant 16 : index
      %get3A_858 = tpu.vector_load %arg6[%get3A_856, %get3A_857] {strides = array<i32>} : memref<11x128xi32, #tpu.memory_space<vmem>>, vector<1x16xi32>,
      %get3A_859 = vector.shape_cast %get3A_858 : vector<1x16xi32> to vector<16xi32>
      %mul3A_860 = arith.constant 2592 : i32
      %mul3A_861 = vector.broadcast %mul3A_860 : i32 to vector<16xi32>
      %mul3A_862 = arith.muli %get3A_859, %mul3A_861 : vector<16xi32>
      %get3A_863 = arith.constant 5 : i32
      %get3A_864 = arith.index_cast %get3A_863 : i32 to index
      %get3A_865 = arith.constant 16 : index
      %get3A_866 = tpu.vector_load %arg7[%get3A_864, %get3A_865] {strides = array<i32>} : memref<11x128xi32, #tpu.memory_space<vmem>>, vector<1x16xi32>,
      %get3A_867 = vector.shape_cast %get3A_866 : vector<1x16xi32> to vector<16xi32>
      %add3A_868 = arith.addi %mul3A_862, %get3A_867 : vector<16xi32>
      %swap3A_869 = arith.constant 5 : i32
      %swap3A_870 = arith.index_cast %swap3A_869 : i32 to index
      %swap3A_871 = arith.constant 16 : index
      %swap3A_872 = tpu.vector_load %arg9[%swap3A_870, %swap3A_871] {strides = array<i32>} : memref<11x128xi32, #tpu.memory_space<vmem>>, vector<1x16xi32>,
      %swap3A_873 = vector.shape_cast %swap3A_872 : vector<1x16xi32> to vector<16xi32>
      %swap3A_874 = vector.shape_cast %add3A_868 : vector<16xi32> to vector<1x16xi32>
      tpu.vector_store %arg9[%swap3A_870, %swap3A_871], %swap3A_874 {strides = array<i32>} : memref<11x128xi32, #tpu.memory_space<vmem>>, vector<1x16xi32>,
      %get3A_875 = arith.constant 5 : i32
      %get3A_876 = arith.index_cast %get3A_875 : i32 to index
      %get3A_877 = arith.constant 32 : index
      %get3A_878 = tpu.vector_load %arg6[%get3A_876, %get3A_877] {strides = array<i32>} : memref<11x128xi32, #tpu.memory_space<vmem>>, vector<1x16xi32>,
      %get3A_879 = vector.shape_cast %get3A_878 : vector<1x16xi32> to vector<16xi32>
      %mul3A_880 = arith.constant 2592 : i32
      %mul3A_881 = vector.broadcast %mul3A_880 : i32 to vector<16xi32>
      %mul3A_882 = arith.muli %get3A_879, %mul3A_881 : vector<16xi32>
      %get3A_883 = arith.constant 5 : i32
      %get3A_884 = arith.index_cast %get3A_883 : i32 to index
      %get3A_885 = arith.constant 32 : index
      %get3A_886 = tpu.vector_load %arg7[%get3A_884, %get3A_885] {strides = array<i32>} : memref<11x128xi32, #tpu.memory_space<vmem>>, vector<1x16xi32>,
      %get3A_887 = vector.shape_cast %get3A_886 : vector<1x16xi32> to vector<16xi32>
      %add3A_888 = arith.addi %mul3A_882, %get3A_887 : vector<16xi32>
      %swap3A_889 = arith.constant 5 : i32
      %swap3A_890 = arith.index_cast %swap3A_889 : i32 to index
      %swap3A_891 = arith.constant 32 : index
      %swap3A_892 = tpu.vector_load %arg9[%swap3A_890, %swap3A_891] {strides = array<i32>} : memref<11x128xi32, #tpu.memory_space<vmem>>, vector<1x16xi32>,
      %swap3A_893 = vector.shape_cast %swap3A_892 : vector<1x16xi32> to vector<16xi32>
      %swap3A_894 = vector.shape_cast %add3A_888 : vector<16xi32> to vector<1x16xi32>
      tpu.vector_store %arg9[%swap3A_890, %swap3A_891], %swap3A_894 {strides = array<i32>} : memref<11x128xi32, #tpu.memory_space<vmem>>, vector<1x16xi32>,
      %get3A_895 = arith.constant 5 : i32
      %get3A_896 = arith.index_cast %get3A_895 : i32 to index
      %get3A_897 = arith.constant 48 : index
      %get3A_898 = tpu.vector_load %arg6[%get3A_896, %get3A_897] {strides = array<i32>} : memref<11x128xi32, #tpu.memory_space<vmem>>, vector<1x16xi32>,
      %get3A_899 = vector.shape_cast %get3A_898 : vector<1x16xi32> to vector<16xi32>
      %mul3A_900 = arith.constant 2592 : i32
      %mul3A_901 = vector.broadcast %mul3A_900 : i32 to vector<16xi32>
      %mul3A_902 = arith.muli %get3A_899, %mul3A_901 : vector<16xi32>
      %get3A_903 = arith.constant 5 : i32
      %get3A_904 = arith.index_cast %get3A_903 : i32 to index
      %get3A_905 = arith.constant 48 : index
      %get3A_906 = tpu.vector_load %arg7[%get3A_904, %get3A_905] {strides = array<i32>} : memref<11x128xi32, #tpu.memory_space<vmem>>, vector<1x16xi32>,
      %get3A_907 = vector.shape_cast %get3A_906 : vector<1x16xi32> to vector<16xi32>
      %add3A_908 = arith.addi %mul3A_902, %get3A_907 : vector<16xi32>
      %swap3A_909 = arith.constant 5 : i32
      %swap3A_910 = arith.index_cast %swap3A_909 : i32 to index
      %swap3A_911 = arith.constant 48 : index
      %swap3A_912 = tpu.vector_load %arg9[%swap3A_910, %swap3A_911] {strides = array<i32>} : memref<11x128xi32, #tpu.memory_space<vmem>>, vector<1x16xi32>,
      %swap3A_913 = vector.shape_cast %swap3A_912 : vector<1x16xi32> to vector<16xi32>
      %swap3A_914 = vector.shape_cast %add3A_908 : vector<16xi32> to vector<1x16xi32>
      tpu.vector_store %arg9[%swap3A_910, %swap3A_911], %swap3A_914 {strides = array<i32>} : memref<11x128xi32, #tpu.memory_space<vmem>>, vector<1x16xi32>,
      %get3A_915 = arith.constant 5 : i32
      %get3A_916 = arith.index_cast %get3A_915 : i32 to index
      %get3A_917 = arith.constant 64 : index
      %get3A_918 = tpu.vector_load %arg6[%get3A_916, %get3A_917] {strides = array<i32>} : memref<11x128xi32, #tpu.memory_space<vmem>>, vector<1x16xi32>,
      %get3A_919 = vector.shape_cast %get3A_918 : vector<1x16xi32> to vector<16xi32>
      %mul3A_920 = arith.constant 2592 : i32
      %mul3A_921 = vector.broadcast %mul3A_920 : i32 to vector<16xi32>
      %mul3A_922 = arith.muli %get3A_919, %mul3A_921 : vector<16xi32>
      %get3A_923 = arith.constant 5 : i32
      %get3A_924 = arith.index_cast %get3A_923 : i32 to index
      %get3A_925 = arith.constant 64 : index
      %get3A_926 = tpu.vector_load %arg7[%get3A_924, %get3A_925] {strides = array<i32>} : memref<11x128xi32, #tpu.memory_space<vmem>>, vector<1x16xi32>,
      %get3A_927 = vector.shape_cast %get3A_926 : vector<1x16xi32> to vector<16xi32>
      %add3A_928 = arith.addi %mul3A_922, %get3A_927 : vector<16xi32>
      %swap3A_929 = arith.constant 5 : i32
      %swap3A_930 = arith.index_cast %swap3A_929 : i32 to index
      %swap3A_931 = arith.constant 64 : index
      %swap3A_932 = tpu.vector_load %arg9[%swap3A_930, %swap3A_931] {strides = array<i32>} : memref<11x128xi32, #tpu.memory_space<vmem>>, vector<1x16xi32>,
      %swap3A_933 = vector.shape_cast %swap3A_932 : vector<1x16xi32> to vector<16xi32>
      %swap3A_934 = vector.shape_cast %add3A_928 : vector<16xi32> to vector<1x16xi32>
      tpu.vector_store %arg9[%swap3A_930, %swap3A_931], %swap3A_934 {strides = array<i32>} : memref<11x128xi32, #tpu.memory_space<vmem>>, vector<1x16xi32>,
      %get3A_935 = arith.constant 5 : i32
      %get3A_936 = arith.index_cast %get3A_935 : i32 to index
      %get3A_937 = arith.constant 80 : index
      %get3A_938 = tpu.vector_load %arg6[%get3A_936, %get3A_937] {strides = array<i32>} : memref<11x128xi32, #tpu.memory_space<vmem>>, vector<1x16xi32>,
      %get3A_939 = vector.shape_cast %get3A_938 : vector<1x16xi32> to vector<16xi32>
      %mul3A_940 = arith.constant 2592 : i32
      %mul3A_941 = vector.broadcast %mul3A_940 : i32 to vector<16xi32>
      %mul3A_942 = arith.muli %get3A_939, %mul3A_941 : vector<16xi32>
      %get3A_943 = arith.constant 5 : i32
      %get3A_944 = arith.index_cast %get3A_943 : i32 to index
      %get3A_945 = arith.constant 80 : index
      %get3A_946 = tpu.vector_load %arg7[%get3A_944, %get3A_945] {strides = array<i32>} : memref<11x128xi32, #tpu.memory_space<vmem>>, vector<1x16xi32>,
      %get3A_947 = vector.shape_cast %get3A_946 : vector<1x16xi32> to vector<16xi32>
      %add3A_948 = arith.addi %mul3A_942, %get3A_947 : vector<16xi32>
      %swap3A_949 = arith.constant 5 : i32
      %swap3A_950 = arith.index_cast %swap3A_949 : i32 to index
      %swap3A_951 = arith.constant 80 : index
      %swap3A_952 = tpu.vector_load %arg9[%swap3A_950, %swap3A_951] {strides = array<i32>} : memref<11x128xi32, #tpu.memory_space<vmem>>, vector<1x16xi32>,
      %swap3A_953 = vector.shape_cast %swap3A_952 : vector<1x16xi32> to vector<16xi32>
      %swap3A_954 = vector.shape_cast %add3A_948 : vector<16xi32> to vector<1x16xi32>
      tpu.vector_store %arg9[%swap3A_950, %swap3A_951], %swap3A_954 {strides = array<i32>} : memref<11x128xi32, #tpu.memory_space<vmem>>, vector<1x16xi32>,
      %get3A_955 = arith.constant 5 : i32
      %get3A_956 = arith.index_cast %get3A_955 : i32 to index
      %get3A_957 = arith.constant 96 : index
      %get3A_958 = tpu.vector_load %arg6[%get3A_956, %get3A_957] {strides = array<i32>} : memref<11x128xi32, #tpu.memory_space<vmem>>, vector<1x16xi32>,
      %get3A_959 = vector.shape_cast %get3A_958 : vector<1x16xi32> to vector<16xi32>
      %mul3A_960 = arith.constant 2592 : i32
      %mul3A_961 = vector.broadcast %mul3A_960 : i32 to vector<16xi32>
      %mul3A_962 = arith.muli %get3A_959, %mul3A_961 : vector<16xi32>
      %get3A_963 = arith.constant 5 : i32
      %get3A_964 = arith.index_cast %get3A_963 : i32 to index
      %get3A_965 = arith.constant 96 : index
      %get3A_966 = tpu.vector_load %arg7[%get3A_964, %get3A_965] {strides = array<i32>} : memref<11x128xi32, #tpu.memory_space<vmem>>, vector<1x16xi32>,
      %get3A_967 = vector.shape_cast %get3A_966 : vector<1x16xi32> to vector<16xi32>
      %add3A_968 = arith.addi %mul3A_962, %get3A_967 : vector<16xi32>
      %swap3A_969 = arith.constant 5 : i32
      %swap3A_970 = arith.index_cast %swap3A_969 : i32 to index
      %swap3A_971 = arith.constant 96 : index
      %swap3A_972 = tpu.vector_load %arg9[%swap3A_970, %swap3A_971] {strides = array<i32>} : memref<11x128xi32, #tpu.memory_space<vmem>>, vector<1x16xi32>,
      %swap3A_973 = vector.shape_cast %swap3A_972 : vector<1x16xi32> to vector<16xi32>
      %swap3A_974 = vector.shape_cast %add3A_968 : vector<16xi32> to vector<1x16xi32>
      tpu.vector_store %arg9[%swap3A_970, %swap3A_971], %swap3A_974 {strides = array<i32>} : memref<11x128xi32, #tpu.memory_space<vmem>>, vector<1x16xi32>,
      %get3A_975 = arith.constant 5 : i32
      %get3A_976 = arith.index_cast %get3A_975 : i32 to index
      %get3A_977 = arith.constant 112 : index
      %get3A_978 = tpu.vector_load %arg6[%get3A_976, %get3A_977] {strides = array<i32>} : memref<11x128xi32, #tpu.memory_space<vmem>>, vector<1x16xi32>,
      %get3A_979 = vector.shape_cast %get3A_978 : vector<1x16xi32> to vector<16xi32>
      %mul3A_980 = arith.constant 2592 : i32
      %mul3A_981 = vector.broadcast %mul3A_980 : i32 to vector<16xi32>
      %mul3A_982 = arith.muli %get3A_979, %mul3A_981 : vector<16xi32>
      %get3A_983 = arith.constant 5 : i32
      %get3A_984 = arith.index_cast %get3A_983 : i32 to index
      %get3A_985 = arith.constant 112 : index
      %get3A_986 = tpu.vector_load %arg7[%get3A_984, %get3A_985] {strides = array<i32>} : memref<11x128xi32, #tpu.memory_space<vmem>>, vector<1x16xi32>,
      %get3A_987 = vector.shape_cast %get3A_986 : vector<1x16xi32> to vector<16xi32>
      %add3A_988 = arith.addi %mul3A_982, %get3A_987 : vector<16xi32>
      %swap3A_989 = arith.constant 5 : i32
      %swap3A_990 = arith.index_cast %swap3A_989 : i32 to index
      %swap3A_991 = arith.constant 112 : index
      %swap3A_992 = tpu.vector_load %arg9[%swap3A_990, %swap3A_991] {strides = array<i32>} : memref<11x128xi32, #tpu.memory_space<vmem>>, vector<1x16xi32>,
      %swap3A_993 = vector.shape_cast %swap3A_992 : vector<1x16xi32> to vector<16xi32>
      %swap3A_994 = vector.shape_cast %add3A_988 : vector<16xi32> to vector<1x16xi32>
      tpu.vector_store %arg9[%swap3A_990, %swap3A_991], %swap3A_994 {strides = array<i32>} : memref<11x128xi32, #tpu.memory_space<vmem>>, vector<1x16xi32>,
      %get3A_995 = arith.constant 6 : i32
      %get3A_996 = arith.index_cast %get3A_995 : i32 to index
      %get3A_997 = arith.constant 0 : index
      %get3A_998 = tpu.vector_load %arg6[%get3A_996, %get3A_997] {strides = array<i32>} : memref<11x128xi32, #tpu.memory_space<vmem>>, vector<1x16xi32>,
      %get3A_999 = vector.shape_cast %get3A_998 : vector<1x16xi32> to vector<16xi32>
      %mul3A_1000 = arith.constant 2592 : i32
      %mul3A_1001 = vector.broadcast %mul3A_1000 : i32 to vector<16xi32>
      %mul3A_1002 = arith.muli %get3A_999, %mul3A_1001 : vector<16xi32>
      %get3A_1003 = arith.constant 6 : i32
      %get3A_1004 = arith.index_cast %get3A_1003 : i32 to index
      %get3A_1005 = arith.constant 0 : index
      %get3A_1006 = tpu.vector_load %arg7[%get3A_1004, %get3A_1005] {strides = array<i32>} : memref<11x128xi32, #tpu.memory_space<vmem>>, vector<1x16xi32>,
      %get3A_1007 = vector.shape_cast %get3A_1006 : vector<1x16xi32> to vector<16xi32>
      %add3A_1008 = arith.addi %mul3A_1002, %get3A_1007 : vector<16xi32>
      %swap3A_1009 = arith.constant 6 : i32
      %swap3A_1010 = arith.index_cast %swap3A_1009 : i32 to index
      %swap3A_1011 = arith.constant 0 : index
      %swap3A_1012 = tpu.vector_load %arg9[%swap3A_1010, %swap3A_1011] {strides = array<i32>} : memref<11x128xi32, #tpu.memory_space<vmem>>, vector<1x16xi32>,
      %swap3A_1013 = vector.shape_cast %swap3A_1012 : vector<1x16xi32> to vector<16xi32>
      %swap3A_1014 = vector.shape_cast %add3A_1008 : vector<16xi32> to vector<1x16xi32>
      tpu.vector_store %arg9[%swap3A_1010, %swap3A_1011], %swap3A_1014 {strides = array<i32>} : memref<11x128xi32, #tpu.memory_space<vmem>>, vector<1x16xi32>,
      %get3A_1015 = arith.constant 6 : i32
      %get3A_1016 = arith.index_cast %get3A_1015 : i32 to index
      %get3A_1017 = arith.constant 16 : index
      %get3A_1018 = tpu.vector_load %arg6[%get3A_1016, %get3A_1017] {strides = array<i32>} : memref<11x128xi32, #tpu.memory_space<vmem>>, vector<1x16xi32>,
      %get3A_1019 = vector.shape_cast %get3A_1018 : vector<1x16xi32> to vector<16xi32>
      %mul3A_1020 = arith.constant 2592 : i32
      %mul3A_1021 = vector.broadcast %mul3A_1020 : i32 to vector<16xi32>
      %mul3A_1022 = arith.muli %get3A_1019, %mul3A_1021 : vector<16xi32>
      %get3A_1023 = arith.constant 6 : i32
      %get3A_1024 = arith.index_cast %get3A_1023 : i32 to index
      %get3A_1025 = arith.constant 16 : index
      %get3A_1026 = tpu.vector_load %arg7[%get3A_1024, %get3A_1025] {strides = array<i32>} : memref<11x128xi32, #tpu.memory_space<vmem>>, vector<1x16xi32>,
      %get3A_1027 = vector.shape_cast %get3A_1026 : vector<1x16xi32> to vector<16xi32>
      %add3A_1028 = arith.addi %mul3A_1022, %get3A_1027 : vector<16xi32>
      %swap3A_1029 = arith.constant 6 : i32
      %swap3A_1030 = arith.index_cast %swap3A_1029 : i32 to index
      %swap3A_1031 = arith.constant 16 : index
      %swap3A_1032 = tpu.vector_load %arg9[%swap3A_1030, %swap3A_1031] {strides = array<i32>} : memref<11x128xi32, #tpu.memory_space<vmem>>, vector<1x16xi32>,
      %swap3A_1033 = vector.shape_cast %swap3A_1032 : vector<1x16xi32> to vector<16xi32>
      %swap3A_1034 = vector.shape_cast %add3A_1028 : vector<16xi32> to vector<1x16xi32>
      tpu.vector_store %arg9[%swap3A_1030, %swap3A_1031], %swap3A_1034 {strides = array<i32>} : memref<11x128xi32, #tpu.memory_space<vmem>>, vector<1x16xi32>,
      %get3A_1035 = arith.constant 6 : i32
      %get3A_1036 = arith.index_cast %get3A_1035 : i32 to index
      %get3A_1037 = arith.constant 32 : index
      %get3A_1038 = tpu.vector_load %arg6[%get3A_1036, %get3A_1037] {strides = array<i32>} : memref<11x128xi32, #tpu.memory_space<vmem>>, vector<1x16xi32>,
      %get3A_1039 = vector.shape_cast %get3A_1038 : vector<1x16xi32> to vector<16xi32>
      %mul3A_1040 = arith.constant 2592 : i32
      %mul3A_1041 = vector.broadcast %mul3A_1040 : i32 to vector<16xi32>
      %mul3A_1042 = arith.muli %get3A_1039, %mul3A_1041 : vector<16xi32>
      %get3A_1043 = arith.constant 6 : i32
      %get3A_1044 = arith.index_cast %get3A_1043 : i32 to index
      %get3A_1045 = arith.constant 32 : index
      %get3A_1046 = tpu.vector_load %arg7[%get3A_1044, %get3A_1045] {strides = array<i32>} : memref<11x128xi32, #tpu.memory_space<vmem>>, vector<1x16xi32>,
      %get3A_1047 = vector.shape_cast %get3A_1046 : vector<1x16xi32> to vector<16xi32>
      %add3A_1048 = arith.addi %mul3A_1042, %get3A_1047 : vector<16xi32>
      %swap3A_1049 = arith.constant 6 : i32
      %swap3A_1050 = arith.index_cast %swap3A_1049 : i32 to index
      %swap3A_1051 = arith.constant 32 : index
      %swap3A_1052 = tpu.vector_load %arg9[%swap3A_1050, %swap3A_1051] {strides = array<i32>} : memref<11x128xi32, #tpu.memory_space<vmem>>, vector<1x16xi32>,
      %swap3A_1053 = vector.shape_cast %swap3A_1052 : vector<1x16xi32> to vector<16xi32>
      %swap3A_1054 = vector.shape_cast %add3A_1048 : vector<16xi32> to vector<1x16xi32>
      tpu.vector_store %arg9[%swap3A_1050, %swap3A_1051], %swap3A_1054 {strides = array<i32>} : memref<11x128xi32, #tpu.memory_space<vmem>>, vector<1x16xi32>,
      %get3A_1055 = arith.constant 6 : i32
      %get3A_1056 = arith.index_cast %get3A_1055 : i32 to index
      %get3A_1057 = arith.constant 48 : index
      %get3A_1058 = tpu.vector_load %arg6[%get3A_1056, %get3A_1057] {strides = array<i32>} : memref<11x128xi32, #tpu.memory_space<vmem>>, vector<1x16xi32>,
      %get3A_1059 = vector.shape_cast %get3A_1058 : vector<1x16xi32> to vector<16xi32>
      %mul3A_1060 = arith.constant 2592 : i32
      %mul3A_1061 = vector.broadcast %mul3A_1060 : i32 to vector<16xi32>
      %mul3A_1062 = arith.muli %get3A_1059, %mul3A_1061 : vector<16xi32>
      %get3A_1063 = arith.constant 6 : i32
      %get3A_1064 = arith.index_cast %get3A_1063 : i32 to index
      %get3A_1065 = arith.constant 48 : index
      %get3A_1066 = tpu.vector_load %arg7[%get3A_1064, %get3A_1065] {strides = array<i32>} : memref<11x128xi32, #tpu.memory_space<vmem>>, vector<1x16xi32>,
      %get3A_1067 = vector.shape_cast %get3A_1066 : vector<1x16xi32> to vector<16xi32>
      %add3A_1068 = arith.addi %mul3A_1062, %get3A_1067 : vector<16xi32>
      %swap3A_1069 = arith.constant 6 : i32
      %swap3A_1070 = arith.index_cast %swap3A_1069 : i32 to index
      %swap3A_1071 = arith.constant 48 : index
      %swap3A_1072 = tpu.vector_load %arg9[%swap3A_1070, %swap3A_1071] {strides = array<i32>} : memref<11x128xi32, #tpu.memory_space<vmem>>, vector<1x16xi32>,
      %swap3A_1073 = vector.shape_cast %swap3A_1072 : vector<1x16xi32> to vector<16xi32>
      %swap3A_1074 = vector.shape_cast %add3A_1068 : vector<16xi32> to vector<1x16xi32>
      tpu.vector_store %arg9[%swap3A_1070, %swap3A_1071], %swap3A_1074 {strides = array<i32>} : memref<11x128xi32, #tpu.memory_space<vmem>>, vector<1x16xi32>,
      %get3A_1075 = arith.constant 6 : i32
      %get3A_1076 = arith.index_cast %get3A_1075 : i32 to index
      %get3A_1077 = arith.constant 64 : index
      %get3A_1078 = tpu.vector_load %arg6[%get3A_1076, %get3A_1077] {strides = array<i32>} : memref<11x128xi32, #tpu.memory_space<vmem>>, vector<1x16xi32>,
      %get3A_1079 = vector.shape_cast %get3A_1078 : vector<1x16xi32> to vector<16xi32>
      %mul3A_1080 = arith.constant 2592 : i32
      %mul3A_1081 = vector.broadcast %mul3A_1080 : i32 to vector<16xi32>
      %mul3A_1082 = arith.muli %get3A_1079, %mul3A_1081 : vector<16xi32>
      %get3A_1083 = arith.constant 6 : i32
      %get3A_1084 = arith.index_cast %get3A_1083 : i32 to index
      %get3A_1085 = arith.constant 64 : index
      %get3A_1086 = tpu.vector_load %arg7[%get3A_1084, %get3A_1085] {strides = array<i32>} : memref<11x128xi32, #tpu.memory_space<vmem>>, vector<1x16xi32>,
      %get3A_1087 = vector.shape_cast %get3A_1086 : vector<1x16xi32> to vector<16xi32>
      %add3A_1088 = arith.addi %mul3A_1082, %get3A_1087 : vector<16xi32>
      %swap3A_1089 = arith.constant 6 : i32
      %swap3A_1090 = arith.index_cast %swap3A_1089 : i32 to index
      %swap3A_1091 = arith.constant 64 : index
      %swap3A_1092 = tpu.vector_load %arg9[%swap3A_1090, %swap3A_1091] {strides = array<i32>} : memref<11x128xi32, #tpu.memory_space<vmem>>, vector<1x16xi32>,
      %swap3A_1093 = vector.shape_cast %swap3A_1092 : vector<1x16xi32> to vector<16xi32>
      %swap3A_1094 = vector.shape_cast %add3A_1088 : vector<16xi32> to vector<1x16xi32>
      tpu.vector_store %arg9[%swap3A_1090, %swap3A_1091], %swap3A_1094 {strides = array<i32>} : memref<11x128xi32, #tpu.memory_space<vmem>>, vector<1x16xi32>,
      %get3A_1095 = arith.constant 6 : i32
      %get3A_1096 = arith.index_cast %get3A_1095 : i32 to index
      %get3A_1097 = arith.constant 80 : index
      %get3A_1098 = tpu.vector_load %arg6[%get3A_1096, %get3A_1097] {strides = array<i32>} : memref<11x128xi32, #tpu.memory_space<vmem>>, vector<1x16xi32>,
      %get3A_1099 = vector.shape_cast %get3A_1098 : vector<1x16xi32> to vector<16xi32>
      %mul3A_1100 = arith.constant 2592 : i32
      %mul3A_1101 = vector.broadcast %mul3A_1100 : i32 to vector<16xi32>
      %mul3A_1102 = arith.muli %get3A_1099, %mul3A_1101 : vector<16xi32>
      %get3A_1103 = arith.constant 6 : i32
      %get3A_1104 = arith.index_cast %get3A_1103 : i32 to index
      %get3A_1105 = arith.constant 80 : index
      %get3A_1106 = tpu.vector_load %arg7[%get3A_1104, %get3A_1105] {strides = array<i32>} : memref<11x128xi32, #tpu.memory_space<vmem>>, vector<1x16xi32>,
      %get3A_1107 = vector.shape_cast %get3A_1106 : vector<1x16xi32> to vector<16xi32>
      %add3A_1108 = arith.addi %mul3A_1102, %get3A_1107 : vector<16xi32>
      %swap3A_1109 = arith.constant 6 : i32
      %swap3A_1110 = arith.index_cast %swap3A_1109 : i32 to index
      %swap3A_1111 = arith.constant 80 : index
      %swap3A_1112 = tpu.vector_load %arg9[%swap3A_1110, %swap3A_1111] {strides = array<i32>} : memref<11x128xi32, #tpu.memory_space<vmem>>, vector<1x16xi32>,
      %swap3A_1113 = vector.shape_cast %swap3A_1112 : vector<1x16xi32> to vector<16xi32>
      %swap3A_1114 = vector.shape_cast %add3A_1108 : vector<16xi32> to vector<1x16xi32>
      tpu.vector_store %arg9[%swap3A_1110, %swap3A_1111], %swap3A_1114 {strides = array<i32>} : memref<11x128xi32, #tpu.memory_space<vmem>>, vector<1x16xi32>,
      %get3A_1115 = arith.constant 6 : i32
      %get3A_1116 = arith.index_cast %get3A_1115 : i32 to index
      %get3A_1117 = arith.constant 96 : index
      %get3A_1118 = tpu.vector_load %arg6[%get3A_1116, %get3A_1117] {strides = array<i32>} : memref<11x128xi32, #tpu.memory_space<vmem>>, vector<1x16xi32>,
      %get3A_1119 = vector.shape_cast %get3A_1118 : vector<1x16xi32> to vector<16xi32>
      %mul3A_1120 = arith.constant 2592 : i32
      %mul3A_1121 = vector.broadcast %mul3A_1120 : i32 to vector<16xi32>
      %mul3A_1122 = arith.muli %get3A_1119, %mul3A_1121 : vector<16xi32>
      %get3A_1123 = arith.constant 6 : i32
      %get3A_1124 = arith.index_cast %get3A_1123 : i32 to index
      %get3A_1125 = arith.constant 96 : index
      %get3A_1126 = tpu.vector_load %arg7[%get3A_1124, %get3A_1125] {strides = array<i32>} : memref<11x128xi32, #tpu.memory_space<vmem>>, vector<1x16xi32>,
      %get3A_1127 = vector.shape_cast %get3A_1126 : vector<1x16xi32> to vector<16xi32>
      %add3A_1128 = arith.addi %mul3A_1122, %get3A_1127 : vector<16xi32>
      %swap3A_1129 = arith.constant 6 : i32
      %swap3A_1130 = arith.index_cast %swap3A_1129 : i32 to index
      %swap3A_1131 = arith.constant 96 : index
      %swap3A_1132 = tpu.vector_load %arg9[%swap3A_1130, %swap3A_1131] {strides = array<i32>} : memref<11x128xi32, #tpu.memory_space<vmem>>, vector<1x16xi32>,
      %swap3A_1133 = vector.shape_cast %swap3A_1132 : vector<1x16xi32> to vector<16xi32>
      %swap3A_1134 = vector.shape_cast %add3A_1128 : vector<16xi32> to vector<1x16xi32>
      tpu.vector_store %arg9[%swap3A_1130, %swap3A_1131], %swap3A_1134 {strides = array<i32>} : memref<11x128xi32, #tpu.memory_space<vmem>>, vector<1x16xi32>,
      %get3A_1135 = arith.constant 6 : i32
      %get3A_1136 = arith.index_cast %get3A_1135 : i32 to index
      %get3A_1137 = arith.constant 112 : index
      %get3A_1138 = tpu.vector_load %arg6[%get3A_1136, %get3A_1137] {strides = array<i32>} : memref<11x128xi32, #tpu.memory_space<vmem>>, vector<1x16xi32>,
      %get3A_1139 = vector.shape_cast %get3A_1138 : vector<1x16xi32> to vector<16xi32>
      %mul3A_1140 = arith.constant 2592 : i32
      %mul3A_1141 = vector.broadcast %mul3A_1140 : i32 to vector<16xi32>
      %mul3A_1142 = arith.muli %get3A_1139, %mul3A_1141 : vector<16xi32>
      %get3A_1143 = arith.constant 6 : i32
      %get3A_1144 = arith.index_cast %get3A_1143 : i32 to index
      %get3A_1145 = arith.constant 112 : index
      %get3A_1146 = tpu.vector_load %arg7[%get3A_1144, %get3A_1145] {strides = array<i32>} : memref<11x128xi32, #tpu.memory_space<vmem>>, vector<1x16xi32>,
      %get3A_1147 = vector.shape_cast %get3A_1146 : vector<1x16xi32> to vector<16xi32>
      %add3A_1148 = arith.addi %mul3A_1142, %get3A_1147 : vector<16xi32>
      %swap3A_1149 = arith.constant 6 : i32
      %swap3A_1150 = arith.index_cast %swap3A_1149 : i32 to index
      %swap3A_1151 = arith.constant 112 : index
      %swap3A_1152 = tpu.vector_load %arg9[%swap3A_1150, %swap3A_1151] {strides = array<i32>} : memref<11x128xi32, #tpu.memory_space<vmem>>, vector<1x16xi32>,
      %swap3A_1153 = vector.shape_cast %swap3A_1152 : vector<1x16xi32> to vector<16xi32>
      %swap3A_1154 = vector.shape_cast %add3A_1148 : vector<16xi32> to vector<1x16xi32>
      tpu.vector_store %arg9[%swap3A_1150, %swap3A_1151], %swap3A_1154 {strides = array<i32>} : memref<11x128xi32, #tpu.memory_space<vmem>>, vector<1x16xi32>,
      %get3A_1155 = arith.constant 7 : i32
      %get3A_1156 = arith.index_cast %get3A_1155 : i32 to index
      %get3A_1157 = arith.constant 0 : index
      %get3A_1158 = tpu.vector_load %arg6[%get3A_1156, %get3A_1157] {strides = array<i32>} : memref<11x128xi32, #tpu.memory_space<vmem>>, vector<1x16xi32>,
      %get3A_1159 = vector.shape_cast %get3A_1158 : vector<1x16xi32> to vector<16xi32>
      %mul3A_1160 = arith.constant 2592 : i32
      %mul3A_1161 = vector.broadcast %mul3A_1160 : i32 to vector<16xi32>
      %mul3A_1162 = arith.muli %get3A_1159, %mul3A_1161 : vector<16xi32>
      %get3A_1163 = arith.constant 7 : i32
      %get3A_1164 = arith.index_cast %get3A_1163 : i32 to index
      %get3A_1165 = arith.constant 0 : index
      %get3A_1166 = tpu.vector_load %arg7[%get3A_1164, %get3A_1165] {strides = array<i32>} : memref<11x128xi32, #tpu.memory_space<vmem>>, vector<1x16xi32>,
      %get3A_1167 = vector.shape_cast %get3A_1166 : vector<1x16xi32> to vector<16xi32>
      %add3A_1168 = arith.addi %mul3A_1162, %get3A_1167 : vector<16xi32>
      %swap3A_1169 = arith.constant 7 : i32
      %swap3A_1170 = arith.index_cast %swap3A_1169 : i32 to index
      %swap3A_1171 = arith.constant 0 : index
      %swap3A_1172 = tpu.vector_load %arg9[%swap3A_1170, %swap3A_1171] {strides = array<i32>} : memref<11x128xi32, #tpu.memory_space<vmem>>, vector<1x16xi32>,
      %swap3A_1173 = vector.shape_cast %swap3A_1172 : vector<1x16xi32> to vector<16xi32>
      %swap3A_1174 = vector.shape_cast %add3A_1168 : vector<16xi32> to vector<1x16xi32>
      tpu.vector_store %arg9[%swap3A_1170, %swap3A_1171], %swap3A_1174 {strides = array<i32>} : memref<11x128xi32, #tpu.memory_space<vmem>>, vector<1x16xi32>,
      %get3A_1175 = arith.constant 7 : i32
      %get3A_1176 = arith.index_cast %get3A_1175 : i32 to index
      %get3A_1177 = arith.constant 16 : index
      %get3A_1178 = tpu.vector_load %arg6[%get3A_1176, %get3A_1177] {strides = array<i32>} : memref<11x128xi32, #tpu.memory_space<vmem>>, vector<1x16xi32>,
      %get3A_1179 = vector.shape_cast %get3A_1178 : vector<1x16xi32> to vector<16xi32>
      %mul3A_1180 = arith.constant 2592 : i32
      %mul3A_1181 = vector.broadcast %mul3A_1180 : i32 to vector<16xi32>
      %mul3A_1182 = arith.muli %get3A_1179, %mul3A_1181 : vector<16xi32>
      %get3A_1183 = arith.constant 7 : i32
      %get3A_1184 = arith.index_cast %get3A_1183 : i32 to index
      %get3A_1185 = arith.constant 16 : index
      %get3A_1186 = tpu.vector_load %arg7[%get3A_1184, %get3A_1185] {strides = array<i32>} : memref<11x128xi32, #tpu.memory_space<vmem>>, vector<1x16xi32>,
      %get3A_1187 = vector.shape_cast %get3A_1186 : vector<1x16xi32> to vector<16xi32>
      %add3A_1188 = arith.addi %mul3A_1182, %get3A_1187 : vector<16xi32>
      %swap3A_1189 = arith.constant 7 : i32
      %swap3A_1190 = arith.index_cast %swap3A_1189 : i32 to index
      %swap3A_1191 = arith.constant 16 : index
      %swap3A_1192 = tpu.vector_load %arg9[%swap3A_1190, %swap3A_1191] {strides = array<i32>} : memref<11x128xi32, #tpu.memory_space<vmem>>, vector<1x16xi32>,
      %swap3A_1193 = vector.shape_cast %swap3A_1192 : vector<1x16xi32> to vector<16xi32>
      %swap3A_1194 = vector.shape_cast %add3A_1188 : vector<16xi32> to vector<1x16xi32>
      tpu.vector_store %arg9[%swap3A_1190, %swap3A_1191], %swap3A_1194 {strides = array<i32>} : memref<11x128xi32, #tpu.memory_space<vmem>>, vector<1x16xi32>,
      %get3A_1195 = arith.constant 7 : i32
      %get3A_1196 = arith.index_cast %get3A_1195 : i32 to index
      %get3A_1197 = arith.constant 32 : index
      %get3A_1198 = tpu.vector_load %arg6[%get3A_1196, %get3A_1197] {strides = array<i32>} : memref<11x128xi32, #tpu.memory_space<vmem>>, vector<1x16xi32>,
      %get3A_1199 = vector.shape_cast %get3A_1198 : vector<1x16xi32> to vector<16xi32>
      %mul3A_1200 = arith.constant 2592 : i32
      %mul3A_1201 = vector.broadcast %mul3A_1200 : i32 to vector<16xi32>
      %mul3A_1202 = arith.muli %get3A_1199, %mul3A_1201 : vector<16xi32>
      %get3A_1203 = arith.constant 7 : i32
      %get3A_1204 = arith.index_cast %get3A_1203 : i32 to index
      %get3A_1205 = arith.constant 32 : index
      %get3A_1206 = tpu.vector_load %arg7[%get3A_1204, %get3A_1205] {strides = array<i32>} : memref<11x128xi32, #tpu.memory_space<vmem>>, vector<1x16xi32>,
      %get3A_1207 = vector.shape_cast %get3A_1206 : vector<1x16xi32> to vector<16xi32>
      %add3A_1208 = arith.addi %mul3A_1202, %get3A_1207 : vector<16xi32>
      %swap3A_1209 = arith.constant 7 : i32
      %swap3A_1210 = arith.index_cast %swap3A_1209 : i32 to index
      %swap3A_1211 = arith.constant 32 : index
      %swap3A_1212 = tpu.vector_load %arg9[%swap3A_1210, %swap3A_1211] {strides = array<i32>} : memref<11x128xi32, #tpu.memory_space<vmem>>, vector<1x16xi32>,
      %swap3A_1213 = vector.shape_cast %swap3A_1212 : vector<1x16xi32> to vector<16xi32>
      %swap3A_1214 = vector.shape_cast %add3A_1208 : vector<16xi32> to vector<1x16xi32>
      tpu.vector_store %arg9[%swap3A_1210, %swap3A_1211], %swap3A_1214 {strides = array<i32>} : memref<11x128xi32, #tpu.memory_space<vmem>>, vector<1x16xi32>,
      %get3A_1215 = arith.constant 7 : i32
      %get3A_1216 = arith.index_cast %get3A_1215 : i32 to index
      %get3A_1217 = arith.constant 48 : index
      %get3A_1218 = tpu.vector_load %arg6[%get3A_1216, %get3A_1217] {strides = array<i32>} : memref<11x128xi32, #tpu.memory_space<vmem>>, vector<1x16xi32>,
      %get3A_1219 = vector.shape_cast %get3A_1218 : vector<1x16xi32> to vector<16xi32>
      %mul3A_1220 = arith.constant 2592 : i32
      %mul3A_1221 = vector.broadcast %mul3A_1220 : i32 to vector<16xi32>
      %mul3A_1222 = arith.muli %get3A_1219, %mul3A_1221 : vector<16xi32>
      %get3A_1223 = arith.constant 7 : i32
      %get3A_1224 = arith.index_cast %get3A_1223 : i32 to index
      %get3A_1225 = arith.constant 48 : index
      %get3A_1226 = tpu.vector_load %arg7[%get3A_1224, %get3A_1225] {strides = array<i32>} : memref<11x128xi32, #tpu.memory_space<vmem>>, vector<1x16xi32>,
      %get3A_1227 = vector.shape_cast %get3A_1226 : vector<1x16xi32> to vector<16xi32>
      %add3A_1228 = arith.addi %mul3A_1222, %get3A_1227 : vector<16xi32>
      %swap3A_1229 = arith.constant 7 : i32
      %swap3A_1230 = arith.index_cast %swap3A_1229 : i32 to index
      %swap3A_1231 = arith.constant 48 : index
      %swap3A_1232 = tpu.vector_load %arg9[%swap3A_1230, %swap3A_1231] {strides = array<i32>} : memref<11x128xi32, #tpu.memory_space<vmem>>, vector<1x16xi32>,
      %swap3A_1233 = vector.shape_cast %swap3A_1232 : vector<1x16xi32> to vector<16xi32>
      %swap3A_1234 = vector.shape_cast %add3A_1228 : vector<16xi32> to vector<1x16xi32>
      tpu.vector_store %arg9[%swap3A_1230, %swap3A_1231], %swap3A_1234 {strides = array<i32>} : memref<11x128xi32, #tpu.memory_space<vmem>>, vector<1x16xi32>,
      %get3A_1235 = arith.constant 7 : i32
      %get3A_1236 = arith.index_cast %get3A_1235 : i32 to index
      %get3A_1237 = arith.constant 64 : index
      %get3A_1238 = tpu.vector_load %arg6[%get3A_1236, %get3A_1237] {strides = array<i32>} : memref<11x128xi32, #tpu.memory_space<vmem>>, vector<1x16xi32>,
      %get3A_1239 = vector.shape_cast %get3A_1238 : vector<1x16xi32> to vector<16xi32>
      %mul3A_1240 = arith.constant 2592 : i32
      %mul3A_1241 = vector.broadcast %mul3A_1240 : i32 to vector<16xi32>
      %mul3A_1242 = arith.muli %get3A_1239, %mul3A_1241 : vector<16xi32>
      %get3A_1243 = arith.constant 7 : i32
      %get3A_1244 = arith.index_cast %get3A_1243 : i32 to index
      %get3A_1245 = arith.constant 64 : index
      %get3A_1246 = tpu.vector_load %arg7[%get3A_1244, %get3A_1245] {strides = array<i32>} : memref<11x128xi32, #tpu.memory_space<vmem>>, vector<1x16xi32>,
      %get3A_1247 = vector.shape_cast %get3A_1246 : vector<1x16xi32> to vector<16xi32>
      %add3A_1248 = arith.addi %mul3A_1242, %get3A_1247 : vector<16xi32>
      %swap3A_1249 = arith.constant 7 : i32
      %swap3A_1250 = arith.index_cast %swap3A_1249 : i32 to index
      %swap3A_1251 = arith.constant 64 : index
      %swap3A_1252 = tpu.vector_load %arg9[%swap3A_1250, %swap3A_1251] {strides = array<i32>} : memref<11x128xi32, #tpu.memory_space<vmem>>, vector<1x16xi32>,
      %swap3A_1253 = vector.shape_cast %swap3A_1252 : vector<1x16xi32> to vector<16xi32>
      %swap3A_1254 = vector.shape_cast %add3A_1248 : vector<16xi32> to vector<1x16xi32>
      tpu.vector_store %arg9[%swap3A_1250, %swap3A_1251], %swap3A_1254 {strides = array<i32>} : memref<11x128xi32, #tpu.memory_space<vmem>>, vector<1x16xi32>,
      %get3A_1255 = arith.constant 7 : i32
      %get3A_1256 = arith.index_cast %get3A_1255 : i32 to index
      %get3A_1257 = arith.constant 80 : index
      %get3A_1258 = tpu.vector_load %arg6[%get3A_1256, %get3A_1257] {strides = array<i32>} : memref<11x128xi32, #tpu.memory_space<vmem>>, vector<1x16xi32>,
      %get3A_1259 = vector.shape_cast %get3A_1258 : vector<1x16xi32> to vector<16xi32>
      %mul3A_1260 = arith.constant 2592 : i32
      %mul3A_1261 = vector.broadcast %mul3A_1260 : i32 to vector<16xi32>
      %mul3A_1262 = arith.muli %get3A_1259, %mul3A_1261 : vector<16xi32>
      %get3A_1263 = arith.constant 7 : i32
      %get3A_1264 = arith.index_cast %get3A_1263 : i32 to index
      %get3A_1265 = arith.constant 80 : index
      %get3A_1266 = tpu.vector_load %arg7[%get3A_1264, %get3A_1265] {strides = array<i32>} : memref<11x128xi32, #tpu.memory_space<vmem>>, vector<1x16xi32>,
      %get3A_1267 = vector.shape_cast %get3A_1266 : vector<1x16xi32> to vector<16xi32>
      %add3A_1268 = arith.addi %mul3A_1262, %get3A_1267 : vector<16xi32>
      %swap3A_1269 = arith.constant 7 : i32
      %swap3A_1270 = arith.index_cast %swap3A_1269 : i32 to index
      %swap3A_1271 = arith.constant 80 : index
      %swap3A_1272 = tpu.vector_load %arg9[%swap3A_1270, %swap3A_1271] {strides = array<i32>} : memref<11x128xi32, #tpu.memory_space<vmem>>, vector<1x16xi32>,
      %swap3A_1273 = vector.shape_cast %swap3A_1272 : vector<1x16xi32> to vector<16xi32>
      %swap3A_1274 = vector.shape_cast %add3A_1268 : vector<16xi32> to vector<1x16xi32>
      tpu.vector_store %arg9[%swap3A_1270, %swap3A_1271], %swap3A_1274 {strides = array<i32>} : memref<11x128xi32, #tpu.memory_space<vmem>>, vector<1x16xi32>,
      %get3A_1275 = arith.constant 7 : i32
      %get3A_1276 = arith.index_cast %get3A_1275 : i32 to index
      %get3A_1277 = arith.constant 96 : index
      %get3A_1278 = tpu.vector_load %arg6[%get3A_1276, %get3A_1277] {strides = array<i32>} : memref<11x128xi32, #tpu.memory_space<vmem>>, vector<1x16xi32>,
      %get3A_1279 = vector.shape_cast %get3A_1278 : vector<1x16xi32> to vector<16xi32>
      %mul3A_1280 = arith.constant 2592 : i32
      %mul3A_1281 = vector.broadcast %mul3A_1280 : i32 to vector<16xi32>
      %mul3A_1282 = arith.muli %get3A_1279, %mul3A_1281 : vector<16xi32>
      %get3A_1283 = arith.constant 7 : i32
      %get3A_1284 = arith.index_cast %get3A_1283 : i32 to index
      %get3A_1285 = arith.constant 96 : index
      %get3A_1286 = tpu.vector_load %arg7[%get3A_1284, %get3A_1285] {strides = array<i32>} : memref<11x128xi32, #tpu.memory_space<vmem>>, vector<1x16xi32>,
      %get3A_1287 = vector.shape_cast %get3A_1286 : vector<1x16xi32> to vector<16xi32>
      %add3A_1288 = arith.addi %mul3A_1282, %get3A_1287 : vector<16xi32>
      %swap3A_1289 = arith.constant 7 : i32
      %swap3A_1290 = arith.index_cast %swap3A_1289 : i32 to index
      %swap3A_1291 = arith.constant 96 : index
      %swap3A_1292 = tpu.vector_load %arg9[%swap3A_1290, %swap3A_1291] {strides = array<i32>} : memref<11x128xi32, #tpu.memory_space<vmem>>, vector<1x16xi32>,
      %swap3A_1293 = vector.shape_cast %swap3A_1292 : vector<1x16xi32> to vector<16xi32>
      %swap3A_1294 = vector.shape_cast %add3A_1288 : vector<16xi32> to vector<1x16xi32>
      tpu.vector_store %arg9[%swap3A_1290, %swap3A_1291], %swap3A_1294 {strides = array<i32>} : memref<11x128xi32, #tpu.memory_space<vmem>>, vector<1x16xi32>,
      %get3A_1295 = arith.constant 7 : i32
      %get3A_1296 = arith.index_cast %get3A_1295 : i32 to index
      %get3A_1297 = arith.constant 112 : index
      %get3A_1298 = tpu.vector_load %arg6[%get3A_1296, %get3A_1297] {strides = array<i32>} : memref<11x128xi32, #tpu.memory_space<vmem>>, vector<1x16xi32>,
      %get3A_1299 = vector.shape_cast %get3A_1298 : vector<1x16xi32> to vector<16xi32>
      %mul3A_1300 = arith.constant 2592 : i32
      %mul3A_1301 = vector.broadcast %mul3A_1300 : i32 to vector<16xi32>
      %mul3A_1302 = arith.muli %get3A_1299, %mul3A_1301 : vector<16xi32>
      %get3A_1303 = arith.constant 7 : i32
      %get3A_1304 = arith.index_cast %get3A_1303 : i32 to index
      %get3A_1305 = arith.constant 112 : index
      %get3A_1306 = tpu.vector_load %arg7[%get3A_1304, %get3A_1305] {strides = array<i32>} : memref<11x128xi32, #tpu.memory_space<vmem>>, vector<1x16xi32>,
      %get3A_1307 = vector.shape_cast %get3A_1306 : vector<1x16xi32> to vector<16xi32>
      %add3A_1308 = arith.addi %mul3A_1302, %get3A_1307 : vector<16xi32>
      %swap3A_1309 = arith.constant 7 : i32
      %swap3A_1310 = arith.index_cast %swap3A_1309 : i32 to index
      %swap3A_1311 = arith.constant 112 : index
      %swap3A_1312 = tpu.vector_load %arg9[%swap3A_1310, %swap3A_1311] {strides = array<i32>} : memref<11x128xi32, #tpu.memory_space<vmem>>, vector<1x16xi32>,
      %swap3A_1313 = vector.shape_cast %swap3A_1312 : vector<1x16xi32> to vector<16xi32>
      %swap3A_1314 = vector.shape_cast %add3A_1308 : vector<16xi32> to vector<1x16xi32>
      tpu.vector_store %arg9[%swap3A_1310, %swap3A_1311], %swap3A_1314 {strides = array<i32>} : memref<11x128xi32, #tpu.memory_space<vmem>>, vector<1x16xi32>,
      %get3A_1315 = arith.constant 8 : i32
      %get3A_1316 = arith.index_cast %get3A_1315 : i32 to index
      %get3A_1317 = arith.constant 0 : index
      %get3A_1318 = tpu.vector_load %arg6[%get3A_1316, %get3A_1317] {strides = array<i32>} : memref<11x128xi32, #tpu.memory_space<vmem>>, vector<1x16xi32>,
      %get3A_1319 = vector.shape_cast %get3A_1318 : vector<1x16xi32> to vector<16xi32>
      %mul3A_1320 = arith.constant 2592 : i32
      %mul3A_1321 = vector.broadcast %mul3A_1320 : i32 to vector<16xi32>
      %mul3A_1322 = arith.muli %get3A_1319, %mul3A_1321 : vector<16xi32>
      %get3A_1323 = arith.constant 8 : i32
      %get3A_1324 = arith.index_cast %get3A_1323 : i32 to index
      %get3A_1325 = arith.constant 0 : index
      %get3A_1326 = tpu.vector_load %arg7[%get3A_1324, %get3A_1325] {strides = array<i32>} : memref<11x128xi32, #tpu.memory_space<vmem>>, vector<1x16xi32>,
      %get3A_1327 = vector.shape_cast %get3A_1326 : vector<1x16xi32> to vector<16xi32>
      %add3A_1328 = arith.addi %mul3A_1322, %get3A_1327 : vector<16xi32>
      %swap3A_1329 = arith.constant 8 : i32
      %swap3A_1330 = arith.index_cast %swap3A_1329 : i32 to index
      %swap3A_1331 = arith.constant 0 : index
      %swap3A_1332 = tpu.vector_load %arg9[%swap3A_1330, %swap3A_1331] {strides = array<i32>} : memref<11x128xi32, #tpu.memory_space<vmem>>, vector<1x16xi32>,
      %swap3A_1333 = vector.shape_cast %swap3A_1332 : vector<1x16xi32> to vector<16xi32>
      %swap3A_1334 = vector.shape_cast %add3A_1328 : vector<16xi32> to vector<1x16xi32>
      tpu.vector_store %arg9[%swap3A_1330, %swap3A_1331], %swap3A_1334 {strides = array<i32>} : memref<11x128xi32, #tpu.memory_space<vmem>>, vector<1x16xi32>,
      %get3A_1335 = arith.constant 8 : i32
      %get3A_1336 = arith.index_cast %get3A_1335 : i32 to index
      %get3A_1337 = arith.constant 16 : index
      %get3A_1338 = tpu.vector_load %arg6[%get3A_1336, %get3A_1337] {strides = array<i32>} : memref<11x128xi32, #tpu.memory_space<vmem>>, vector<1x16xi32>,
      %get3A_1339 = vector.shape_cast %get3A_1338 : vector<1x16xi32> to vector<16xi32>
      %mul3A_1340 = arith.constant 2592 : i32
      %mul3A_1341 = vector.broadcast %mul3A_1340 : i32 to vector<16xi32>
      %mul3A_1342 = arith.muli %get3A_1339, %mul3A_1341 : vector<16xi32>
      %get3A_1343 = arith.constant 8 : i32
      %get3A_1344 = arith.index_cast %get3A_1343 : i32 to index
      %get3A_1345 = arith.constant 16 : index
      %get3A_1346 = tpu.vector_load %arg7[%get3A_1344, %get3A_1345] {strides = array<i32>} : memref<11x128xi32, #tpu.memory_space<vmem>>, vector<1x16xi32>,
      %get3A_1347 = vector.shape_cast %get3A_1346 : vector<1x16xi32> to vector<16xi32>
      %add3A_1348 = arith.addi %mul3A_1342, %get3A_1347 : vector<16xi32>
      %swap3A_1349 = arith.constant 8 : i32
      %swap3A_1350 = arith.index_cast %swap3A_1349 : i32 to index
      %swap3A_1351 = arith.constant 16 : index
      %swap3A_1352 = tpu.vector_load %arg9[%swap3A_1350, %swap3A_1351] {strides = array<i32>} : memref<11x128xi32, #tpu.memory_space<vmem>>, vector<1x16xi32>,
      %swap3A_1353 = vector.shape_cast %swap3A_1352 : vector<1x16xi32> to vector<16xi32>
      %swap3A_1354 = vector.shape_cast %add3A_1348 : vector<16xi32> to vector<1x16xi32>
      tpu.vector_store %arg9[%swap3A_1350, %swap3A_1351], %swap3A_1354 {strides = array<i32>} : memref<11x128xi32, #tpu.memory_space<vmem>>, vector<1x16xi32>,
      %get3A_1355 = arith.constant 8 : i32
      %get3A_1356 = arith.index_cast %get3A_1355 : i32 to index
      %get3A_1357 = arith.constant 32 : index
      %get3A_1358 = tpu.vector_load %arg6[%get3A_1356, %get3A_1357] {strides = array<i32>} : memref<11x128xi32, #tpu.memory_space<vmem>>, vector<1x16xi32>,
      %get3A_1359 = vector.shape_cast %get3A_1358 : vector<1x16xi32> to vector<16xi32>
      %mul3A_1360 = arith.constant 2592 : i32
      %mul3A_1361 = vector.broadcast %mul3A_1360 : i32 to vector<16xi32>
      %mul3A_1362 = arith.muli %get3A_1359, %mul3A_1361 : vector<16xi32>
      %get3A_1363 = arith.constant 8 : i32
      %get3A_1364 = arith.index_cast %get3A_1363 : i32 to index
      %get3A_1365 = arith.constant 32 : index
      %get3A_1366 = tpu.vector_load %arg7[%get3A_1364, %get3A_1365] {strides = array<i32>} : memref<11x128xi32, #tpu.memory_space<vmem>>, vector<1x16xi32>,
      %get3A_1367 = vector.shape_cast %get3A_1366 : vector<1x16xi32> to vector<16xi32>
      %add3A_1368 = arith.addi %mul3A_1362, %get3A_1367 : vector<16xi32>
      %swap3A_1369 = arith.constant 8 : i32
      %swap3A_1370 = arith.index_cast %swap3A_1369 : i32 to index
      %swap3A_1371 = arith.constant 32 : index
      %swap3A_1372 = tpu.vector_load %arg9[%swap3A_1370, %swap3A_1371] {strides = array<i32>} : memref<11x128xi32, #tpu.memory_space<vmem>>, vector<1x16xi32>,
      %swap3A_1373 = vector.shape_cast %swap3A_1372 : vector<1x16xi32> to vector<16xi32>
      %swap3A_1374 = vector.shape_cast %add3A_1368 : vector<16xi32> to vector<1x16xi32>
      tpu.vector_store %arg9[%swap3A_1370, %swap3A_1371], %swap3A_1374 {strides = array<i32>} : memref<11x128xi32, #tpu.memory_space<vmem>>, vector<1x16xi32>,
      %get3A_1375 = arith.constant 8 : i32
      %get3A_1376 = arith.index_cast %get3A_1375 : i32 to index
      %get3A_1377 = arith.constant 48 : index
      %get3A_1378 = tpu.vector_load %arg6[%get3A_1376, %get3A_1377] {strides = array<i32>} : memref<11x128xi32, #tpu.memory_space<vmem>>, vector<1x16xi32>,
      %get3A_1379 = vector.shape_cast %get3A_1378 : vector<1x16xi32> to vector<16xi32>
      %mul3A_1380 = arith.constant 2592 : i32
      %mul3A_1381 = vector.broadcast %mul3A_1380 : i32 to vector<16xi32>
      %mul3A_1382 = arith.muli %get3A_1379, %mul3A_1381 : vector<16xi32>
      %get3A_1383 = arith.constant 8 : i32
      %get3A_1384 = arith.index_cast %get3A_1383 : i32 to index
      %get3A_1385 = arith.constant 48 : index
      %get3A_1386 = tpu.vector_load %arg7[%get3A_1384, %get3A_1385] {strides = array<i32>} : memref<11x128xi32, #tpu.memory_space<vmem>>, vector<1x16xi32>,
      %get3A_1387 = vector.shape_cast %get3A_1386 : vector<1x16xi32> to vector<16xi32>
      %add3A_1388 = arith.addi %mul3A_1382, %get3A_1387 : vector<16xi32>
      %swap3A_1389 = arith.constant 8 : i32
      %swap3A_1390 = arith.index_cast %swap3A_1389 : i32 to index
      %swap3A_1391 = arith.constant 48 : index
      %swap3A_1392 = tpu.vector_load %arg9[%swap3A_1390, %swap3A_1391] {strides = array<i32>} : memref<11x128xi32, #tpu.memory_space<vmem>>, vector<1x16xi32>,
      %swap3A_1393 = vector.shape_cast %swap3A_1392 : vector<1x16xi32> to vector<16xi32>
      %swap3A_1394 = vector.shape_cast %add3A_1388 : vector<16xi32> to vector<1x16xi32>
      tpu.vector_store %arg9[%swap3A_1390, %swap3A_1391], %swap3A_1394 {strides = array<i32>} : memref<11x128xi32, #tpu.memory_space<vmem>>, vector<1x16xi32>,
      %get3A_1395 = arith.constant 8 : i32
      %get3A_1396 = arith.index_cast %get3A_1395 : i32 to index
      %get3A_1397 = arith.constant 64 : index
      %get3A_1398 = tpu.vector_load %arg6[%get3A_1396, %get3A_1397] {strides = array<i32>} : memref<11x128xi32, #tpu.memory_space<vmem>>, vector<1x16xi32>,
      %get3A_1399 = vector.shape_cast %get3A_1398 : vector<1x16xi32> to vector<16xi32>
      %mul3A_1400 = arith.constant 2592 : i32
      %mul3A_1401 = vector.broadcast %mul3A_1400 : i32 to vector<16xi32>
      %mul3A_1402 = arith.muli %get3A_1399, %mul3A_1401 : vector<16xi32>
      %get3A_1403 = arith.constant 8 : i32
      %get3A_1404 = arith.index_cast %get3A_1403 : i32 to index
      %get3A_1405 = arith.constant 64 : index
      %get3A_1406 = tpu.vector_load %arg7[%get3A_1404, %get3A_1405] {strides = array<i32>} : memref<11x128xi32, #tpu.memory_space<vmem>>, vector<1x16xi32>,
      %get3A_1407 = vector.shape_cast %get3A_1406 : vector<1x16xi32> to vector<16xi32>
      %add3A_1408 = arith.addi %mul3A_1402, %get3A_1407 : vector<16xi32>
      %swap3A_1409 = arith.constant 8 : i32
      %swap3A_1410 = arith.index_cast %swap3A_1409 : i32 to index
      %swap3A_1411 = arith.constant 64 : index
      %swap3A_1412 = tpu.vector_load %arg9[%swap3A_1410, %swap3A_1411] {strides = array<i32>} : memref<11x128xi32, #tpu.memory_space<vmem>>, vector<1x16xi32>,
      %swap3A_1413 = vector.shape_cast %swap3A_1412 : vector<1x16xi32> to vector<16xi32>
      %swap3A_1414 = vector.shape_cast %add3A_1408 : vector<16xi32> to vector<1x16xi32>
      tpu.vector_store %arg9[%swap3A_1410, %swap3A_1411], %swap3A_1414 {strides = array<i32>} : memref<11x128xi32, #tpu.memory_space<vmem>>, vector<1x16xi32>,
      %get3A_1415 = arith.constant 8 : i32
      %get3A_1416 = arith.index_cast %get3A_1415 : i32 to index
      %get3A_1417 = arith.constant 80 : index
      %get3A_1418 = tpu.vector_load %arg6[%get3A_1416, %get3A_1417] {strides = array<i32>} : memref<11x128xi32, #tpu.memory_space<vmem>>, vector<1x16xi32>,
      %get3A_1419 = vector.shape_cast %get3A_1418 : vector<1x16xi32> to vector<16xi32>
      %mul3A_1420 = arith.constant 2592 : i32
      %mul3A_1421 = vector.broadcast %mul3A_1420 : i32 to vector<16xi32>
      %mul3A_1422 = arith.muli %get3A_1419, %mul3A_1421 : vector<16xi32>
      %get3A_1423 = arith.constant 8 : i32
      %get3A_1424 = arith.index_cast %get3A_1423 : i32 to index
      %get3A_1425 = arith.constant 80 : index
      %get3A_1426 = tpu.vector_load %arg7[%get3A_1424, %get3A_1425] {strides = array<i32>} : memref<11x128xi32, #tpu.memory_space<vmem>>, vector<1x16xi32>,
      %get3A_1427 = vector.shape_cast %get3A_1426 : vector<1x16xi32> to vector<16xi32>
      %add3A_1428 = arith.addi %mul3A_1422, %get3A_1427 : vector<16xi32>
      %swap3A_1429 = arith.constant 8 : i32
      %swap3A_1430 = arith.index_cast %swap3A_1429 : i32 to index
      %swap3A_1431 = arith.constant 80 : index
      %swap3A_1432 = tpu.vector_load %arg9[%swap3A_1430, %swap3A_1431] {strides = array<i32>} : memref<11x128xi32, #tpu.memory_space<vmem>>, vector<1x16xi32>,
      %swap3A_1433 = vector.shape_cast %swap3A_1432 : vector<1x16xi32> to vector<16xi32>
      %swap3A_1434 = vector.shape_cast %add3A_1428 : vector<16xi32> to vector<1x16xi32>
      tpu.vector_store %arg9[%swap3A_1430, %swap3A_1431], %swap3A_1434 {strides = array<i32>} : memref<11x128xi32, #tpu.memory_space<vmem>>, vector<1x16xi32>,
      %get3A_1435 = arith.constant 8 : i32
      %get3A_1436 = arith.index_cast %get3A_1435 : i32 to index
      %get3A_1437 = arith.constant 96 : index
      %get3A_1438 = tpu.vector_load %arg6[%get3A_1436, %get3A_1437] {strides = array<i32>} : memref<11x128xi32, #tpu.memory_space<vmem>>, vector<1x16xi32>,
      %get3A_1439 = vector.shape_cast %get3A_1438 : vector<1x16xi32> to vector<16xi32>
      %mul3A_1440 = arith.constant 2592 : i32
      %mul3A_1441 = vector.broadcast %mul3A_1440 : i32 to vector<16xi32>
      %mul3A_1442 = arith.muli %get3A_1439, %mul3A_1441 : vector<16xi32>
      %get3A_1443 = arith.constant 8 : i32
      %get3A_1444 = arith.index_cast %get3A_1443 : i32 to index
      %get3A_1445 = arith.constant 96 : index
      %get3A_1446 = tpu.vector_load %arg7[%get3A_1444, %get3A_1445] {strides = array<i32>} : memref<11x128xi32, #tpu.memory_space<vmem>>, vector<1x16xi32>,
      %get3A_1447 = vector.shape_cast %get3A_1446 : vector<1x16xi32> to vector<16xi32>
      %add3A_1448 = arith.addi %mul3A_1442, %get3A_1447 : vector<16xi32>
      %swap3A_1449 = arith.constant 8 : i32
      %swap3A_1450 = arith.index_cast %swap3A_1449 : i32 to index
      %swap3A_1451 = arith.constant 96 : index
      %swap3A_1452 = tpu.vector_load %arg9[%swap3A_1450, %swap3A_1451] {strides = array<i32>} : memref<11x128xi32, #tpu.memory_space<vmem>>, vector<1x16xi32>,
      %swap3A_1453 = vector.shape_cast %swap3A_1452 : vector<1x16xi32> to vector<16xi32>
      %swap3A_1454 = vector.shape_cast %add3A_1448 : vector<16xi32> to vector<1x16xi32>
      tpu.vector_store %arg9[%swap3A_1450, %swap3A_1451], %swap3A_1454 {strides = array<i32>} : memref<11x128xi32, #tpu.memory_space<vmem>>, vector<1x16xi32>,
      %get3A_1455 = arith.constant 8 : i32
      %get3A_1456 = arith.index_cast %get3A_1455 : i32 to index
      %get3A_1457 = arith.constant 112 : index
      %get3A_1458 = tpu.vector_load %arg6[%get3A_1456, %get3A_1457] {strides = array<i32>} : memref<11x128xi32, #tpu.memory_space<vmem>>, vector<1x16xi32>,
      %get3A_1459 = vector.shape_cast %get3A_1458 : vector<1x16xi32> to vector<16xi32>
      %mul3A_1460 = arith.constant 2592 : i32
      %mul3A_1461 = vector.broadcast %mul3A_1460 : i32 to vector<16xi32>
      %mul3A_1462 = arith.muli %get3A_1459, %mul3A_1461 : vector<16xi32>
      %get3A_1463 = arith.constant 8 : i32
      %get3A_1464 = arith.index_cast %get3A_1463 : i32 to index
      %get3A_1465 = arith.constant 112 : index
      %get3A_1466 = tpu.vector_load %arg7[%get3A_1464, %get3A_1465] {strides = array<i32>} : memref<11x128xi32, #tpu.memory_space<vmem>>, vector<1x16xi32>,
      %get3A_1467 = vector.shape_cast %get3A_1466 : vector<1x16xi32> to vector<16xi32>
      %add3A_1468 = arith.addi %mul3A_1462, %get3A_1467 : vector<16xi32>
      %swap3A_1469 = arith.constant 8 : i32
      %swap3A_1470 = arith.index_cast %swap3A_1469 : i32 to index
      %swap3A_1471 = arith.constant 112 : index
      %swap3A_1472 = tpu.vector_load %arg9[%swap3A_1470, %swap3A_1471] {strides = array<i32>} : memref<11x128xi32, #tpu.memory_space<vmem>>, vector<1x16xi32>,
      %swap3A_1473 = vector.shape_cast %swap3A_1472 : vector<1x16xi32> to vector<16xi32>
      %swap3A_1474 = vector.shape_cast %add3A_1468 : vector<16xi32> to vector<1x16xi32>
      tpu.vector_store %arg9[%swap3A_1470, %swap3A_1471], %swap3A_1474 {strides = array<i32>} : memref<11x128xi32, #tpu.memory_space<vmem>>, vector<1x16xi32>,
      %get3A_1475 = arith.constant 9 : i32
      %get3A_1476 = arith.index_cast %get3A_1475 : i32 to index
      %get3A_1477 = arith.constant 0 : index
      %get3A_1478 = tpu.vector_load %arg6[%get3A_1476, %get3A_1477] {strides = array<i32>} : memref<11x128xi32, #tpu.memory_space<vmem>>, vector<1x16xi32>,
      %get3A_1479 = vector.shape_cast %get3A_1478 : vector<1x16xi32> to vector<16xi32>
      %mul3A_1480 = arith.constant 2592 : i32
      %mul3A_1481 = vector.broadcast %mul3A_1480 : i32 to vector<16xi32>
      %mul3A_1482 = arith.muli %get3A_1479, %mul3A_1481 : vector<16xi32>
      %get3A_1483 = arith.constant 9 : i32
      %get3A_1484 = arith.index_cast %get3A_1483 : i32 to index
      %get3A_1485 = arith.constant 0 : index
      %get3A_1486 = tpu.vector_load %arg7[%get3A_1484, %get3A_1485] {strides = array<i32>} : memref<11x128xi32, #tpu.memory_space<vmem>>, vector<1x16xi32>,
      %get3A_1487 = vector.shape_cast %get3A_1486 : vector<1x16xi32> to vector<16xi32>
      %add3A_1488 = arith.addi %mul3A_1482, %get3A_1487 : vector<16xi32>
      %swap3A_1489 = arith.constant 9 : i32
      %swap3A_1490 = arith.index_cast %swap3A_1489 : i32 to index
      %swap3A_1491 = arith.constant 0 : index
      %swap3A_1492 = tpu.vector_load %arg9[%swap3A_1490, %swap3A_1491] {strides = array<i32>} : memref<11x128xi32, #tpu.memory_space<vmem>>, vector<1x16xi32>,
      %swap3A_1493 = vector.shape_cast %swap3A_1492 : vector<1x16xi32> to vector<16xi32>
      %swap3A_1494 = vector.shape_cast %add3A_1488 : vector<16xi32> to vector<1x16xi32>
      tpu.vector_store %arg9[%swap3A_1490, %swap3A_1491], %swap3A_1494 {strides = array<i32>} : memref<11x128xi32, #tpu.memory_space<vmem>>, vector<1x16xi32>,
      %get3A_1495 = arith.constant 9 : i32
      %get3A_1496 = arith.index_cast %get3A_1495 : i32 to index
      %get3A_1497 = arith.constant 16 : index
      %get3A_1498 = tpu.vector_load %arg6[%get3A_1496, %get3A_1497] {strides = array<i32>} : memref<11x128xi32, #tpu.memory_space<vmem>>, vector<1x16xi32>,
      %get3A_1499 = vector.shape_cast %get3A_1498 : vector<1x16xi32> to vector<16xi32>
      %mul3A_1500 = arith.constant 2592 : i32
      %mul3A_1501 = vector.broadcast %mul3A_1500 : i32 to vector<16xi32>
      %mul3A_1502 = arith.muli %get3A_1499, %mul3A_1501 : vector<16xi32>
      %get3A_1503 = arith.constant 9 : i32
      %get3A_1504 = arith.index_cast %get3A_1503 : i32 to index
      %get3A_1505 = arith.constant 16 : index
      %get3A_1506 = tpu.vector_load %arg7[%get3A_1504, %get3A_1505] {strides = array<i32>} : memref<11x128xi32, #tpu.memory_space<vmem>>, vector<1x16xi32>,
      %get3A_1507 = vector.shape_cast %get3A_1506 : vector<1x16xi32> to vector<16xi32>
      %add3A_1508 = arith.addi %mul3A_1502, %get3A_1507 : vector<16xi32>
      %swap3A_1509 = arith.constant 9 : i32
      %swap3A_1510 = arith.index_cast %swap3A_1509 : i32 to index
      %swap3A_1511 = arith.constant 16 : index
      %swap3A_1512 = tpu.vector_load %arg9[%swap3A_1510, %swap3A_1511] {strides = array<i32>} : memref<11x128xi32, #tpu.memory_space<vmem>>, vector<1x16xi32>,
      %swap3A_1513 = vector.shape_cast %swap3A_1512 : vector<1x16xi32> to vector<16xi32>
      %swap3A_1514 = vector.shape_cast %add3A_1508 : vector<16xi32> to vector<1x16xi32>
      tpu.vector_store %arg9[%swap3A_1510, %swap3A_1511], %swap3A_1514 {strides = array<i32>} : memref<11x128xi32, #tpu.memory_space<vmem>>, vector<1x16xi32>,
      %get3A_1515 = arith.constant 9 : i32
      %get3A_1516 = arith.index_cast %get3A_1515 : i32 to index
      %get3A_1517 = arith.constant 32 : index
      %get3A_1518 = tpu.vector_load %arg6[%get3A_1516, %get3A_1517] {strides = array<i32>} : memref<11x128xi32, #tpu.memory_space<vmem>>, vector<1x16xi32>,
      %get3A_1519 = vector.shape_cast %get3A_1518 : vector<1x16xi32> to vector<16xi32>
      %mul3A_1520 = arith.constant 2592 : i32
      %mul3A_1521 = vector.broadcast %mul3A_1520 : i32 to vector<16xi32>
      %mul3A_1522 = arith.muli %get3A_1519, %mul3A_1521 : vector<16xi32>
      %get3A_1523 = arith.constant 9 : i32
      %get3A_1524 = arith.index_cast %get3A_1523 : i32 to index
      %get3A_1525 = arith.constant 32 : index
      %get3A_1526 = tpu.vector_load %arg7[%get3A_1524, %get3A_1525] {strides = array<i32>} : memref<11x128xi32, #tpu.memory_space<vmem>>, vector<1x16xi32>,
      %get3A_1527 = vector.shape_cast %get3A_1526 : vector<1x16xi32> to vector<16xi32>
      %add3A_1528 = arith.addi %mul3A_1522, %get3A_1527 : vector<16xi32>
      %swap3A_1529 = arith.constant 9 : i32
      %swap3A_1530 = arith.index_cast %swap3A_1529 : i32 to index
      %swap3A_1531 = arith.constant 32 : index
      %swap3A_1532 = tpu.vector_load %arg9[%swap3A_1530, %swap3A_1531] {strides = array<i32>} : memref<11x128xi32, #tpu.memory_space<vmem>>, vector<1x16xi32>,
      %swap3A_1533 = vector.shape_cast %swap3A_1532 : vector<1x16xi32> to vector<16xi32>
      %swap3A_1534 = vector.shape_cast %add3A_1528 : vector<16xi32> to vector<1x16xi32>
      tpu.vector_store %arg9[%swap3A_1530, %swap3A_1531], %swap3A_1534 {strides = array<i32>} : memref<11x128xi32, #tpu.memory_space<vmem>>, vector<1x16xi32>,
      %get3A_1535 = arith.constant 9 : i32
      %get3A_1536 = arith.index_cast %get3A_1535 : i32 to index
      %get3A_1537 = arith.constant 48 : index
      %get3A_1538 = tpu.vector_load %arg6[%get3A_1536, %get3A_1537] {strides = array<i32>} : memref<11x128xi32, #tpu.memory_space<vmem>>, vector<1x16xi32>,
      %get3A_1539 = vector.shape_cast %get3A_1538 : vector<1x16xi32> to vector<16xi32>
      %mul3A_1540 = arith.constant 2592 : i32
      %mul3A_1541 = vector.broadcast %mul3A_1540 : i32 to vector<16xi32>
      %mul3A_1542 = arith.muli %get3A_1539, %mul3A_1541 : vector<16xi32>
      %get3A_1543 = arith.constant 9 : i32
      %get3A_1544 = arith.index_cast %get3A_1543 : i32 to index
      %get3A_1545 = arith.constant 48 : index
      %get3A_1546 = tpu.vector_load %arg7[%get3A_1544, %get3A_1545] {strides = array<i32>} : memref<11x128xi32, #tpu.memory_space<vmem>>, vector<1x16xi32>,
      %get3A_1547 = vector.shape_cast %get3A_1546 : vector<1x16xi32> to vector<16xi32>
      %add3A_1548 = arith.addi %mul3A_1542, %get3A_1547 : vector<16xi32>
      %swap3A_1549 = arith.constant 9 : i32
      %swap3A_1550 = arith.index_cast %swap3A_1549 : i32 to index
      %swap3A_1551 = arith.constant 48 : index
      %swap3A_1552 = tpu.vector_load %arg9[%swap3A_1550, %swap3A_1551] {strides = array<i32>} : memref<11x128xi32, #tpu.memory_space<vmem>>, vector<1x16xi32>,
      %swap3A_1553 = vector.shape_cast %swap3A_1552 : vector<1x16xi32> to vector<16xi32>
      %swap3A_1554 = vector.shape_cast %add3A_1548 : vector<16xi32> to vector<1x16xi32>
      tpu.vector_store %arg9[%swap3A_1550, %swap3A_1551], %swap3A_1554 {strides = array<i32>} : memref<11x128xi32, #tpu.memory_space<vmem>>, vector<1x16xi32>,
      %get3A_1555 = arith.constant 9 : i32
      %get3A_1556 = arith.index_cast %get3A_1555 : i32 to index
      %get3A_1557 = arith.constant 64 : index
      %get3A_1558 = tpu.vector_load %arg6[%get3A_1556, %get3A_1557] {strides = array<i32>} : memref<11x128xi32, #tpu.memory_space<vmem>>, vector<1x16xi32>,
      %get3A_1559 = vector.shape_cast %get3A_1558 : vector<1x16xi32> to vector<16xi32>
      %mul3A_1560 = arith.constant 2592 : i32
      %mul3A_1561 = vector.broadcast %mul3A_1560 : i32 to vector<16xi32>
      %mul3A_1562 = arith.muli %get3A_1559, %mul3A_1561 : vector<16xi32>
      %get3A_1563 = arith.constant 9 : i32
      %get3A_1564 = arith.index_cast %get3A_1563 : i32 to index
      %get3A_1565 = arith.constant 64 : index
      %get3A_1566 = tpu.vector_load %arg7[%get3A_1564, %get3A_1565] {strides = array<i32>} : memref<11x128xi32, #tpu.memory_space<vmem>>, vector<1x16xi32>,
      %get3A_1567 = vector.shape_cast %get3A_1566 : vector<1x16xi32> to vector<16xi32>
      %add3A_1568 = arith.addi %mul3A_1562, %get3A_1567 : vector<16xi32>
      %swap3A_1569 = arith.constant 9 : i32
      %swap3A_1570 = arith.index_cast %swap3A_1569 : i32 to index
      %swap3A_1571 = arith.constant 64 : index
      %swap3A_1572 = tpu.vector_load %arg9[%swap3A_1570, %swap3A_1571] {strides = array<i32>} : memref<11x128xi32, #tpu.memory_space<vmem>>, vector<1x16xi32>,
      %swap3A_1573 = vector.shape_cast %swap3A_1572 : vector<1x16xi32> to vector<16xi32>
      %swap3A_1574 = vector.shape_cast %add3A_1568 : vector<16xi32> to vector<1x16xi32>
      tpu.vector_store %arg9[%swap3A_1570, %swap3A_1571], %swap3A_1574 {strides = array<i32>} : memref<11x128xi32, #tpu.memory_space<vmem>>, vector<1x16xi32>,
      %get3A_1575 = arith.constant 9 : i32
      %get3A_1576 = arith.index_cast %get3A_1575 : i32 to index
      %get3A_1577 = arith.constant 80 : index
      %get3A_1578 = tpu.vector_load %arg6[%get3A_1576, %get3A_1577] {strides = array<i32>} : memref<11x128xi32, #tpu.memory_space<vmem>>, vector<1x16xi32>,
      %get3A_1579 = vector.shape_cast %get3A_1578 : vector<1x16xi32> to vector<16xi32>
      %mul3A_1580 = arith.constant 2592 : i32
      %mul3A_1581 = vector.broadcast %mul3A_1580 : i32 to vector<16xi32>
      %mul3A_1582 = arith.muli %get3A_1579, %mul3A_1581 : vector<16xi32>
      %get3A_1583 = arith.constant 9 : i32
      %get3A_1584 = arith.index_cast %get3A_1583 : i32 to index
      %get3A_1585 = arith.constant 80 : index
      %get3A_1586 = tpu.vector_load %arg7[%get3A_1584, %get3A_1585] {strides = array<i32>} : memref<11x128xi32, #tpu.memory_space<vmem>>, vector<1x16xi32>,
      %get3A_1587 = vector.shape_cast %get3A_1586 : vector<1x16xi32> to vector<16xi32>
      %add3A_1588 = arith.addi %mul3A_1582, %get3A_1587 : vector<16xi32>
      %swap3A_1589 = arith.constant 9 : i32
      %swap3A_1590 = arith.index_cast %swap3A_1589 : i32 to index
      %swap3A_1591 = arith.constant 80 : index
      %swap3A_1592 = tpu.vector_load %arg9[%swap3A_1590, %swap3A_1591] {strides = array<i32>} : memref<11x128xi32, #tpu.memory_space<vmem>>, vector<1x16xi32>,
      %swap3A_1593 = vector.shape_cast %swap3A_1592 : vector<1x16xi32> to vector<16xi32>
      %swap3A_1594 = vector.shape_cast %add3A_1588 : vector<16xi32> to vector<1x16xi32>
      tpu.vector_store %arg9[%swap3A_1590, %swap3A_1591], %swap3A_1594 {strides = array<i32>} : memref<11x128xi32, #tpu.memory_space<vmem>>, vector<1x16xi32>,
      %get3A_1595 = arith.constant 9 : i32
      %get3A_1596 = arith.index_cast %get3A_1595 : i32 to index
      %get3A_1597 = arith.constant 96 : index
      %get3A_1598 = tpu.vector_load %arg6[%get3A_1596, %get3A_1597] {strides = array<i32>} : memref<11x128xi32, #tpu.memory_space<vmem>>, vector<1x16xi32>,
      %get3A_1599 = vector.shape_cast %get3A_1598 : vector<1x16xi32> to vector<16xi32>
      %mul3A_1600 = arith.constant 2592 : i32
      %mul3A_1601 = vector.broadcast %mul3A_1600 : i32 to vector<16xi32>
      %mul3A_1602 = arith.muli %get3A_1599, %mul3A_1601 : vector<16xi32>
      %get3A_1603 = arith.constant 9 : i32
      %get3A_1604 = arith.index_cast %get3A_1603 : i32 to index
      %get3A_1605 = arith.constant 96 : index
      %get3A_1606 = tpu.vector_load %arg7[%get3A_1604, %get3A_1605] {strides = array<i32>} : memref<11x128xi32, #tpu.memory_space<vmem>>, vector<1x16xi32>,
      %get3A_1607 = vector.shape_cast %get3A_1606 : vector<1x16xi32> to vector<16xi32>
      %add3A_1608 = arith.addi %mul3A_1602, %get3A_1607 : vector<16xi32>
      %swap3A_1609 = arith.constant 9 : i32
      %swap3A_1610 = arith.index_cast %swap3A_1609 : i32 to index
      %swap3A_1611 = arith.constant 96 : index
      %swap3A_1612 = tpu.vector_load %arg9[%swap3A_1610, %swap3A_1611] {strides = array<i32>} : memref<11x128xi32, #tpu.memory_space<vmem>>, vector<1x16xi32>,
      %swap3A_1613 = vector.shape_cast %swap3A_1612 : vector<1x16xi32> to vector<16xi32>
      %swap3A_1614 = vector.shape_cast %add3A_1608 : vector<16xi32> to vector<1x16xi32>
      tpu.vector_store %arg9[%swap3A_1610, %swap3A_1611], %swap3A_1614 {strides = array<i32>} : memref<11x128xi32, #tpu.memory_space<vmem>>, vector<1x16xi32>,
      %get3A_1615 = arith.constant 9 : i32
      %get3A_1616 = arith.index_cast %get3A_1615 : i32 to index
      %get3A_1617 = arith.constant 112 : index
      %get3A_1618 = tpu.vector_load %arg6[%get3A_1616, %get3A_1617] {strides = array<i32>} : memref<11x128xi32, #tpu.memory_space<vmem>>, vector<1x16xi32>,
      %get3A_1619 = vector.shape_cast %get3A_1618 : vector<1x16xi32> to vector<16xi32>
      %mul3A_1620 = arith.constant 2592 : i32
      %mul3A_1621 = vector.broadcast %mul3A_1620 : i32 to vector<16xi32>
      %mul3A_1622 = arith.muli %get3A_1619, %mul3A_1621 : vector<16xi32>
      %get3A_1623 = arith.constant 9 : i32
      %get3A_1624 = arith.index_cast %get3A_1623 : i32 to index
      %get3A_1625 = arith.constant 112 : index
      %get3A_1626 = tpu.vector_load %arg7[%get3A_1624, %get3A_1625] {strides = array<i32>} : memref<11x128xi32, #tpu.memory_space<vmem>>, vector<1x16xi32>,
      %get3A_1627 = vector.shape_cast %get3A_1626 : vector<1x16xi32> to vector<16xi32>
      %add3A_1628 = arith.addi %mul3A_1622, %get3A_1627 : vector<16xi32>
      %swap3A_1629 = arith.constant 9 : i32
      %swap3A_1630 = arith.index_cast %swap3A_1629 : i32 to index
      %swap3A_1631 = arith.constant 112 : index
      %swap3A_1632 = tpu.vector_load %arg9[%swap3A_1630, %swap3A_1631] {strides = array<i32>} : memref<11x128xi32, #tpu.memory_space<vmem>>, vector<1x16xi32>,
      %swap3A_1633 = vector.shape_cast %swap3A_1632 : vector<1x16xi32> to vector<16xi32>
      %swap3A_1634 = vector.shape_cast %add3A_1628 : vector<16xi32> to vector<1x16xi32>
      tpu.vector_store %arg9[%swap3A_1630, %swap3A_1631], %swap3A_1634 {strides = array<i32>} : memref<11x128xi32, #tpu.memory_space<vmem>>, vector<1x16xi32>,
      %get3A_1635 = arith.constant 10 : i32
      %get3A_1636 = arith.index_cast %get3A_1635 : i32 to index
      %get3A_1637 = arith.constant 0 : index
      %get3A_1638 = tpu.vector_load %arg6[%get3A_1636, %get3A_1637] {strides = array<i32>} : memref<11x128xi32, #tpu.memory_space<vmem>>, vector<1x16xi32>,
      %get3A_1639 = vector.shape_cast %get3A_1638 : vector<1x16xi32> to vector<16xi32>
      %mul3A_1640 = arith.constant 2592 : i32
      %mul3A_1641 = vector.broadcast %mul3A_1640 : i32 to vector<16xi32>
      %mul3A_1642 = arith.muli %get3A_1639, %mul3A_1641 : vector<16xi32>
      %get3A_1643 = arith.constant 10 : i32
      %get3A_1644 = arith.index_cast %get3A_1643 : i32 to index
      %get3A_1645 = arith.constant 0 : index
      %get3A_1646 = tpu.vector_load %arg7[%get3A_1644, %get3A_1645] {strides = array<i32>} : memref<11x128xi32, #tpu.memory_space<vmem>>, vector<1x16xi32>,
      %get3A_1647 = vector.shape_cast %get3A_1646 : vector<1x16xi32> to vector<16xi32>
      %add3A_1648 = arith.addi %mul3A_1642, %get3A_1647 : vector<16xi32>
      %swap3A_1649 = arith.constant 10 : i32
      %swap3A_1650 = arith.index_cast %swap3A_1649 : i32 to index
      %swap3A_1651 = arith.constant 0 : index
      %swap3A_1652 = tpu.vector_load %arg9[%swap3A_1650, %swap3A_1651] {strides = array<i32>} : memref<11x128xi32, #tpu.memory_space<vmem>>, vector<1x16xi32>,
      %swap3A_1653 = vector.shape_cast %swap3A_1652 : vector<1x16xi32> to vector<16xi32>
      %swap3A_1654 = vector.shape_cast %add3A_1648 : vector<16xi32> to vector<1x16xi32>
      tpu.vector_store %arg9[%swap3A_1650, %swap3A_1651], %swap3A_1654 {strides = array<i32>} : memref<11x128xi32, #tpu.memory_space<vmem>>, vector<1x16xi32>,
      %get3A_1655 = arith.constant 10 : i32
      %get3A_1656 = arith.index_cast %get3A_1655 : i32 to index
      %get3A_1657 = arith.constant 16 : index
      %get3A_1658 = tpu.vector_load %arg6[%get3A_1656, %get3A_1657] {strides = array<i32>} : memref<11x128xi32, #tpu.memory_space<vmem>>, vector<1x16xi32>,
      %get3A_1659 = vector.shape_cast %get3A_1658 : vector<1x16xi32> to vector<16xi32>
      %mul3A_1660 = arith.constant 2592 : i32
      %mul3A_1661 = vector.broadcast %mul3A_1660 : i32 to vector<16xi32>
      %mul3A_1662 = arith.muli %get3A_1659, %mul3A_1661 : vector<16xi32>
      %get3A_1663 = arith.constant 10 : i32
      %get3A_1664 = arith.index_cast %get3A_1663 : i32 to index
      %get3A_1665 = arith.constant 16 : index
      %get3A_1666 = tpu.vector_load %arg7[%get3A_1664, %get3A_1665] {strides = array<i32>} : memref<11x128xi32, #tpu.memory_space<vmem>>, vector<1x16xi32>,
      %get3A_1667 = vector.shape_cast %get3A_1666 : vector<1x16xi32> to vector<16xi32>
      %add3A_1668 = arith.addi %mul3A_1662, %get3A_1667 : vector<16xi32>
      %swap3A_1669 = arith.constant 10 : i32
      %swap3A_1670 = arith.index_cast %swap3A_1669 : i32 to index
      %swap3A_1671 = arith.constant 16 : index
      %swap3A_1672 = tpu.vector_load %arg9[%swap3A_1670, %swap3A_1671] {strides = array<i32>} : memref<11x128xi32, #tpu.memory_space<vmem>>, vector<1x16xi32>,
      %swap3A_1673 = vector.shape_cast %swap3A_1672 : vector<1x16xi32> to vector<16xi32>
      %swap3A_1674 = vector.shape_cast %add3A_1668 : vector<16xi32> to vector<1x16xi32>
      tpu.vector_store %arg9[%swap3A_1670, %swap3A_1671], %swap3A_1674 {strides = array<i32>} : memref<11x128xi32, #tpu.memory_space<vmem>>, vector<1x16xi32>,
      %get3A_1675 = arith.constant 10 : i32
      %get3A_1676 = arith.index_cast %get3A_1675 : i32 to index
      %get3A_1677 = arith.constant 32 : index
      %get3A_1678 = tpu.vector_load %arg6[%get3A_1676, %get3A_1677] {strides = array<i32>} : memref<11x128xi32, #tpu.memory_space<vmem>>, vector<1x16xi32>,
      %get3A_1679 = vector.shape_cast %get3A_1678 : vector<1x16xi32> to vector<16xi32>
      %mul3A_1680 = arith.constant 2592 : i32
      %mul3A_1681 = vector.broadcast %mul3A_1680 : i32 to vector<16xi32>
      %mul3A_1682 = arith.muli %get3A_1679, %mul3A_1681 : vector<16xi32>
      %get3A_1683 = arith.constant 10 : i32
      %get3A_1684 = arith.index_cast %get3A_1683 : i32 to index
      %get3A_1685 = arith.constant 32 : index
      %get3A_1686 = tpu.vector_load %arg7[%get3A_1684, %get3A_1685] {strides = array<i32>} : memref<11x128xi32, #tpu.memory_space<vmem>>, vector<1x16xi32>,
      %get3A_1687 = vector.shape_cast %get3A_1686 : vector<1x16xi32> to vector<16xi32>
      %add3A_1688 = arith.addi %mul3A_1682, %get3A_1687 : vector<16xi32>
      %swap3A_1689 = arith.constant 10 : i32
      %swap3A_1690 = arith.index_cast %swap3A_1689 : i32 to index
      %swap3A_1691 = arith.constant 32 : index
      %swap3A_1692 = tpu.vector_load %arg9[%swap3A_1690, %swap3A_1691] {strides = array<i32>} : memref<11x128xi32, #tpu.memory_space<vmem>>, vector<1x16xi32>,
      %swap3A_1693 = vector.shape_cast %swap3A_1692 : vector<1x16xi32> to vector<16xi32>
      %swap3A_1694 = vector.shape_cast %add3A_1688 : vector<16xi32> to vector<1x16xi32>
      tpu.vector_store %arg9[%swap3A_1690, %swap3A_1691], %swap3A_1694 {strides = array<i32>} : memref<11x128xi32, #tpu.memory_space<vmem>>, vector<1x16xi32>,
      %get3A_1695 = arith.constant 10 : i32
      %get3A_1696 = arith.index_cast %get3A_1695 : i32 to index
      %get3A_1697 = arith.constant 48 : index
      %get3A_1698 = tpu.vector_load %arg6[%get3A_1696, %get3A_1697] {strides = array<i32>} : memref<11x128xi32, #tpu.memory_space<vmem>>, vector<1x16xi32>,
      %get3A_1699 = vector.shape_cast %get3A_1698 : vector<1x16xi32> to vector<16xi32>
      %mul3A_1700 = arith.constant 2592 : i32
      %mul3A_1701 = vector.broadcast %mul3A_1700 : i32 to vector<16xi32>
      %mul3A_1702 = arith.muli %get3A_1699, %mul3A_1701 : vector<16xi32>
      %get3A_1703 = arith.constant 10 : i32
      %get3A_1704 = arith.index_cast %get3A_1703 : i32 to index
      %get3A_1705 = arith.constant 48 : index
      %get3A_1706 = tpu.vector_load %arg7[%get3A_1704, %get3A_1705] {strides = array<i32>} : memref<11x128xi32, #tpu.memory_space<vmem>>, vector<1x16xi32>,
      %get3A_1707 = vector.shape_cast %get3A_1706 : vector<1x16xi32> to vector<16xi32>
      %add3A_1708 = arith.addi %mul3A_1702, %get3A_1707 : vector<16xi32>
      %swap3A_1709 = arith.constant 10 : i32
      %swap3A_1710 = arith.index_cast %swap3A_1709 : i32 to index
      %swap3A_1711 = arith.constant 48 : index
      %swap3A_1712 = tpu.vector_load %arg9[%swap3A_1710, %swap3A_1711] {strides = array<i32>} : memref<11x128xi32, #tpu.memory_space<vmem>>, vector<1x16xi32>,
      %swap3A_1713 = vector.shape_cast %swap3A_1712 : vector<1x16xi32> to vector<16xi32>
      %swap3A_1714 = vector.shape_cast %add3A_1708 : vector<16xi32> to vector<1x16xi32>
      tpu.vector_store %arg9[%swap3A_1710, %swap3A_1711], %swap3A_1714 {strides = array<i32>} : memref<11x128xi32, #tpu.memory_space<vmem>>, vector<1x16xi32>,
      %get3A_1715 = arith.constant 10 : i32
      %get3A_1716 = arith.index_cast %get3A_1715 : i32 to index
      %get3A_1717 = arith.constant 64 : index
      %get3A_1718 = tpu.vector_load %arg6[%get3A_1716, %get3A_1717] {strides = array<i32>} : memref<11x128xi32, #tpu.memory_space<vmem>>, vector<1x16xi32>,
      %get3A_1719 = vector.shape_cast %get3A_1718 : vector<1x16xi32> to vector<16xi32>
      %mul3A_1720 = arith.constant 2592 : i32
      %mul3A_1721 = vector.broadcast %mul3A_1720 : i32 to vector<16xi32>
      %mul3A_1722 = arith.muli %get3A_1719, %mul3A_1721 : vector<16xi32>
      %get3A_1723 = arith.constant 10 : i32
      %get3A_1724 = arith.index_cast %get3A_1723 : i32 to index
      %get3A_1725 = arith.constant 64 : index
      %get3A_1726 = tpu.vector_load %arg7[%get3A_1724, %get3A_1725] {strides = array<i32>} : memref<11x128xi32, #tpu.memory_space<vmem>>, vector<1x16xi32>,
      %get3A_1727 = vector.shape_cast %get3A_1726 : vector<1x16xi32> to vector<16xi32>
      %add3A_1728 = arith.addi %mul3A_1722, %get3A_1727 : vector<16xi32>
      %swap3A_1729 = arith.constant 10 : i32
      %swap3A_1730 = arith.index_cast %swap3A_1729 : i32 to index
      %swap3A_1731 = arith.constant 64 : index
      %swap3A_1732 = tpu.vector_load %arg9[%swap3A_1730, %swap3A_1731] {strides = array<i32>} : memref<11x128xi32, #tpu.memory_space<vmem>>, vector<1x16xi32>,
      %swap3A_1733 = vector.shape_cast %swap3A_1732 : vector<1x16xi32> to vector<16xi32>
      %swap3A_1734 = vector.shape_cast %add3A_1728 : vector<16xi32> to vector<1x16xi32>
      tpu.vector_store %arg9[%swap3A_1730, %swap3A_1731], %swap3A_1734 {strides = array<i32>} : memref<11x128xi32, #tpu.memory_space<vmem>>, vector<1x16xi32>,
      %get3A_1735 = arith.constant 10 : i32
      %get3A_1736 = arith.index_cast %get3A_1735 : i32 to index
      %get3A_1737 = arith.constant 80 : index
      %get3A_1738 = tpu.vector_load %arg6[%get3A_1736, %get3A_1737] {strides = array<i32>} : memref<11x128xi32, #tpu.memory_space<vmem>>, vector<1x16xi32>,
      %get3A_1739 = vector.shape_cast %get3A_1738 : vector<1x16xi32> to vector<16xi32>
      %mul3A_1740 = arith.constant 2592 : i32
      %mul3A_1741 = vector.broadcast %mul3A_1740 : i32 to vector<16xi32>
      %mul3A_1742 = arith.muli %get3A_1739, %mul3A_1741 : vector<16xi32>
      %get3A_1743 = arith.constant 10 : i32
      %get3A_1744 = arith.index_cast %get3A_1743 : i32 to index
      %get3A_1745 = arith.constant 80 : index
      %get3A_1746 = tpu.vector_load %arg7[%get3A_1744, %get3A_1745] {strides = array<i32>} : memref<11x128xi32, #tpu.memory_space<vmem>>, vector<1x16xi32>,
      %get3A_1747 = vector.shape_cast %get3A_1746 : vector<1x16xi32> to vector<16xi32>
      %add3A_1748 = arith.addi %mul3A_1742, %get3A_1747 : vector<16xi32>
      %swap3A_1749 = arith.constant 10 : i32
      %swap3A_1750 = arith.index_cast %swap3A_1749 : i32 to index
      %swap3A_1751 = arith.constant 80 : index
      %swap3A_1752 = tpu.vector_load %arg9[%swap3A_1750, %swap3A_1751] {strides = array<i32>} : memref<11x128xi32, #tpu.memory_space<vmem>>, vector<1x16xi32>,
      %swap3A_1753 = vector.shape_cast %swap3A_1752 : vector<1x16xi32> to vector<16xi32>
      %swap3A_1754 = vector.shape_cast %add3A_1748 : vector<16xi32> to vector<1x16xi32>
      tpu.vector_store %arg9[%swap3A_1750, %swap3A_1751], %swap3A_1754 {strides = array<i32>} : memref<11x128xi32, #tpu.memory_space<vmem>>, vector<1x16xi32>,
      %get3A_1755 = arith.constant 10 : i32
      %get3A_1756 = arith.index_cast %get3A_1755 : i32 to index
      %get3A_1757 = arith.constant 96 : index
      %get3A_1758 = tpu.vector_load %arg6[%get3A_1756, %get3A_1757] {strides = array<i32>} : memref<11x128xi32, #tpu.memory_space<vmem>>, vector<1x16xi32>,
      %get3A_1759 = vector.shape_cast %get3A_1758 : vector<1x16xi32> to vector<16xi32>
      %mul3A_1760 = arith.constant 2592 : i32
      %mul3A_1761 = vector.broadcast %mul3A_1760 : i32 to vector<16xi32>
      %mul3A_1762 = arith.muli %get3A_1759, %mul3A_1761 : vector<16xi32>
      %get3A_1763 = arith.constant 10 : i32
      %get3A_1764 = arith.index_cast %get3A_1763 : i32 to index
      %get3A_1765 = arith.constant 96 : index
      %get3A_1766 = tpu.vector_load %arg7[%get3A_1764, %get3A_1765] {strides = array<i32>} : memref<11x128xi32, #tpu.memory_space<vmem>>, vector<1x16xi32>,
      %get3A_1767 = vector.shape_cast %get3A_1766 : vector<1x16xi32> to vector<16xi32>
      %add3A_1768 = arith.addi %mul3A_1762, %get3A_1767 : vector<16xi32>
      %swap3A_1769 = arith.constant 10 : i32
      %swap3A_1770 = arith.index_cast %swap3A_1769 : i32 to index
      %swap3A_1771 = arith.constant 96 : index
      %swap3A_1772 = tpu.vector_load %arg9[%swap3A_1770, %swap3A_1771] {strides = array<i32>} : memref<11x128xi32, #tpu.memory_space<vmem>>, vector<1x16xi32>,
      %swap3A_1773 = vector.shape_cast %swap3A_1772 : vector<1x16xi32> to vector<16xi32>
      %swap3A_1774 = vector.shape_cast %add3A_1768 : vector<16xi32> to vector<1x16xi32>
      tpu.vector_store %arg9[%swap3A_1770, %swap3A_1771], %swap3A_1774 {strides = array<i32>} : memref<11x128xi32, #tpu.memory_space<vmem>>, vector<1x16xi32>,
      %get3A_1775 = arith.constant 10 : i32
      %get3A_1776 = arith.index_cast %get3A_1775 : i32 to index
      %get3A_1777 = arith.constant 112 : index
      %get3A_1778 = tpu.vector_load %arg6[%get3A_1776, %get3A_1777] {strides = array<i32>} : memref<11x128xi32, #tpu.memory_space<vmem>>, vector<1x16xi32>,
      %get3A_1779 = vector.shape_cast %get3A_1778 : vector<1x16xi32> to vector<16xi32>
      %mul3A_1780 = arith.constant 2592 : i32
      %mul3A_1781 = vector.broadcast %mul3A_1780 : i32 to vector<16xi32>
      %mul3A_1782 = arith.muli %get3A_1779, %mul3A_1781 : vector<16xi32>
      %get3A_1783 = arith.constant 10 : i32
      %get3A_1784 = arith.index_cast %get3A_1783 : i32 to index
      %get3A_1785 = arith.constant 112 : index
      %get3A_1786 = tpu.vector_load %arg7[%get3A_1784, %get3A_1785] {strides = array<i32>} : memref<11x128xi32, #tpu.memory_space<vmem>>, vector<1x16xi32>,
      %get3A_1787 = vector.shape_cast %get3A_1786 : vector<1x16xi32> to vector<16xi32>
      %add3A_1788 = arith.addi %mul3A_1782, %get3A_1787 : vector<16xi32>
      %swap3A_1789 = arith.constant 10 : i32
      %swap3A_1790 = arith.index_cast %swap3A_1789 : i32 to index
      %swap3A_1791 = arith.constant 112 : index
      %swap3A_1792 = tpu.vector_load %arg9[%swap3A_1790, %swap3A_1791] {strides = array<i32>} : memref<11x128xi32, #tpu.memory_space<vmem>>, vector<1x16xi32>,
      %swap3A_1793 = vector.shape_cast %swap3A_1792 : vector<1x16xi32> to vector<16xi32>
      %swap3A_1794 = vector.shape_cast %add3A_1788 : vector<16xi32> to vector<1x16xi32>
      tpu.vector_store %arg9[%swap3A_1790, %swap3A_1791], %swap3A_1794 {strides = array<i32>} : memref<11x128xi32, #tpu.memory_space<vmem>>, vector<1x16xi32>,
      %barrier3A = arith.constant 0 : index
      tpu.barrier barrier_id(%barrier3A)
      %dma_start3A = arith.constant 0 : i32
      %dma_start3A_1795 = arith.constant 0 : i32
      %dma_start3A_1796 = arith.constant 0 : i32
      %dma_start3A_1797 = tpu.memref_slice %arg8[%dma_start3A, %dma_start3A_1796] : memref<11x128xf32, #tpu.memory_space<vmem>> -> memref<1x128xf32, #tpu.memory_space<vmem>>
      %dma_start3A_1798 = tpu.memref_squeeze %dma_start3A_1797 : memref<1x128xf32, #tpu.memory_space<vmem>> -> memref<128xf32, #tpu.memory_space<vmem>>
      %dma_start3A_1799 = arith.constant 0 : i32
      %dma_start3A_1800 = tpu.memref_slice %arg9[%dma_start3A_1795, %dma_start3A_1799] : memref<11x128xi32, #tpu.memory_space<vmem>> -> memref<1x128xi32, #tpu.memory_space<vmem>>
      %dma_start3A_1801 = tpu.memref_squeeze %dma_start3A_1800 : memref<1x128xi32, #tpu.memory_space<vmem>> -> memref<128xi32, #tpu.memory_space<vmem>>
      %dma_start3A_1802 = arith.constant 0 : i32
      %dma_start3A_1803 = tpu.memref_slice %arg11[%dma_start3A_1802] : memref<1492992xf32, #tpu.memory_space<vmem_shared>> -> memref<1492992xf32, #tpu.memory_space<vmem_shared>>
      tpu.enqueue_indirect_dma source(%dma_start3A_1798 : memref<128xf32, #tpu.memory_space<vmem>>) target(%dma_start3A_1803 : memref<1492992xf32, #tpu.memory_space<vmem_shared>>) offsets(%dma_start3A_1801 : memref<128xi32, #tpu.memory_space<vmem>>) semaphore(%arg12 : memref<!tpu.dma_semaphore, #tpu.memory_space<semaphore_mem>>) {add = true}
      %dma_start3A_1804 = arith.constant 1 : i32
      %dma_start3A_1805 = arith.constant 1 : i32
      %dma_start3A_1806 = arith.constant 0 : i32
      %dma_start3A_1807 = tpu.memref_slice %arg8[%dma_start3A_1804, %dma_start3A_1806] : memref<11x128xf32, #tpu.memory_space<vmem>> -> memref<1x128xf32, #tpu.memory_space<vmem>>
      %dma_start3A_1808 = tpu.memref_squeeze %dma_start3A_1807 : memref<1x128xf32, #tpu.memory_space<vmem>> -> memref<128xf32, #tpu.memory_space<vmem>>
      %dma_start3A_1809 = arith.constant 0 : i32
      %dma_start3A_1810 = tpu.memref_slice %arg9[%dma_start3A_1805, %dma_start3A_1809] : memref<11x128xi32, #tpu.memory_space<vmem>> -> memref<1x128xi32, #tpu.memory_space<vmem>>
      %dma_start3A_1811 = tpu.memref_squeeze %dma_start3A_1810 : memref<1x128xi32, #tpu.memory_space<vmem>> -> memref<128xi32, #tpu.memory_space<vmem>>
      %dma_start3A_1812 = arith.constant 0 : i32
      %dma_start3A_1813 = tpu.memref_slice %arg11[%dma_start3A_1812] : memref<1492992xf32, #tpu.memory_space<vmem_shared>> -> memref<1492992xf32, #tpu.memory_space<vmem_shared>>
      tpu.enqueue_indirect_dma source(%dma_start3A_1808 : memref<128xf32, #tpu.memory_space<vmem>>) target(%dma_start3A_1813 : memref<1492992xf32, #tpu.memory_space<vmem_shared>>) offsets(%dma_start3A_1811 : memref<128xi32, #tpu.memory_space<vmem>>) semaphore(%arg12 : memref<!tpu.dma_semaphore, #tpu.memory_space<semaphore_mem>>) {add = true}
      %dma_start3A_1814 = arith.constant 2 : i32
      %dma_start3A_1815 = arith.constant 2 : i32
      %dma_start3A_1816 = arith.constant 0 : i32
      %dma_start3A_1817 = tpu.memref_slice %arg8[%dma_start3A_1814, %dma_start3A_1816] : memref<11x128xf32, #tpu.memory_space<vmem>> -> memref<1x128xf32, #tpu.memory_space<vmem>>
      %dma_start3A_1818 = tpu.memref_squeeze %dma_start3A_1817 : memref<1x128xf32, #tpu.memory_space<vmem>> -> memref<128xf32, #tpu.memory_space<vmem>>
      %dma_start3A_1819 = arith.constant 0 : i32
      %dma_start3A_1820 = tpu.memref_slice %arg9[%dma_start3A_1815, %dma_start3A_1819] : memref<11x128xi32, #tpu.memory_space<vmem>> -> memref<1x128xi32, #tpu.memory_space<vmem>>
      %dma_start3A_1821 = tpu.memref_squeeze %dma_start3A_1820 : memref<1x128xi32, #tpu.memory_space<vmem>> -> memref<128xi32, #tpu.memory_space<vmem>>
      %dma_start3A_1822 = arith.constant 0 : i32
      %dma_start3A_1823 = tpu.memref_slice %arg11[%dma_start3A_1822] : memref<1492992xf32, #tpu.memory_space<vmem_shared>> -> memref<1492992xf32, #tpu.memory_space<vmem_shared>>
      tpu.enqueue_indirect_dma source(%dma_start3A_1818 : memref<128xf32, #tpu.memory_space<vmem>>) target(%dma_start3A_1823 : memref<1492992xf32, #tpu.memory_space<vmem_shared>>) offsets(%dma_start3A_1821 : memref<128xi32, #tpu.memory_space<vmem>>) semaphore(%arg12 : memref<!tpu.dma_semaphore, #tpu.memory_space<semaphore_mem>>) {add = true}
      %dma_start3A_1824 = arith.constant 3 : i32
      %dma_start3A_1825 = arith.constant 3 : i32
      %dma_start3A_1826 = arith.constant 0 : i32
      %dma_start3A_1827 = tpu.memref_slice %arg8[%dma_start3A_1824, %dma_start3A_1826] : memref<11x128xf32, #tpu.memory_space<vmem>> -> memref<1x128xf32, #tpu.memory_space<vmem>>
      %dma_start3A_1828 = tpu.memref_squeeze %dma_start3A_1827 : memref<1x128xf32, #tpu.memory_space<vmem>> -> memref<128xf32, #tpu.memory_space<vmem>>
      %dma_start3A_1829 = arith.constant 0 : i32
      %dma_start3A_1830 = tpu.memref_slice %arg9[%dma_start3A_1825, %dma_start3A_1829] : memref<11x128xi32, #tpu.memory_space<vmem>> -> memref<1x128xi32, #tpu.memory_space<vmem>>
      %dma_start3A_1831 = tpu.memref_squeeze %dma_start3A_1830 : memref<1x128xi32, #tpu.memory_space<vmem>> -> memref<128xi32, #tpu.memory_space<vmem>>
      %dma_start3A_1832 = arith.constant 0 : i32
      %dma_start3A_1833 = tpu.memref_slice %arg11[%dma_start3A_1832] : memref<1492992xf32, #tpu.memory_space<vmem_shared>> -> memref<1492992xf32, #tpu.memory_space<vmem_shared>>
      tpu.enqueue_indirect_dma source(%dma_start3A_1828 : memref<128xf32, #tpu.memory_space<vmem>>) target(%dma_start3A_1833 : memref<1492992xf32, #tpu.memory_space<vmem_shared>>) offsets(%dma_start3A_1831 : memref<128xi32, #tpu.memory_space<vmem>>) semaphore(%arg12 : memref<!tpu.dma_semaphore, #tpu.memory_space<semaphore_mem>>) {add = true}
      %dma_start3A_1834 = arith.constant 4 : i32
      %dma_start3A_1835 = arith.constant 4 : i32
      %dma_start3A_1836 = arith.constant 0 : i32
      %dma_start3A_1837 = tpu.memref_slice %arg8[%dma_start3A_1834, %dma_start3A_1836] : memref<11x128xf32, #tpu.memory_space<vmem>> -> memref<1x128xf32, #tpu.memory_space<vmem>>
      %dma_start3A_1838 = tpu.memref_squeeze %dma_start3A_1837 : memref<1x128xf32, #tpu.memory_space<vmem>> -> memref<128xf32, #tpu.memory_space<vmem>>
      %dma_start3A_1839 = arith.constant 0 : i32
      %dma_start3A_1840 = tpu.memref_slice %arg9[%dma_start3A_1835, %dma_start3A_1839] : memref<11x128xi32, #tpu.memory_space<vmem>> -> memref<1x128xi32, #tpu.memory_space<vmem>>
      %dma_start3A_1841 = tpu.memref_squeeze %dma_start3A_1840 : memref<1x128xi32, #tpu.memory_space<vmem>> -> memref<128xi32, #tpu.memory_space<vmem>>
      %dma_start3A_1842 = arith.constant 0 : i32
      %dma_start3A_1843 = tpu.memref_slice %arg11[%dma_start3A_1842] : memref<1492992xf32, #tpu.memory_space<vmem_shared>> -> memref<1492992xf32, #tpu.memory_space<vmem_shared>>
      tpu.enqueue_indirect_dma source(%dma_start3A_1838 : memref<128xf32, #tpu.memory_space<vmem>>) target(%dma_start3A_1843 : memref<1492992xf32, #tpu.memory_space<vmem_shared>>) offsets(%dma_start3A_1841 : memref<128xi32, #tpu.memory_space<vmem>>) semaphore(%arg12 : memref<!tpu.dma_semaphore, #tpu.memory_space<semaphore_mem>>) {add = true}
      %dma_start3A_1844 = arith.constant 5 : i32
      %dma_start3A_1845 = arith.constant 5 : i32
      %dma_start3A_1846 = arith.constant 0 : i32
      %dma_start3A_1847 = tpu.memref_slice %arg8[%dma_start3A_1844, %dma_start3A_1846] : memref<11x128xf32, #tpu.memory_space<vmem>> -> memref<1x128xf32, #tpu.memory_space<vmem>>
      %dma_start3A_1848 = tpu.memref_squeeze %dma_start3A_1847 : memref<1x128xf32, #tpu.memory_space<vmem>> -> memref<128xf32, #tpu.memory_space<vmem>>
      %dma_start3A_1849 = arith.constant 0 : i32
      %dma_start3A_1850 = tpu.memref_slice %arg9[%dma_start3A_1845, %dma_start3A_1849] : memref<11x128xi32, #tpu.memory_space<vmem>> -> memref<1x128xi32, #tpu.memory_space<vmem>>
      %dma_start3A_1851 = tpu.memref_squeeze %dma_start3A_1850 : memref<1x128xi32, #tpu.memory_space<vmem>> -> memref<128xi32, #tpu.memory_space<vmem>>
      %dma_start3A_1852 = arith.constant 0 : i32
      %dma_start3A_1853 = tpu.memref_slice %arg11[%dma_start3A_1852] : memref<1492992xf32, #tpu.memory_space<vmem_shared>> -> memref<1492992xf32, #tpu.memory_space<vmem_shared>>
      tpu.enqueue_indirect_dma source(%dma_start3A_1848 : memref<128xf32, #tpu.memory_space<vmem>>) target(%dma_start3A_1853 : memref<1492992xf32, #tpu.memory_space<vmem_shared>>) offsets(%dma_start3A_1851 : memref<128xi32, #tpu.memory_space<vmem>>) semaphore(%arg12 : memref<!tpu.dma_semaphore, #tpu.memory_space<semaphore_mem>>) {add = true}
      %dma_start3A_1854 = arith.constant 6 : i32
      %dma_start3A_1855 = arith.constant 6 : i32
      %dma_start3A_1856 = arith.constant 0 : i32
      %dma_start3A_1857 = tpu.memref_slice %arg8[%dma_start3A_1854, %dma_start3A_1856] : memref<11x128xf32, #tpu.memory_space<vmem>> -> memref<1x128xf32, #tpu.memory_space<vmem>>
      %dma_start3A_1858 = tpu.memref_squeeze %dma_start3A_1857 : memref<1x128xf32, #tpu.memory_space<vmem>> -> memref<128xf32, #tpu.memory_space<vmem>>
      %dma_start3A_1859 = arith.constant 0 : i32
      %dma_start3A_1860 = tpu.memref_slice %arg9[%dma_start3A_1855, %dma_start3A_1859] : memref<11x128xi32, #tpu.memory_space<vmem>> -> memref<1x128xi32, #tpu.memory_space<vmem>>
      %dma_start3A_1861 = tpu.memref_squeeze %dma_start3A_1860 : memref<1x128xi32, #tpu.memory_space<vmem>> -> memref<128xi32, #tpu.memory_space<vmem>>
      %dma_start3A_1862 = arith.constant 0 : i32
      %dma_start3A_1863 = tpu.memref_slice %arg11[%dma_start3A_1862] : memref<1492992xf32, #tpu.memory_space<vmem_shared>> -> memref<1492992xf32, #tpu.memory_space<vmem_shared>>
      tpu.enqueue_indirect_dma source(%dma_start3A_1858 : memref<128xf32, #tpu.memory_space<vmem>>) target(%dma_start3A_1863 : memref<1492992xf32, #tpu.memory_space<vmem_shared>>) offsets(%dma_start3A_1861 : memref<128xi32, #tpu.memory_space<vmem>>) semaphore(%arg12 : memref<!tpu.dma_semaphore, #tpu.memory_space<semaphore_mem>>) {add = true}
      %dma_start3A_1864 = arith.constant 7 : i32
      %dma_start3A_1865 = arith.constant 7 : i32
      %dma_start3A_1866 = arith.constant 0 : i32
      %dma_start3A_1867 = tpu.memref_slice %arg8[%dma_start3A_1864, %dma_start3A_1866] : memref<11x128xf32, #tpu.memory_space<vmem>> -> memref<1x128xf32, #tpu.memory_space<vmem>>
      %dma_start3A_1868 = tpu.memref_squeeze %dma_start3A_1867 : memref<1x128xf32, #tpu.memory_space<vmem>> -> memref<128xf32, #tpu.memory_space<vmem>>
      %dma_start3A_1869 = arith.constant 0 : i32
      %dma_start3A_1870 = tpu.memref_slice %arg9[%dma_start3A_1865, %dma_start3A_1869] : memref<11x128xi32, #tpu.memory_space<vmem>> -> memref<1x128xi32, #tpu.memory_space<vmem>>
      %dma_start3A_1871 = tpu.memref_squeeze %dma_start3A_1870 : memref<1x128xi32, #tpu.memory_space<vmem>> -> memref<128xi32, #tpu.memory_space<vmem>>
      %dma_start3A_1872 = arith.constant 0 : i32
      %dma_start3A_1873 = tpu.memref_slice %arg11[%dma_start3A_1872] : memref<1492992xf32, #tpu.memory_space<vmem_shared>> -> memref<1492992xf32, #tpu.memory_space<vmem_shared>>
      tpu.enqueue_indirect_dma source(%dma_start3A_1868 : memref<128xf32, #tpu.memory_space<vmem>>) target(%dma_start3A_1873 : memref<1492992xf32, #tpu.memory_space<vmem_shared>>) offsets(%dma_start3A_1871 : memref<128xi32, #tpu.memory_space<vmem>>) semaphore(%arg12 : memref<!tpu.dma_semaphore, #tpu.memory_space<semaphore_mem>>) {add = true}
      %dma_start3A_1874 = arith.constant 8 : i32
      %dma_start3A_1875 = arith.constant 8 : i32
      %dma_start3A_1876 = arith.constant 0 : i32
      %dma_start3A_1877 = tpu.memref_slice %arg8[%dma_start3A_1874, %dma_start3A_1876] : memref<11x128xf32, #tpu.memory_space<vmem>> -> memref<1x128xf32, #tpu.memory_space<vmem>>
      %dma_start3A_1878 = tpu.memref_squeeze %dma_start3A_1877 : memref<1x128xf32, #tpu.memory_space<vmem>> -> memref<128xf32, #tpu.memory_space<vmem>>
      %dma_start3A_1879 = arith.constant 0 : i32
      %dma_start3A_1880 = tpu.memref_slice %arg9[%dma_start3A_1875, %dma_start3A_1879] : memref<11x128xi32, #tpu.memory_space<vmem>> -> memref<1x128xi32, #tpu.memory_space<vmem>>
      %dma_start3A_1881 = tpu.memref_squeeze %dma_start3A_1880 : memref<1x128xi32, #tpu.memory_space<vmem>> -> memref<128xi32, #tpu.memory_space<vmem>>
      %dma_start3A_1882 = arith.constant 0 : i32
      %dma_start3A_1883 = tpu.memref_slice %arg11[%dma_start3A_1882] : memref<1492992xf32, #tpu.memory_space<vmem_shared>> -> memref<1492992xf32, #tpu.memory_space<vmem_shared>>
      tpu.enqueue_indirect_dma source(%dma_start3A_1878 : memref<128xf32, #tpu.memory_space<vmem>>) target(%dma_start3A_1883 : memref<1492992xf32, #tpu.memory_space<vmem_shared>>) offsets(%dma_start3A_1881 : memref<128xi32, #tpu.memory_space<vmem>>) semaphore(%arg12 : memref<!tpu.dma_semaphore, #tpu.memory_space<semaphore_mem>>) {add = true}
      %dma_start3A_1884 = arith.constant 9 : i32
      %dma_start3A_1885 = arith.constant 9 : i32
      %dma_start3A_1886 = arith.constant 0 : i32
      %dma_start3A_1887 = tpu.memref_slice %arg8[%dma_start3A_1884, %dma_start3A_1886] : memref<11x128xf32, #tpu.memory_space<vmem>> -> memref<1x128xf32, #tpu.memory_space<vmem>>
      %dma_start3A_1888 = tpu.memref_squeeze %dma_start3A_1887 : memref<1x128xf32, #tpu.memory_space<vmem>> -> memref<128xf32, #tpu.memory_space<vmem>>
      %dma_start3A_1889 = arith.constant 0 : i32
      %dma_start3A_1890 = tpu.memref_slice %arg9[%dma_start3A_1885, %dma_start3A_1889] : memref<11x128xi32, #tpu.memory_space<vmem>> -> memref<1x128xi32, #tpu.memory_space<vmem>>
      %dma_start3A_1891 = tpu.memref_squeeze %dma_start3A_1890 : memref<1x128xi32, #tpu.memory_space<vmem>> -> memref<128xi32, #tpu.memory_space<vmem>>
      %dma_start3A_1892 = arith.constant 0 : i32
      %dma_start3A_1893 = tpu.memref_slice %arg11[%dma_start3A_1892] : memref<1492992xf32, #tpu.memory_space<vmem_shared>> -> memref<1492992xf32, #tpu.memory_space<vmem_shared>>
      tpu.enqueue_indirect_dma source(%dma_start3A_1888 : memref<128xf32, #tpu.memory_space<vmem>>) target(%dma_start3A_1893 : memref<1492992xf32, #tpu.memory_space<vmem_shared>>) offsets(%dma_start3A_1891 : memref<128xi32, #tpu.memory_space<vmem>>) semaphore(%arg12 : memref<!tpu.dma_semaphore, #tpu.memory_space<semaphore_mem>>) {add = true}
      %dma_start3A_1894 = arith.constant 10 : i32
      %dma_start3A_1895 = arith.constant 10 : i32
      %dma_start3A_1896 = arith.constant 0 : i32
      %dma_start3A_1897 = tpu.memref_slice %arg8[%dma_start3A_1894, %dma_start3A_1896] : memref<11x128xf32, #tpu.memory_space<vmem>> -> memref<1x128xf32, #tpu.memory_space<vmem>>
      %dma_start3A_1898 = tpu.memref_squeeze %dma_start3A_1897 : memref<1x128xf32, #tpu.memory_space<vmem>> -> memref<128xf32, #tpu.memory_space<vmem>>
      %dma_start3A_1899 = arith.constant 0 : i32
      %dma_start3A_1900 = tpu.memref_slice %arg9[%dma_start3A_1895, %dma_start3A_1899] : memref<11x128xi32, #tpu.memory_space<vmem>> -> memref<1x128xi32, #tpu.memory_space<vmem>>
      %dma_start3A_1901 = tpu.memref_squeeze %dma_start3A_1900 : memref<1x128xi32, #tpu.memory_space<vmem>> -> memref<128xi32, #tpu.memory_space<vmem>>
      %dma_start3A_1902 = arith.constant 0 : i32
      %dma_start3A_1903 = tpu.memref_slice %arg11[%dma_start3A_1902] : memref<1492992xf32, #tpu.memory_space<vmem_shared>> -> memref<1492992xf32, #tpu.memory_space<vmem_shared>>
      tpu.enqueue_indirect_dma source(%dma_start3A_1898 : memref<128xf32, #tpu.memory_space<vmem>>) target(%dma_start3A_1903 : memref<1492992xf32, #tpu.memory_space<vmem_shared>>) offsets(%dma_start3A_1901 : memref<128xi32, #tpu.memory_space<vmem>>) semaphore(%arg12 : memref<!tpu.dma_semaphore, #tpu.memory_space<semaphore_mem>>) {add = true}
      %dma_wait3A = arith.constant 0 : i32
      %dma_wait3A_1904 = arith.constant 0 : i32
      %dma_wait3A_1905 = arith.constant 0 : i32
      %dma_wait3A_1906 = tpu.memref_slice %arg8[%dma_wait3A, %dma_wait3A_1905] : memref<11x128xf32, #tpu.memory_space<vmem>> -> memref<1x128xf32, #tpu.memory_space<vmem>>
      %dma_wait3A_1907 = tpu.memref_squeeze %dma_wait3A_1906 : memref<1x128xf32, #tpu.memory_space<vmem>> -> memref<128xf32, #tpu.memory_space<vmem>>
      %dma_wait3A_1908 = arith.constant 0 : i32
      %dma_wait3A_1909 = tpu.memref_slice %arg9[%dma_wait3A_1904, %dma_wait3A_1908] : memref<11x128xi32, #tpu.memory_space<vmem>> -> memref<1x128xi32, #tpu.memory_space<vmem>>
      %dma_wait3A_1910 = tpu.memref_squeeze %dma_wait3A_1909 : memref<1x128xi32, #tpu.memory_space<vmem>> -> memref<128xi32, #tpu.memory_space<vmem>>
      %dma_wait3A_1911 = arith.constant 0 : i32
      %dma_wait3A_1912 = tpu.memref_slice %arg11[%dma_wait3A_1911] : memref<1492992xf32, #tpu.memory_space<vmem_shared>> -> memref<1492992xf32, #tpu.memory_space<vmem_shared>>
      tpu.wait_indirect_dma semaphore(%arg12 : memref<!tpu.dma_semaphore, #tpu.memory_space<semaphore_mem>>) src(%dma_wait3A_1907 : memref<128xf32, #tpu.memory_space<vmem>>) dst(%dma_wait3A_1912 : memref<1492992xf32, #tpu.memory_space<vmem_shared>>)
      %dma_wait3A_1913 = arith.constant 1 : i32
      %dma_wait3A_1914 = arith.constant 1 : i32
      %dma_wait3A_1915 = arith.constant 0 : i32
      %dma_wait3A_1916 = tpu.memref_slice %arg8[%dma_wait3A_1913, %dma_wait3A_1915] : memref<11x128xf32, #tpu.memory_space<vmem>> -> memref<1x128xf32, #tpu.memory_space<vmem>>
      %dma_wait3A_1917 = tpu.memref_squeeze %dma_wait3A_1916 : memref<1x128xf32, #tpu.memory_space<vmem>> -> memref<128xf32, #tpu.memory_space<vmem>>
      %dma_wait3A_1918 = arith.constant 0 : i32
      %dma_wait3A_1919 = tpu.memref_slice %arg9[%dma_wait3A_1914, %dma_wait3A_1918] : memref<11x128xi32, #tpu.memory_space<vmem>> -> memref<1x128xi32, #tpu.memory_space<vmem>>
      %dma_wait3A_1920 = tpu.memref_squeeze %dma_wait3A_1919 : memref<1x128xi32, #tpu.memory_space<vmem>> -> memref<128xi32, #tpu.memory_space<vmem>>
      %dma_wait3A_1921 = arith.constant 0 : i32
      %dma_wait3A_1922 = tpu.memref_slice %arg11[%dma_wait3A_1921] : memref<1492992xf32, #tpu.memory_space<vmem_shared>> -> memref<1492992xf32, #tpu.memory_space<vmem_shared>>
      tpu.wait_indirect_dma semaphore(%arg12 : memref<!tpu.dma_semaphore, #tpu.memory_space<semaphore_mem>>) src(%dma_wait3A_1917 : memref<128xf32, #tpu.memory_space<vmem>>) dst(%dma_wait3A_1922 : memref<1492992xf32, #tpu.memory_space<vmem_shared>>)
      %dma_wait3A_1923 = arith.constant 2 : i32
      %dma_wait3A_1924 = arith.constant 2 : i32
      %dma_wait3A_1925 = arith.constant 0 : i32
      %dma_wait3A_1926 = tpu.memref_slice %arg8[%dma_wait3A_1923, %dma_wait3A_1925] : memref<11x128xf32, #tpu.memory_space<vmem>> -> memref<1x128xf32, #tpu.memory_space<vmem>>
      %dma_wait3A_1927 = tpu.memref_squeeze %dma_wait3A_1926 : memref<1x128xf32, #tpu.memory_space<vmem>> -> memref<128xf32, #tpu.memory_space<vmem>>
      %dma_wait3A_1928 = arith.constant 0 : i32
      %dma_wait3A_1929 = tpu.memref_slice %arg9[%dma_wait3A_1924, %dma_wait3A_1928] : memref<11x128xi32, #tpu.memory_space<vmem>> -> memref<1x128xi32, #tpu.memory_space<vmem>>
      %dma_wait3A_1930 = tpu.memref_squeeze %dma_wait3A_1929 : memref<1x128xi32, #tpu.memory_space<vmem>> -> memref<128xi32, #tpu.memory_space<vmem>>
      %dma_wait3A_1931 = arith.constant 0 : i32
      %dma_wait3A_1932 = tpu.memref_slice %arg11[%dma_wait3A_1931] : memref<1492992xf32, #tpu.memory_space<vmem_shared>> -> memref<1492992xf32, #tpu.memory_space<vmem_shared>>
      tpu.wait_indirect_dma semaphore(%arg12 : memref<!tpu.dma_semaphore, #tpu.memory_space<semaphore_mem>>) src(%dma_wait3A_1927 : memref<128xf32, #tpu.memory_space<vmem>>) dst(%dma_wait3A_1932 : memref<1492992xf32, #tpu.memory_space<vmem_shared>>)
      %dma_wait3A_1933 = arith.constant 3 : i32
      %dma_wait3A_1934 = arith.constant 3 : i32
      %dma_wait3A_1935 = arith.constant 0 : i32
      %dma_wait3A_1936 = tpu.memref_slice %arg8[%dma_wait3A_1933, %dma_wait3A_1935] : memref<11x128xf32, #tpu.memory_space<vmem>> -> memref<1x128xf32, #tpu.memory_space<vmem>>
      %dma_wait3A_1937 = tpu.memref_squeeze %dma_wait3A_1936 : memref<1x128xf32, #tpu.memory_space<vmem>> -> memref<128xf32, #tpu.memory_space<vmem>>
      %dma_wait3A_1938 = arith.constant 0 : i32
      %dma_wait3A_1939 = tpu.memref_slice %arg9[%dma_wait3A_1934, %dma_wait3A_1938] : memref<11x128xi32, #tpu.memory_space<vmem>> -> memref<1x128xi32, #tpu.memory_space<vmem>>
      %dma_wait3A_1940 = tpu.memref_squeeze %dma_wait3A_1939 : memref<1x128xi32, #tpu.memory_space<vmem>> -> memref<128xi32, #tpu.memory_space<vmem>>
      %dma_wait3A_1941 = arith.constant 0 : i32
      %dma_wait3A_1942 = tpu.memref_slice %arg11[%dma_wait3A_1941] : memref<1492992xf32, #tpu.memory_space<vmem_shared>> -> memref<1492992xf32, #tpu.memory_space<vmem_shared>>
      tpu.wait_indirect_dma semaphore(%arg12 : memref<!tpu.dma_semaphore, #tpu.memory_space<semaphore_mem>>) src(%dma_wait3A_1937 : memref<128xf32, #tpu.memory_space<vmem>>) dst(%dma_wait3A_1942 : memref<1492992xf32, #tpu.memory_space<vmem_shared>>)
      %dma_wait3A_1943 = arith.constant 4 : i32
      %dma_wait3A_1944 = arith.constant 4 : i32
      %dma_wait3A_1945 = arith.constant 0 : i32
      %dma_wait3A_1946 = tpu.memref_slice %arg8[%dma_wait3A_1943, %dma_wait3A_1945] : memref<11x128xf32, #tpu.memory_space<vmem>> -> memref<1x128xf32, #tpu.memory_space<vmem>>
      %dma_wait3A_1947 = tpu.memref_squeeze %dma_wait3A_1946 : memref<1x128xf32, #tpu.memory_space<vmem>> -> memref<128xf32, #tpu.memory_space<vmem>>
      %dma_wait3A_1948 = arith.constant 0 : i32
      %dma_wait3A_1949 = tpu.memref_slice %arg9[%dma_wait3A_1944, %dma_wait3A_1948] : memref<11x128xi32, #tpu.memory_space<vmem>> -> memref<1x128xi32, #tpu.memory_space<vmem>>
      %dma_wait3A_1950 = tpu.memref_squeeze %dma_wait3A_1949 : memref<1x128xi32, #tpu.memory_space<vmem>> -> memref<128xi32, #tpu.memory_space<vmem>>
      %dma_wait3A_1951 = arith.constant 0 : i32
      %dma_wait3A_1952 = tpu.memref_slice %arg11[%dma_wait3A_1951] : memref<1492992xf32, #tpu.memory_space<vmem_shared>> -> memref<1492992xf32, #tpu.memory_space<vmem_shared>>
      tpu.wait_indirect_dma semaphore(%arg12 : memref<!tpu.dma_semaphore, #tpu.memory_space<semaphore_mem>>) src(%dma_wait3A_1947 : memref<128xf32, #tpu.memory_space<vmem>>) dst(%dma_wait3A_1952 : memref<1492992xf32, #tpu.memory_space<vmem_shared>>)
      %dma_wait3A_1953 = arith.constant 5 : i32
      %dma_wait3A_1954 = arith.constant 5 : i32
      %dma_wait3A_1955 = arith.constant 0 : i32
      %dma_wait3A_1956 = tpu.memref_slice %arg8[%dma_wait3A_1953, %dma_wait3A_1955] : memref<11x128xf32, #tpu.memory_space<vmem>> -> memref<1x128xf32, #tpu.memory_space<vmem>>
      %dma_wait3A_1957 = tpu.memref_squeeze %dma_wait3A_1956 : memref<1x128xf32, #tpu.memory_space<vmem>> -> memref<128xf32, #tpu.memory_space<vmem>>
      %dma_wait3A_1958 = arith.constant 0 : i32
      %dma_wait3A_1959 = tpu.memref_slice %arg9[%dma_wait3A_1954, %dma_wait3A_1958] : memref<11x128xi32, #tpu.memory_space<vmem>> -> memref<1x128xi32, #tpu.memory_space<vmem>>
      %dma_wait3A_1960 = tpu.memref_squeeze %dma_wait3A_1959 : memref<1x128xi32, #tpu.memory_space<vmem>> -> memref<128xi32, #tpu.memory_space<vmem>>
      %dma_wait3A_1961 = arith.constant 0 : i32
      %dma_wait3A_1962 = tpu.memref_slice %arg11[%dma_wait3A_1961] : memref<1492992xf32, #tpu.memory_space<vmem_shared>> -> memref<1492992xf32, #tpu.memory_space<vmem_shared>>
      tpu.wait_indirect_dma semaphore(%arg12 : memref<!tpu.dma_semaphore, #tpu.memory_space<semaphore_mem>>) src(%dma_wait3A_1957 : memref<128xf32, #tpu.memory_space<vmem>>) dst(%dma_wait3A_1962 : memref<1492992xf32, #tpu.memory_space<vmem_shared>>)
      %dma_wait3A_1963 = arith.constant 6 : i32
      %dma_wait3A_1964 = arith.constant 6 : i32
      %dma_wait3A_1965 = arith.constant 0 : i32
      %dma_wait3A_1966 = tpu.memref_slice %arg8[%dma_wait3A_1963, %dma_wait3A_1965] : memref<11x128xf32, #tpu.memory_space<vmem>> -> memref<1x128xf32, #tpu.memory_space<vmem>>
      %dma_wait3A_1967 = tpu.memref_squeeze %dma_wait3A_1966 : memref<1x128xf32, #tpu.memory_space<vmem>> -> memref<128xf32, #tpu.memory_space<vmem>>
      %dma_wait3A_1968 = arith.constant 0 : i32
      %dma_wait3A_1969 = tpu.memref_slice %arg9[%dma_wait3A_1964, %dma_wait3A_1968] : memref<11x128xi32, #tpu.memory_space<vmem>> -> memref<1x128xi32, #tpu.memory_space<vmem>>
      %dma_wait3A_1970 = tpu.memref_squeeze %dma_wait3A_1969 : memref<1x128xi32, #tpu.memory_space<vmem>> -> memref<128xi32, #tpu.memory_space<vmem>>
      %dma_wait3A_1971 = arith.constant 0 : i32
      %dma_wait3A_1972 = tpu.memref_slice %arg11[%dma_wait3A_1971] : memref<1492992xf32, #tpu.memory_space<vmem_shared>> -> memref<1492992xf32, #tpu.memory_space<vmem_shared>>
      tpu.wait_indirect_dma semaphore(%arg12 : memref<!tpu.dma_semaphore, #tpu.memory_space<semaphore_mem>>) src(%dma_wait3A_1967 : memref<128xf32, #tpu.memory_space<vmem>>) dst(%dma_wait3A_1972 : memref<1492992xf32, #tpu.memory_space<vmem_shared>>)
      %dma_wait3A_1973 = arith.constant 7 : i32
      %dma_wait3A_1974 = arith.constant 7 : i32
      %dma_wait3A_1975 = arith.constant 0 : i32
      %dma_wait3A_1976 = tpu.memref_slice %arg8[%dma_wait3A_1973, %dma_wait3A_1975] : memref<11x128xf32, #tpu.memory_space<vmem>> -> memref<1x128xf32, #tpu.memory_space<vmem>>
      %dma_wait3A_1977 = tpu.memref_squeeze %dma_wait3A_1976 : memref<1x128xf32, #tpu.memory_space<vmem>> -> memref<128xf32, #tpu.memory_space<vmem>>
      %dma_wait3A_1978 = arith.constant 0 : i32
      %dma_wait3A_1979 = tpu.memref_slice %arg9[%dma_wait3A_1974, %dma_wait3A_1978] : memref<11x128xi32, #tpu.memory_space<vmem>> -> memref<1x128xi32, #tpu.memory_space<vmem>>
      %dma_wait3A_1980 = tpu.memref_squeeze %dma_wait3A_1979 : memref<1x128xi32, #tpu.memory_space<vmem>> -> memref<128xi32, #tpu.memory_space<vmem>>
      %dma_wait3A_1981 = arith.constant 0 : i32
      %dma_wait3A_1982 = tpu.memref_slice %arg11[%dma_wait3A_1981] : memref<1492992xf32, #tpu.memory_space<vmem_shared>> -> memref<1492992xf32, #tpu.memory_space<vmem_shared>>
      tpu.wait_indirect_dma semaphore(%arg12 : memref<!tpu.dma_semaphore, #tpu.memory_space<semaphore_mem>>) src(%dma_wait3A_1977 : memref<128xf32, #tpu.memory_space<vmem>>) dst(%dma_wait3A_1982 : memref<1492992xf32, #tpu.memory_space<vmem_shared>>)
      %dma_wait3A_1983 = arith.constant 8 : i32
      %dma_wait3A_1984 = arith.constant 8 : i32
      %dma_wait3A_1985 = arith.constant 0 : i32
      %dma_wait3A_1986 = tpu.memref_slice %arg8[%dma_wait3A_1983, %dma_wait3A_1985] : memref<11x128xf32, #tpu.memory_space<vmem>> -> memref<1x128xf32, #tpu.memory_space<vmem>>
      %dma_wait3A_1987 = tpu.memref_squeeze %dma_wait3A_1986 : memref<1x128xf32, #tpu.memory_space<vmem>> -> memref<128xf32, #tpu.memory_space<vmem>>
      %dma_wait3A_1988 = arith.constant 0 : i32
      %dma_wait3A_1989 = tpu.memref_slice %arg9[%dma_wait3A_1984, %dma_wait3A_1988] : memref<11x128xi32, #tpu.memory_space<vmem>> -> memref<1x128xi32, #tpu.memory_space<vmem>>
      %dma_wait3A_1990 = tpu.memref_squeeze %dma_wait3A_1989 : memref<1x128xi32, #tpu.memory_space<vmem>> -> memref<128xi32, #tpu.memory_space<vmem>>
      %dma_wait3A_1991 = arith.constant 0 : i32
      %dma_wait3A_1992 = tpu.memref_slice %arg11[%dma_wait3A_1991] : memref<1492992xf32, #tpu.memory_space<vmem_shared>> -> memref<1492992xf32, #tpu.memory_space<vmem_shared>>
      tpu.wait_indirect_dma semaphore(%arg12 : memref<!tpu.dma_semaphore, #tpu.memory_space<semaphore_mem>>) src(%dma_wait3A_1987 : memref<128xf32, #tpu.memory_space<vmem>>) dst(%dma_wait3A_1992 : memref<1492992xf32, #tpu.memory_space<vmem_shared>>)
      %dma_wait3A_1993 = arith.constant 9 : i32
      %dma_wait3A_1994 = arith.constant 9 : i32
      %dma_wait3A_1995 = arith.constant 0 : i32
      %dma_wait3A_1996 = tpu.memref_slice %arg8[%dma_wait3A_1993, %dma_wait3A_1995] : memref<11x128xf32, #tpu.memory_space<vmem>> -> memref<1x128xf32, #tpu.memory_space<vmem>>
      %dma_wait3A_1997 = tpu.memref_squeeze %dma_wait3A_1996 : memref<1x128xf32, #tpu.memory_space<vmem>> -> memref<128xf32, #tpu.memory_space<vmem>>
      %dma_wait3A_1998 = arith.constant 0 : i32
      %dma_wait3A_1999 = tpu.memref_slice %arg9[%dma_wait3A_1994, %dma_wait3A_1998] : memref<11x128xi32, #tpu.memory_space<vmem>> -> memref<1x128xi32, #tpu.memory_space<vmem>>
      %dma_wait3A_2000 = tpu.memref_squeeze %dma_wait3A_1999 : memref<1x128xi32, #tpu.memory_space<vmem>> -> memref<128xi32, #tpu.memory_space<vmem>>
      %dma_wait3A_2001 = arith.constant 0 : i32
      %dma_wait3A_2002 = tpu.memref_slice %arg11[%dma_wait3A_2001] : memref<1492992xf32, #tpu.memory_space<vmem_shared>> -> memref<1492992xf32, #tpu.memory_space<vmem_shared>>
      tpu.wait_indirect_dma semaphore(%arg12 : memref<!tpu.dma_semaphore, #tpu.memory_space<semaphore_mem>>) src(%dma_wait3A_1997 : memref<128xf32, #tpu.memory_space<vmem>>) dst(%dma_wait3A_2002 : memref<1492992xf32, #tpu.memory_space<vmem_shared>>)
      %dma_wait3A_2003 = arith.constant 10 : i32
      %dma_wait3A_2004 = arith.constant 10 : i32
      %dma_wait3A_2005 = arith.constant 0 : i32
      %dma_wait3A_2006 = tpu.memref_slice %arg8[%dma_wait3A_2003, %dma_wait3A_2005] : memref<11x128xf32, #tpu.memory_space<vmem>> -> memref<1x128xf32, #tpu.memory_space<vmem>>
      %dma_wait3A_2007 = tpu.memref_squeeze %dma_wait3A_2006 : memref<1x128xf32, #tpu.memory_space<vmem>> -> memref<128xf32, #tpu.memory_space<vmem>>
      %dma_wait3A_2008 = arith.constant 0 : i32
      %dma_wait3A_2009 = tpu.memref_slice %arg9[%dma_wait3A_2004, %dma_wait3A_2008] : memref<11x128xi32, #tpu.memory_space<vmem>> -> memref<1x128xi32, #tpu.memory_space<vmem>>
      %dma_wait3A_2010 = tpu.memref_squeeze %dma_wait3A_2009 : memref<1x128xi32, #tpu.memory_space<vmem>> -> memref<128xi32, #tpu.memory_space<vmem>>
      %dma_wait3A_2011 = arith.constant 0 : i32
      %dma_wait3A_2012 = tpu.memref_slice %arg11[%dma_wait3A_2011] : memref<1492992xf32, #tpu.memory_space<vmem_shared>> -> memref<1492992xf32, #tpu.memory_space<vmem_shared>>
      tpu.wait_indirect_dma semaphore(%arg12 : memref<!tpu.dma_semaphore, #tpu.memory_space<semaphore_mem>>) src(%dma_wait3A_2007 : memref<128xf32, #tpu.memory_space<vmem>>) dst(%dma_wait3A_2012 : memref<1492992xf32, #tpu.memory_space<vmem_shared>>)
      %barrier3A_2013 = arith.constant 0 : index
      tpu.barrier barrier_id(%barrier3A_2013)
      %mul3A_2014 = arith.constant 93312 : i32
      %mul3A_2015 = arith.muli %arg1, %mul3A_2014 : i32
      "tpu.region"() ({
        %run_scoped3A = tpu.sem_alloc : memref<!tpu.dma_semaphore, #tpu.memory_space<semaphore_mem>>
        %dma_start3A_2016 = tpu.memref_slice %arg5[%mul3A_2015] : memref<1492992xf32, #tpu.memory_space<hbm>> -> memref<93312xf32, #tpu.memory_space<hbm>>
        %dma_start3A_2017 = tpu.memref_slice %arg11[%mul3A_2015] : memref<1492992xf32, #tpu.memory_space<vmem_shared>> -> memref<93312xf32, #tpu.memory_space<vmem_shared>>
        tpu.enqueue_dma source(%dma_start3A_2017 : memref<93312xf32, #tpu.memory_space<vmem_shared>>) target(%dma_start3A_2016 : memref<93312xf32, #tpu.memory_space<hbm>>) target_semaphore(%run_scoped3A : memref<!tpu.dma_semaphore, #tpu.memory_space<semaphore_mem>>)
        %dma_wait3A_2018 = tpu.memref_slice %arg5[%mul3A_2015] : memref<1492992xf32, #tpu.memory_space<hbm>> -> memref<93312xf32, #tpu.memory_space<hbm>>
        %dma_wait3A_2019 = tpu.memref_slice %arg11[%mul3A_2015] : memref<1492992xf32, #tpu.memory_space<vmem_shared>> -> memref<93312xf32, #tpu.memory_space<vmem_shared>>
        tpu.wait_dma2 semaphore(%run_scoped3A : memref<!tpu.dma_semaphore, #tpu.memory_space<semaphore_mem>>) src(%dma_wait3A_2019 : memref<93312xf32, #tpu.memory_space<vmem_shared>>) dst(%dma_wait3A_2018 : memref<93312xf32, #tpu.memory_space<hbm>>)
        tpu.yield
      }) : () -> ()
    } else {
    }
    return
  }
}

module attributes {stable_mosaic.version = 14 : i64} {
  func.func @body(%arg0: i32, %arg1: memref<576x2592xbf16, #tpu.memory_space<vmem>>, %arg2: memref<2592x2048xbf16, #tpu.memory_space<vmem>>, %arg3: memref<576x2048xf32, #tpu.memory_space<vmem>>) attributes {dimension_semantics = [#tpu.dimension_semantics<arbitrary>], iteration_bounds = array<i64: 8>, scalar_prefetch = 0 : i64, scratch_operands = 0 : i64, tpu.core_type = #tpu.core_type<tc>, window_params = [{pipeline_mode = #tpu.pipeline_mode<synchronous>, transform_indices = @transform_0, window_bounds = array<i64: 576, 2592>}, {transform_indices = @transform_1, window_bounds = array<i64: 2592, 2048>}, {transform_indices = @transform_2, window_bounds = array<i64: 576, 2048>}]} {
    %get3A = arith.constant 0 : index
    %get3A_0 = arith.constant 0 : index
    %get3A_1 = vector.load %arg1[%get3A, %get3A_0] : memref<576x2592xbf16, #tpu.memory_space<vmem>>, vector<576x2592xbf16>
    %get3A_2 = arith.constant 0 : index
    %get3A_3 = arith.constant 0 : index
    %get3A_4 = vector.load %arg2[%get3A_2, %get3A_3] : memref<2592x2048xbf16, #tpu.memory_space<vmem>>, vector<2592x2048xbf16>
    %dot_general3A = arith.constant dense<0.000000e+00> : vector<576x2048xf32>
    %dot_general3A_5 = tpu.matmul %get3A_1, %get3A_4, %dot_general3A {dimension_numbers = #tpu.dot_dimension_numbers<[1], [0], [0], [1], [0, 0, 1, 1], [], []>, transpose_lhs_hint = false} : vector<576x2592xbf16>, vector<2592x2048xbf16>, vector<576x2048xf32> -> vector<576x2048xf32>
    %swap3A = arith.constant 0 : index
    %swap3A_6 = arith.constant 0 : index
    %swap3A_7 = vector.load %arg3[%swap3A, %swap3A_6] : memref<576x2048xf32, #tpu.memory_space<vmem>>, vector<576x2048xf32>
    tpu.vector_store %arg3[%swap3A, %swap3A_6], %dot_general3A_5 {strides = array<i32>} : memref<576x2048xf32, #tpu.memory_space<vmem>>, vector<576x2048xf32>,
    return
  }
  func.func @transform_0(%arg0: i32) -> (i32, i32) {
    %c0_i32 = arith.constant 0 : i32
    %c0_i32_0 = arith.constant 0 : i32
    %c0_i32_1 = arith.constant 0 : i32
    return %c0_i32, %c0_i32_0 : i32, i32
  }
  func.func @transform_1(%arg0: i32) -> (i32, i32) {
    %c0_i32 = arith.constant 0 : i32
    %c0_i32_0 = arith.constant 0 : i32
    return %c0_i32, %arg0 : i32, i32
  }
  func.func @transform_2(%arg0: i32) -> (i32, i32) {
    %c0_i32 = arith.constant 0 : i32
    %c0_i32_0 = arith.constant 0 : i32
    return %c0_i32, %arg0 : i32, i32
  }
}

</mosaic_0001>

<sc_bundles>
// kernel: kernel.4.cloned.1.call-start
scs
__scs_entry_jumppad:
0x0: {  	(pc) =	sbr.rel $0x88, $3  }
0x1: {  	(tag) =	ssettag $0x0;
	lr =	simm.s32 $0x1  }
0x2: {  	[smem:$0x3F9D] =	sst lr;
	_ =	strace $0xD0000000  }
0x3: {  	_ = 	snop  }
0x4: {  	_ = 	snop  }
0x5: {  	_ = 	snop  }
0x6: {  	_ = 	snop  }
0x7: {  	_ = 	snop  }
__scs_overlays_trampoline_lowered:
0x8: {  	[smem:$0x3FAC] =	sst s0  }
0x9: {  	[smem:$0x3FAD] =	sst s1  }
0xa: {  	[smem:$0x3FAE] =	sst s2  }
0xb: {  	[smem:$0x3FAF] =	sst s3  }
0xc: {  	[smem:$0x3FB0] =	sst s4  }
0xd: {  	[smem:$0x3FB1] =	sst s5  }
0xe: {  	[smem:$0x3FB2] =	sst s6  }
0xf: {  	[smem:$0x3FB3] =	sst s7  }
0x10: {  	[smem:$0x3FB4] =	sst s8  }
0x11: {  	[smem:$0x3FB5] =	sst s9;
	s0 =	simm.s32 @!p0 $0x0  }
0x12: {  	s1 =	sld [smem:$0x3F9B];
	s0 =	simm.s32 @p0 $0x1  }
0x13: {  	[smem:$0x3FB6] =	sst s0;
	s0 =	simm.s32 @!p1 $0x0  }
0x14: {  	s2 =	sld [smem:$0x3F9A];
	s0 =	simm.s32 @p1 $0x1  }
0x15: {  	[smem:$0x3FB7] =	sst s0;
	s0 =	simm.s32 @!p2 $0x0  }
0x16: {  	s3 =	sld [smem:$0x3FDB];
	s0 =	simm.s32 @p2 $0x1  }
0x17: {  	s4 =	simm.s32 $0x1BF5;
	[smem:$0x3FB9] =	sst s0  }
0x18: {  	s0 =	sld [smem:$0x3F9C];
	_ =	swait.ge [sflag:s4], $0x0  }
0x19: {  	s7 =	sld [smem:$0x3F9D]  }
0x1a: {  	s8 =	sadd.s32 $0xFFFFE003, lr  }
0x1b: {  	s9 =	sadd.s32 $0xFFFFFEF7, lr;
	s5 =	simm.s32 $0xFFFFFFFF;
	p2 =	slt.u32 s8, $0xFFFFF086  }
0x1c: {  	p1 =	slt.u32 s9, $0xF7A;
	s5 =	simm.s32 @!p2 $0x0  }
0x1d: {  	s5 =	simm.s32 @p1 $0x1;
	p0 =	seq.s32 s7, s2  }
0x1e: {  	s7 =	smul.u32 @!p0 $0xF7A, s2;
	p2 =	seq.s32 @!p0 s5, $0x0  }
0x1f: {  	s9 =	smul.u32 $0xF7A, s1;
	s8 =	simm.s32 @!p0 $0x1BF5;
	p2 =	por !p2, p0  }
0x20: {  	[sflag:s8] =	ssyncset.s32 @!p0 $0xFFFFF086;
	s6 =	sadd.s32 @!p0 s3, s7;
	s7 =	simm.s32 @!p0 $0x108  }
0x21: {  	s3 =	sadd.s32 s3, s9;
	s6 =	sadd.s32 @!p0 $0x88, s6;
	s7 =	simm.s32 @p2 $0x1082  }
0x22: {  	[simem:s7], [sflag:s8] =	dma.local @!p0 [hbm:s6], $0xF7A  }
0x23: {  	s9 =	sor.u32 $0xD0000000, s2;
	s6 =	simm.s32 $0x108;
	_ =	swait.ge @!p0 [sflag:s8], $0x0  }
0x24: {  	s3 =	sadd.s32 $0x88, s3;
	s6 =	simm.s32 @!p1 $0x1082;
	[sflag:s4] =	ssyncset.s32 $0xFFFFF086  }
0x25: {  	[simem:s6], [sflag:s4] =	dma.local [hbm:s3], $0xF7A  }
0x26: {  	[smem:$0x3F9D] =	sst s1;
	(tag) =	ssettag s2;
	_ =	strace s9  }
0x27: {  	s1 =	sld [smem:$0x3FAD]  }
0x28: {  	s2 =	sld [smem:$0x3FAE]  }
0x29: {  	s4 =	sld [smem:$0x3FB0]  }
0x2a: {  	p0 =	seq.s32 s5, $0x0;
	s5 =	sld [smem:$0x3FB1]  }
0x2b: {  	s6 =	sld [smem:$0x3FB2]  }
0x2c: {  	s7 =	sld [smem:$0x3FB3]  }
0x2d: {  	s3 =	simm.s32 $0x108;
	s8 =	sld [smem:$0x3FB4]  }
0x2e: {  	s3 =	simm.s32 @!p0 $0x1082;
	s9 =	sld [smem:$0x3FB5]  }
0x2f: {  	lr =	sadd.s32 s0, s3;
	s0 =	sld [smem:$0x3FAC]  }
0x30: {  	s3 =	sld [smem:$0x3FAF]  }
0x31: {  	[smem:$0x3FB8] =	sst s10  }
0x32: {  	s10 =	sld [smem:$0x3FB6];
	_ =	sdelay $0x3  }
0x33: {  	p0 =	seq.s32 s10, $0x1;
	s10 =	sld [smem:$0x3FB8];
	_ =	sdelay $0x3  }
0x34: {  	[smem:$0x3FB8] =	sst s10  }
0x35: {  	s10 =	sld [smem:$0x3FB7];
	_ =	sdelay $0x3  }
0x36: {  	p1 =	seq.s32 s10, $0x1;
	s10 =	sld [smem:$0x3FB8];
	_ =	sdelay $0x3  }
0x37: {  	[smem:$0x3FB8] =	sst s10  }
0x38: {  	s10 =	sld [smem:$0x3FB9]  }
0x39: {  	_ = 	snop;
	(pc) =	sbr.ind lr, $3  }
0x3a: {  	_ = 	snop  }
0x3b: {  	_ = 	snop  }
0x3c: {  	p2 =	seq.s32 s10, $0x1;
	s10 =	sld [smem:$0x3FB8]  }
0x3d: {  	_ =	shalt  }
0x3e: {  	_ =	shalt  }
0x3f: {  	_ =	shalt  }
0x40: {  	_ =	shalt  }
0x41: {  	_ =	shalt  }
0x42: {  	_ =	shalt  }
0x43: {  	_ =	shalt  }
0x44: {  	_ =	shalt  }
0x45: {  	_ =	shalt  }
0x46: {  	_ =	shalt  }
0x47: {  	_ =	shalt  }
0x48: {  	_ =	shalt  }
0x49: {  	_ =	shalt  }
0x4a: {  	_ =	shalt  }
0x4b: {  	_ =	shalt  }
0x4c: {  	_ =	shalt  }
0x4d: {  	_ =	shalt  }
0x4e: {  	_ =	shalt  }
0x4f: {  	_ =	shalt  }
0x50: {  	_ =	shalt  }
0x51: {  	_ =	shalt  }
0x52: {  	_ =	shalt  }
0x53: {  	_ =	shalt  }
0x54: {  	_ =	shalt  }
0x55: {  	_ =	shalt  }
0x56: {  	_ =	shalt  }
0x57: {  	_ =	shalt  }
0x58: {  	_ =	shalt  }
0x59: {  	_ =	shalt  }
0x5a: {  	_ =	shalt  }
0x5b: {  	_ =	shalt  }
0x5c: {  	_ =	shalt  }
0x5d: {  	_ =	shalt  }
0x5e: {  	_ =	shalt  }
0x5f: {  	_ =	shalt  }
0x60: {  	_ =	shalt  }
0x61: {  	_ =	shalt  }
0x62: {  	_ =	shalt  }
0x63: {  	_ =	shalt  }
0x64: {  	_ =	shalt  }
0x65: {  	_ =	shalt  }
0x66: {  	_ =	shalt  }
0x67: {  	_ =	shalt  }
0x68: {  	_ =	shalt  }
0x69: {  	_ =	shalt  }
0x6a: {  	_ =	shalt  }
0x6b: {  	_ =	shalt  }
0x6c: {  	_ =	shalt  }
0x6d: {  	_ =	shalt  }
0x6e: {  	_ =	shalt  }
0x6f: {  	_ =	shalt  }
0x70: {  	_ =	shalt  }
0x71: {  	_ =	shalt  }
0x72: {  	_ =	shalt  }
0x73: {  	_ =	shalt  }
0x74: {  	_ =	shalt  }
0x75: {  	_ =	shalt  }
0x76: {  	_ =	shalt  }
0x77: {  	_ =	shalt  }
0x78: {  	_ =	shalt  }
0x79: {  	_ =	shalt  }
0x7a: {  	_ =	shalt  }
0x7b: {  	_ =	shalt  }
0x7c: {  	_ =	shalt  }
0x7d: {  	_ =	shalt  }
0x7e: {  	_ =	shalt  }
0x7f: {  	_ =	shalt  }
0x80: {  	_ =	shalt  }
0x81: {  	_ =	shalt  }
0x82: {  	_ =	shalt  }
0x83: {  	_ =	shalt  }
0x84: {  	_ =	shalt  }
0x85: {  	_ =	shalt  }
0x86: {  	_ =	shalt  }
0x87: {  	_ =	shalt  }
.Lfunc_end0:
.L_simem_size_0:
called_computation.2_lowered:
.L_overlay_start_0:
0x88: {  	s2 =	sld [smem:$0x3FD9]  }
0x89: {  	s3 =	sld [smem:$0x3FFE];
	_ =	sdelay $0x1  }
0x8a: {  	s1 =	srdreg.scid  }
0x8b: {  	s0 =	sand.u32 $0x1, s1  }
0x8c: {  	s17 =	sshll.u32 s0, $0xA;
	s2 =	sadd.s32 s3, s2  }
0x8d: {  	s2 =	sadd.s32 s2, s17  }
0x8e: {  	[smem:$0x3FC4] =	sst s2  }
0x8f: {  	_ = 	snop  }
0x90: {  	s18 =	sld [smem:$0x3FD0];
	(tm) =	ssettm $0x1  }
0x91: {  	s19 =	sld [smem:$0x3FFB];
	_ =	sdelay $0x3  }
0x92: {  	_ =	strace s19  }
0x93: {  	s2 =	sld [smem:$0x3FFC];
	_ =	sdelay $0x3  }
0x94: {  	_ =	strace s2  }
0x95: {  	s2 =	sld [smem:$0x3FFD];
	_ =	sdelay $0x3  }
0x96: {  	_ =	strace s2  }
0x97: {  	_ =	strace $0x8FFFFFFF  }
0x98: {  	s20 =	sld [smem:$0x3FDB];
	_ =	sdelay $0x1  }
0x99: {  	s4 =	simm.s32 $_scs_section_size  }
0x9a: {  	s5 =	simm.s32 $_size__tile_overlayer_lowered;
	s6 =	simm.s32 $_tile_overlayer_lowered  }
0x9b: {  	s7 =	simm.s32 $0x1BFF;
	s21 =	sshll.u32 s6, $0x1;
	s4 =	sadd.s32 s4, s20  }
0x9c: {  	s22 =	simm.s32 $0x0;
	s5 =	sshll.u32 s5, $0x1;
	s6 =	sadd.s32 s21, s4  }
0x9d: {  	[timem:s22], [sflag:s7] =	dma.local [hbm:s6], s5  }
0x9e: {  	_ =	swait.ge [sflag:s7], s5  }
0x9f: {  	s5 =	ssub.s32 $0x0, s5;
	[sflag:s7] =	ssyncset.done $0x0  }
0xa0: {  	[sflag:s7] =	ssyncadd.s32 s5;
	_ =	sdelay $0x1  }
0xa1: {  	s23 =	simm.s32 $0x1B8B  }
0xa2: {  	_ =	swait.ge [sflag:s23], $0x1  }
0xa3: {  	[sflag:s23] =	ssyncset.done $0x0  }
0xa4: {  	[sflag:s23] =	ssyncadd.s32 $0xFFFFFFFF  }
0xa5: {  	s5 =	sld [smem:$0x0]  }
0xa6: {  	s6 =	sand.u32 $0xFFFFFFFE, s1  }
0xa7: {  	p0 =	sne.s32 s1, s6  }
0xa8: {  	s6 =	sshll.u32 @p0 s6, $0xE  }
0xa9: {  	s6 =	sadd.s32 @p0 $0x11B8D, s6;
	s7 =	sshll.u32 @p0 s5, $0x11  }
0xaa: {  	s6 =	sor.u32 @p0 s7, s6  }
0xab: {  	[sflag:s6] =	ssyncadd.remote.s32 @p0 $0x1;
	_ =	sdelay $0x1  }
0xac: {  	s6 =	simm.s32 @p0 $0x1B8D  }
0xad: {  	_ =	swait.eq @p0 [sflag:s6], $0x1  }
0xae: {  	[sflag:s6] =	ssyncadd.s32 @p0 $0xFFFFFFFF  }
0xaf: {  	s7 =	sshll.u32 @!p0 s1, $0xE  }
0xb0: {  	s7 =	sor.u32 @!p0 $0x4000, s7;
	s6 =	simm.s32 @!p0 $0x1B8D  }
0xb1: {  	s5 =	sshll.u32 @!p0 s5, $0x11;
	s7 =	sadd.s32 @!p0 $0x11B8D, s7;
	_ =	swait.eq @!p0 [sflag:s6], $0x1  }
0xb2: {  	s5 =	sor.u32 @!p0 s5, s7;
	[sflag:s6] =	ssyncadd.s32 @!p0 $0xFFFFFFFF  }
0xb3: {  	s25 =	simm.s32 $0x1B8E;
	s24 =	sld [smem:$0x3FFE];
	[sflag:s5] =	ssyncadd.remote.s32 @!p0 $0x1  }
0xb4: {  	s26 =	simm.s32 $execute0_lowered;
	[smem:$0x3FD2] =	sst s25  }
0xb5: {  	s6 =	sshll.u32 s26, $0x1;
	_ =	strace $0x80000049;
	[dreg:$0x1] =	wrdreg $0xFFFFFFFF  }
0xb6: {  	s28 =	simm.s32 $_size_execute0_lowered;
	s4 =	sadd.s32 s4, s6;
	[dreg:$0x0] =	wrdreg $0x0  }
0xb7: {  	s6 =	sshll.u32 s28, $0x1;
	[dreg:$0x2] =	wrdreg s4  }
0xb8: {  	[dreg:$0x3] =	wrdreg s6  }
0xb9: {  	[dreg:$0x4] =	wrdreg $0xC0  }
0xba: {  	_ =	task [dreg:s22], $0x5FFFF  }
0xbb: {  	[dreg:$0x1] =	wrdreg $0xFFFFFFFF  }
0xbc: {  	[dreg:$0x0] =	wrdreg $0x60  }
0xbd: {  	[dreg:$0x2] =	wrdreg s24  }
0xbe: {  	[dreg:$0x3] =	wrdreg s18  }
0xbf: {  	[dreg:$0x4] =	wrdreg $0x4E000  }
0xc0: {  	[dreg:$0x5] =	wrdreg $0xA  }
0xc1: {  	_ =	task.clear_ibuf [dreg:s22], $0x6FFFF;
	_ =	strace $0x90000049  }
0xc2: {  	s29 =	simm.s32 $0xA;
	_ =	strace $0x8000004B  }
0xc3: {  	_ =	swait.ge [sflag:s29], $0x1  }
0xc4: {  	[sflag:s29] =	ssyncadd.s32 $0xFFFFFFFF  }
0xc5: {  	_ =	strace $0x9000004B  }
0xc6: {  	_ =	sfence  }
0xc7: {  	s30 =	sld [smem:$0x0];
	_ =	sdelay $0x2  }
0xc8: {  	s31 =	sshll.u32 s1, $0xD;
	s1 =	sshrl.u32 s1, $0x2  }
0xc9: {  	s4 =	sand.u32 $0x4000, s31;
	s1 =	sadd.s32 s1, s30  }
0xca: {  	s0 =	sor.u32 s4, s0;
	s1 =	sshll.u32 s1, $0x11  }
0xcb: {  	s0 =	sor.u32 s1, s0  }
0xcc: {  	s0 =	sadd.s32 $0x8F2B, s0  }
0xcd: {  	[sflag:s0] =	ssyncadd.remote.s32 $0x1  }
0xce: {  	_ =	sfence.sel $0xFFFF  }
0xcf: {  	[dreg:$0x0] =	wrdreg $0xFFFFFFFF;
	(pc) =	sbr.abs _section_cstart, $3  }
0xd0: {  	[dreg:$0x1] =	wrdreg $0xFFFFFFFF  }
0xd1: {  	_ =	task.clear_ibuf [dreg:s22], $0x2FFFF;
	_ =	strace $0x9FFFFFFF  }
0xd2: {  	(tm) =	ssettm $0x7FFFFFFF  }
0xd3: {  	_ =	shalt  }
tec
execute0_lowered:
.L_overlay_start_1:
0x0: {  	(tag) =	ssettag $0x1  }
0x1: {  	s1 =	srdreg.scid  }
0x2: {  	s1 =	sand.u32 $0x1, s1  }
0x3: {  	p0 =	seq.s32 s1, $0x1  }
.Ltmp0:
0x4: {  	s5 =	rddreg [dreg:$0x0];
	(pc) =	sbr.rel @p0 .LBB2_4-.Ltmp0, $4  }
0x5: {  	s3 =	rddreg [dreg:$0x1]  }
0x6: {  	s4 =	rddreg [dreg:$0x2];
	s2 =	simm.s32 $0x0  }
0x7: {  	[smem:$0x7FF] =	sst s2  }
0x8: {  	s0 =	rddreg [dreg:$0x3];
	_ =	strace $0x8000004A;
	s1 =	stileid.u32  }
0x9: {  	s16 =	smul.u32 $0x16C80, s1;
	s6 =	sshll.u32 s1, $0x8  }
0xa: {  	s5 =	sadd.s32 s6, s5  }
0xb: {  	s2 =	sadd.s32 s16, s4;
	s8 =	sadd.s32 $0x529200, s5;
	s6 =	sadd.s32 $0x52A200, s5  }
0xc: {  	s7 =	sadd.s32 $0x52B200, s5;
	s31 =	sshrl.u32 s16, $0x3;
	s5 =	simm.s32 $0x40  }
0xd: {  	s16 =	simm.s32 $0x0;
	s15 =	sadd.s32 $0x2D90, s2;
	s14 =	sadd.s32 $0x5B20, s2  }
0xe: {  	s13 =	sadd.s32 $0x88B0, s2;
	s12 =	sadd.s32 $0xB640, s2;
	s11 =	sadd.s32 $0xE3D0, s2  }
0xf: {  	v0 =	vimm.f32 $0.0e+00;
	s10 =	sadd.s32 $0x11160, s2;
	s9 =	sadd.s32 $0x13EF0, s2;
	s3 =	sadd.s32 s3, s31  }
.LBB2_2:
0x10: {  	p0 =	sne.s32 s5, $0xB600;
	[tilespmem:s16+$0x2000] =	vst v0;
	s16 =	smov.u32 s5;
	s5 =	sadd.s32 $0x40, s5  }
.Ltmp1:
0x11: {  	(pc) =	sbr.rel @p0 .LBB2_2-.Ltmp1, $2  }
0x12: {  	_ =	sdelay $0x2  }
0x13: {  	s16 =	sshra.s32 s16, $0x2  }
0x14: {  	[tilespmem:s16+$0x2000] =	vst v0;
	s25 =	simm.s32 $0x2000;
	s5 =	simm.s32 $0x2  }
0x15: {  	[spmem:s2] =	stream.linear.scatter [tilespmem:s25], [sflag:$0x2], $0x2D90, $0x38;
	[tilespmem:$0x1BA80] =	vst v63  }
0x16: {  	_ =	swait.ge [sflag:s5], $0x2D90  }
0x17: {  	[sflag:s5] =	ssyncset.done $0x0  }
0x18: {  	[sflag:s5] =	ssyncadd.s32 $0xFFFFD270  }
0x19: {  	[spmem:s15] =	stream.linear.scatter [tilespmem:s25], [sflag:$0x2], $0x2D90, $0x38;
	[tilespmem:$0x1BA80] =	vst v63  }
0x1a: {  	_ =	swait.ge [sflag:s5], $0x2D90  }
0x1b: {  	[sflag:s5] =	ssyncset.done $0x0  }
0x1c: {  	[sflag:s5] =	ssyncadd.s32 $0xFFFFD270  }
0x1d: {  	[spmem:s14] =	stream.linear.scatter [tilespmem:s25], [sflag:$0x2], $0x2D90, $0x38;
	[tilespmem:$0x1BA80] =	vst v63  }
0x1e: {  	_ =	swait.ge [sflag:s5], $0x2D90  }
0x1f: {  	[sflag:s5] =	ssyncset.done $0x0  }
0x20: {  	[sflag:s5] =	ssyncadd.s32 $0xFFFFD270  }
0x21: {  	[spmem:s13] =	stream.linear.scatter [tilespmem:s25], [sflag:$0x2], $0x2D90, $0x38;
	[tilespmem:$0x1BA80] =	vst v63  }
0x22: {  	_ =	swait.ge [sflag:s5], $0x2D90  }
0x23: {  	[sflag:s5] =	ssyncset.done $0x0  }
0x24: {  	[sflag:s5] =	ssyncadd.s32 $0xFFFFD270  }
0x25: {  	[spmem:s12] =	stream.linear.scatter [tilespmem:s25], [sflag:$0x2], $0x2D90, $0x38;
	[tilespmem:$0x1BA80] =	vst v63  }
0x26: {  	_ =	swait.ge [sflag:s5], $0x2D90  }
0x27: {  	[sflag:s5] =	ssyncset.done $0x0  }
0x28: {  	[sflag:s5] =	ssyncadd.s32 $0xFFFFD270  }
0x29: {  	[spmem:s11] =	stream.linear.scatter [tilespmem:s25], [sflag:$0x2], $0x2D90, $0x38;
	[tilespmem:$0x1BA80] =	vst v63  }
0x2a: {  	_ =	swait.ge [sflag:s5], $0x2D90  }
0x2b: {  	[sflag:s5] =	ssyncset.done $0x0  }
0x2c: {  	[sflag:s5] =	ssyncadd.s32 $0xFFFFD270  }
0x2d: {  	[spmem:s10] =	stream.linear.scatter [tilespmem:s25], [sflag:$0x2], $0x2D90, $0x38;
	[tilespmem:$0x1BA80] =	vst v63  }
0x2e: {  	_ =	swait.ge [sflag:s5], $0x2D90  }
0x2f: {  	[sflag:s5] =	ssyncset.done $0x0  }
0x30: {  	[sflag:s5] =	ssyncadd.s32 $0xFFFFD270  }
0x31: {  	[spmem:s9] =	stream.linear.scatter [tilespmem:s25], [sflag:$0x2], $0x2D90, $0x38;
	[tilespmem:$0x1BA80] =	vst v63  }
0x32: {  	_ =	swait.ge [sflag:s5], $0x2D90  }
0x33: {  	[sflag:s5] =	ssyncset.done $0x0  }
0x34: {  	s26 =	simm.s32 $0x0;
	[sflag:s5] =	ssyncadd.s32 $0xFFFFD270  }
0x35: {  	[tilespmem:s26], [sflag:$0x2] =	stream.linear.gather [hbm4b:s8+s26], $0x580, $0x38;
	[tilespmem:$0x1BA80] =	vst v63  }
0x36: {  	_ =	swait.ge [sflag:s5], $0x580  }
0x37: {  	[sflag:s5] =	ssyncset.done $0x0  }
0x38: {  	s28 =	simm.s32 $0x800;
	[sflag:s5] =	ssyncadd.s32 $0xFFFFFA80  }
0x39: {  	[tilespmem:s28], [sflag:$0x2] =	stream.linear.gather [hbm4b:s6+s26], $0x580, $0x38;
	[tilespmem:$0x1BA80] =	vst v63  }
0x3a: {  	_ =	swait.ge [sflag:s5], $0x580  }
0x3b: {  	[sflag:s5] =	ssyncset.done $0x0  }
0x3c: {  	s29 =	simm.s32 $0x1000;
	[sflag:s5] =	ssyncadd.s32 $0xFFFFFA80  }
0x3d: {  	[tilespmem:s29], [sflag:$0x2] =	stream.linear.gather [hbm4b:s7+s26], $0x580, $0x38;
	[tilespmem:$0x1BA80] =	vst v63  }
0x3e: {  	_ =	swait.ge [sflag:s5], $0x580  }
0x3f: {  	[sflag:s5] =	ssyncset.done $0x0  }
0x40: {  	[sflag:s5] =	ssyncadd.s32 $0xFFFFFA80  }
0x41: {  	v10 =	vld [tilespmem:$0x0]  }
0x42: {  	v13 =	vld [tilespmem:$0x800]  }
0x43: {  	v16 =	vld [tilespmem:$0x10]  }
0x44: {  	v19 =	vld [tilespmem:$0x810]  }
0x45: {  	v22 =	vld [tilespmem:$0x20]  }
0x46: {  	v25 =	vld [tilespmem:$0x820]  }
0x47: {  	v28 =	vld [tilespmem:$0x30]  }
0x48: {  	v31 =	vld [tilespmem:$0x830]  }
0x49: {  	v34 =	vld [tilespmem:$0x40]  }
0x4a: {  	v37 =	vld [tilespmem:$0x840]  }
0x4b: {  	v40 =	vld [tilespmem:$0x50]  }
0x4c: {  	v43 =	vld [tilespmem:$0x850]  }
0x4d: {  	v46 =	vld [tilespmem:$0x60]  }
0x4e: {  	v49 =	vld [tilespmem:$0x860]  }
0x4f: {  	v52 =	vld [tilespmem:$0x70]  }
0x50: {  	v58 =	vld [tilespmem:$0x870]  }
0x51: {  	v0 =	vld [tilespmem:$0x80]  }
0x52: {  	v3 =	vld [tilespmem:$0x880]  }
0x53: {  	v1 =	vld [tilespmem:$0x90]  }
0x54: {  	v5 =	vld [tilespmem:$0x890]  }
0x55: {  	v2 =	vld [tilespmem:$0xA0]  }
0x56: {  	v7 =	vld [tilespmem:$0x8A0]  }
0x57: {  	v4 =	vld [tilespmem:$0xB0]  }
0x58: {  	v9 =	vld [tilespmem:$0x8B0]  }
0x59: {  	v6 =	vld [tilespmem:$0xC0]  }
0x5a: {  	v12 =	vld [tilespmem:$0x8C0]  }
0x5b: {  	v8 =	vld [tilespmem:$0xD0]  }
0x5c: {  	v15 =	vld [tilespmem:$0x8D0]  }
0x5d: {  	v11 =	vld [tilespmem:$0xE0]  }
0x5e: {  	v18 =	vld [tilespmem:$0x8E0]  }
0x5f: {  	v14 =	vld [tilespmem:$0xF0]  }
0x60: {  	v21 =	vld [tilespmem:$0x8F0]  }
0x61: {  	v17 =	vld [tilespmem:$0x100]  }
0x62: {  	v24 =	vld [tilespmem:$0x900]  }
0x63: {  	v20 =	vld [tilespmem:$0x110]  }
0x64: {  	v42 =	vld [tilespmem:$0x9E0]  }
0x65: {  	v27 =	vld [tilespmem:$0x910]  }
0x66: {  	v23 =	vld [tilespmem:$0x120]  }
0x67: {  	v55 =	vld [tilespmem:$0x920]  }
0x68: {  	v26 =	vld [tilespmem:$0x130]  }
0x69: {  	[tilespmem:$0x1FE10] =	vst v42;
	v42 =	vld [tilespmem:$0xA00]  }
0x6a: {  	v33 =	vld [tilespmem:$0x930]  }
0x6b: {  	v29 =	vld [tilespmem:$0x140]  }
0x6c: {  	v61 =	vld [tilespmem:$0x940]  }
0x6d: {  	v30 =	vld [tilespmem:$0x150]  }
0x6e: {  	[tilespmem:$0x1FE40] =	vst v42;
	v42 =	vld [tilespmem:$0x210]  }
0x6f: {  	v36 =	vld [tilespmem:$0x950]  }
0x70: {  	v32 =	vld [tilespmem:$0x160]  }
0x71: {  	v39 =	vld [tilespmem:$0x960]  }
0x72: {  	v35 =	vld [tilespmem:$0x170]  }
0x73: {  	[tilespmem:$0x1FE30] =	vst v42;
	v42 =	vld [tilespmem:$0xA10]  }
0x74: {  	v62 =	vld [tilespmem:$0x970]  }
0x75: {  	v38 =	vld [tilespmem:$0x180]  }
0x76: {  	v59 =	vld [tilespmem:$0x980]  }
0x77: {  	v41 =	vld [tilespmem:$0x190]  }
0x78: {  	[tilespmem:$0x1FE60] =	vst v42;
	v42 =	vld [tilespmem:$0x220]  }
0x79: {  	v56 =	vld [tilespmem:$0x990]  }
0x7a: {  	v63 =	vld [tilespmem:$0x1A0]  }
0x7b: {  	v53 =	vld [tilespmem:$0x9A0]  }
0x7c: {  	v60 =	vld [tilespmem:$0x1B0]  }
0x7d: {  	[tilespmem:$0x1FE50] =	vst v42;
	v42 =	vld [tilespmem:$0xA20]  }
0x7e: {  	v50 =	vld [tilespmem:$0x9B0]  }
0x7f: {  	v57 =	vld [tilespmem:$0x1C0]  }
0x80: {  	v47 =	vld [tilespmem:$0x9C0]  }
0x81: {  	v54 =	vld [tilespmem:$0x1D0]  }
0x82: {  	[tilespmem:$0x1FE80] =	vst v42;
	v42 =	vld [tilespmem:$0x230]  }
0x83: {  	v45 =	vld [tilespmem:$0x9F0]  }
0x84: {  	v44 =	vld [tilespmem:$0x9D0]  }
0x85: {  	v51 =	vld [tilespmem:$0x1E0]  }
0x86: {  	v48 =	vld [tilespmem:$0x1F0]  }
0x87: {  	v16 =	vmul.u32 $0xA20, v16;
	[tilespmem:$0x1FE70] =	vst v42;
	v42 =	vld [tilespmem:$0xA30]  }
0x88: {  	[tilespmem:$0x1FE20] =	vst v45;
	v45 =	vld [tilespmem:$0x200];
	v10 =	vmul.u32 $0xA20, v10;
	v0 =	vmul.u32 $0xA20, v0  }
0x89: {  	v16 =	vadd.s32 v19, v16;
	v19 =	vmul.u32 $0xA20, v28;
	v28 =	vld [tilespmem:$0xAF0]  }
0x8a: {  	v10 =	vadd.s32 v13, v10;
	v0 =	vadd.s32 v3, v0;
	v3 =	vld [tilespmem:$0x3A0]  }
0x8b: {  	v22 =	vmul.u32 $0xA20, v22;
	[tilespmem:$0x1800] =	vst v10;
	v10 =	vld [tilespmem:$0x2F0]  }
0x8c: {  	[tilespmem:$0x1FEA0] =	vst v42;
	v42 =	vld [tilespmem:$0x240]  }
0x8d: {  	v13 =	vadd.s32 v25, v22;
	[tilespmem:$0x1810] =	vst v16;
	v16 =	vld [tilespmem:$0x300]  }
0x8e: {  	[tilespmem:$0x1820] =	vst v13;
	v13 =	vld [tilespmem:$0xB00]  }
0x8f: {  	v25 =	vmul.u32 $0xA20, v34;
	[tilespmem:$0x1880] =	vst v0;
	v0 =	vld [tilespmem:$0x390]  }
0x90: {  	v40 =	vmul.u32 $0xA20, v40;
	v34 =	vadd.s32 v31, v19;
	v31 =	vld [tilespmem:$0xB30]  }
0x91: {  	v46 =	vmul.u32 $0xA20, v46;
	v22 =	vadd.s32 v37, v25;
	[tilespmem:$0x1FE90] =	vst v42;
	v42 =	vld [tilespmem:$0xA40]  }
0x92: {  	v1 =	vmul.u32 $0xA20, v1;
	v19 =	vadd.s32 v43, v40;
	[tilespmem:$0x1840] =	vst v22;
	v22 =	vld [tilespmem:$0x310]  }
0x93: {  	v25 =	vadd.s32 v49, v46;
	[tilespmem:$0x1850] =	vst v19;
	v19 =	vld [tilespmem:$0xB10]  }
0x94: {  	v2 =	vmul.u32 $0xA20, v2;
	v40 =	vadd.s32 v5, v1;
	[tilespmem:$0x1860] =	vst v25;
	v25 =	vld [tilespmem:$0xB20]  }
0x95: {  	[tilespmem:$0x1890] =	vst v40;
	v40 =	vld [tilespmem:$0x340]  }
0x96: {  	v43 =	vmul.u32 $0xA20, v4;
	v46 =	vadd.s32 v7, v2;
	[tilespmem:$0x1FEC0] =	vst v42;
	v42 =	vld [tilespmem:$0x250]  }
0x97: {  	v49 =	vmul.u32 $0xA20, v6;
	v7 =	vmul.u32 $0xA20, v14;
	[tilespmem:$0x18A0] =	vst v46;
	v46 =	vld [tilespmem:$0x350]  }
0x98: {  	[tilespmem:$0x1830] =	vst v34;
	v34 =	vmul.u32 $0xA20, v52;
	v52 =	vadd.s32 v9, v43;
	v43 =	vld [tilespmem:$0xB50]  }
0x99: {  	v5 =	vmul.u32 $0xA20, v11;
	v4 =	vadd.s32 v12, v49;
	v11 =	vadd.s32 v21, v7;
	v49 =	vld [tilespmem:$0xB60]  }
0x9a: {  	v21 =	vmul.u32 $0xA20, v29;
	v29 =	vmul.u32 $0xA20, v35;
	v35 =	vmul.u32 $0xA20, v63;
	v63 =	vld [tilespmem:$0x1FE40]  }
0x9b: {  	[tilespmem:$0x1FEB0] =	vst v42;
	v42 =	vld [tilespmem:$0xA50]  }
0x9c: {  	[tilespmem:$0x1FFF0] =	vst v28;
	v28 =	vld [tilespmem:$0x320]  }
0x9d: {  	v37 =	vadd.s32 v58, v34;
	v34 =	vld [tilespmem:$0x330]  }
0x9e: {  	[tilespmem:$0x18B0] =	vst v52;
	v52 =	vld [tilespmem:$0x360]  }
0x9f: {  	v58 =	vmul.u32 $0xA20, v8;
	v8 =	vadd.s32 v18, v5;
	v5 =	vld [tilespmem:$0x380]  }
0xa0: {  	[tilespmem:$0x1FEE0] =	vst v42;
	v42 =	vld [tilespmem:$0x260]  }
0xa1: {  	[tilespmem:$0x18F0] =	vst v11;
	v11 =	vld [tilespmem:$0x3C0]  }
0xa2: {  	[tilespmem:$0x1870] =	vst v37;
	v37 =	vld [tilespmem:$0xB40]  }
0xa3: {  	v18 =	vmul.u32 $0xA20, v26;
	v26 =	vadd.s32 v61, v21;
	v61 =	vld [tilespmem:$0xB80]  }
0xa4: {  	v9 =	vmul.u32 $0xA20, v17;
	v12 =	vmul.u32 $0xA20, v20;
	[tilespmem:$0x18E0] =	vst v8;
	v8 =	vld [tilespmem:$0x3B0]  }
0xa5: {  	[tilespmem:$0x1FED0] =	vst v42;
	v42 =	vld [tilespmem:$0xA60]  }
0xa6: {  	v14 =	vadd.s32 v24, v9;
	v17 =	vadd.s32 v27, v12;
	v12 =	vld [tilespmem:$0xBC0]  }
0xa7: {  	v24 =	vmul.u32 $0xA20, v30;
	v30 =	vmul.u32 $0xA20, v38;
	v38 =	vmul.u32 $0xA20, v60;
	v60 =	vld [tilespmem:$0x1FE20]  }
0xa8: {  	v6 =	vadd.s32 v15, v58;
	v58 =	vld [tilespmem:$0x370]  }
0xa9: {  	[tilespmem:$0x1900] =	vst v14;
	v14 =	vld [tilespmem:$0x3D0]  }
0xaa: {  	v27 =	vmul.u32 $0xA20, v32;
	[tilespmem:$0x1FF00] =	vst v42;
	v42 =	vld [tilespmem:$0x270]  }
0xab: {  	v15 =	vmul.u32 $0xA20, v23;
	[tilespmem:$0x1910] =	vst v17;
	v17 =	vld [tilespmem:$0x3E0]  }
0xac: {  	v2 =	vadd.s32 v39, v27;
	v39 =	vmul.u32 $0xA20, v57;
	v57 =	vld [tilespmem:$0x1FE10]  }
0xad: {  	[tilespmem:$0x18C0] =	vst v4;
	v1 =	vadd.s32 v36, v24;
	v20 =	vadd.s32 v55, v15;
	v55 =	vld [tilespmem:$0xB70]  }
0xae: {  	[tilespmem:$0x1950] =	vst v1;
	v1 =	vld [tilespmem:$0xB90]  }
0xaf: {  	[tilespmem:$0x1FEF0] =	vst v42;
	v42 =	vld [tilespmem:$0xA70]  }
0xb0: {  	v4 =	vadd.s32 v59, v30;
	[tilespmem:$0x1960] =	vst v2;
	v2 =	vld [tilespmem:$0xBA0]  }
0xb1: {  	v7 =	vadd.s32 v53, v35;
	[tilespmem:$0x1980] =	vst v4;
	v4 =	vld [tilespmem:$0xBB0]  }
0xb2: {  	[tilespmem:$0x19A0] =	vst v7;
	v15 =	vld [tilespmem:$0xBD0]  }
0xb3: {  	v32 =	vadd.s32 v62, v29;
	[tilespmem:$0x18D0] =	vst v6;
	v62 =	vld [tilespmem:$0x1FE30];
	v5 =	vmul.u32 $0xA20, v5  }
0xb4: {  	v53 =	vmul.u32 $0xA20, v51;
	v23 =	vadd.s32 v33, v18;
	v6 =	vadd.s32 v50, v38;
	[tilespmem:$0x1FF20] =	vst v42;
	v42 =	vld [tilespmem:$0x280]  }
0xb5: {  	v33 =	vmul.u32 $0xA20, v41;
	[tilespmem:$0x19B0] =	vst v6;
	v5 =	vadd.s32 v61, v5;
	v61 =	vmul.u32 $0xA20, v11;
	v11 =	vld [tilespmem:$0x4D0]  }
0xb6: {  	[tilespmem:$0x1B80] =	vst v5;
	v5 =	vld [tilespmem:$0x4B0]  }
0xb7: {  	v36 =	vadd.s32 v56, v33;
	v56 =	vmul.u32 $0xA20, v48;
	[tilespmem:$0x1920] =	vst v20;
	v6 =	vadd.s32 v57, v53;
	v20 =	vld [tilespmem:$0x1FE60]  }
0xb8: {  	v59 =	vmul.u32 $0xA20, v45;
	[tilespmem:$0x19E0] =	vst v6;
	v7 =	vmul.u32 $0xA20, v62;
	v62 =	vmul.u32 $0xA20, v16;
	v16 =	vld [tilespmem:$0xC50]  }
0xb9: {  	v6 =	vadd.s32 v60, v56;
	[tilespmem:$0x1FF10] =	vst v42;
	v42 =	vld [tilespmem:$0xA80]  }
0xba: {  	[tilespmem:$0x19F0] =	vst v6;
	v6 =	vadd.s32 v63, v59;
	v59 =	vmul.u32 $0xA20, v10;
	v10 =	vld [tilespmem:$0x450]  }
0xbb: {  	v63 =	vld [tilespmem:$0x1FFF0]  }
0xbc: {  	v18 =	vld [tilespmem:$0x1FE50]  }
0xbd: {  	[tilespmem:$0x1A00] =	vst v6;
	v6 =	vadd.s32 v20, v7;
	v20 =	vld [tilespmem:$0x3F0]  }
0xbe: {  	[tilespmem:$0x1FF40] =	vst v42;
	v42 =	vld [tilespmem:$0x290]  }
0xbf: {  	[tilespmem:$0x1930] =	vst v23;
	v23 =	vld [tilespmem:$0x1FE80]  }
0xc0: {  	v21 =	vld [tilespmem:$0x1FE70]  }
0xc1: {  	v9 =	vmul.u32 $0xA20, v18;
	v18 =	vld [tilespmem:$0xBE0]  }
0xc2: {  	[tilespmem:$0x1940] =	vst v26;
	v26 =	vld [tilespmem:$0x1FEA0]  }
0xc3: {  	[tilespmem:$0x1FF30] =	vst v42;
	v42 =	vld [tilespmem:$0xA90]  }
0xc4: {  	[tilespmem:$0x1A10] =	vst v6;
	v6 =	vadd.s32 v23, v9;
	v23 =	vld [tilespmem:$0x400]  }
0xc5: {  	v7 =	vmul.u32 $0xA20, v21;
	v21 =	vld [tilespmem:$0xBF0]  }
0xc6: {  	v24 =	vld [tilespmem:$0x1FE90]  }
0xc7: {  	[tilespmem:$0x1A20] =	vst v6;
	v6 =	vadd.s32 v26, v7;
	v26 =	vld [tilespmem:$0x410]  }
0xc8: {  	[tilespmem:$0x1FF60] =	vst v42;
	v42 =	vld [tilespmem:$0x2A0]  }
0xc9: {  	v29 =	vld [tilespmem:$0x1FEC0]  }
0xca: {  	v27 =	vld [tilespmem:$0x1FEB0]  }
0xcb: {  	v9 =	vmul.u32 $0xA20, v24;
	v24 =	vld [tilespmem:$0xC00]  }
0xcc: {  	[tilespmem:$0x1970] =	vst v32;
	v32 =	vld [tilespmem:$0x1FEE0]  }
0xcd: {  	[tilespmem:$0x1FF50] =	vst v42;
	v42 =	vld [tilespmem:$0xAA0]  }
0xce: {  	[tilespmem:$0x1A30] =	vst v6;
	v6 =	vadd.s32 v29, v9;
	v29 =	vld [tilespmem:$0x420]  }
0xcf: {  	v7 =	vmul.u32 $0xA20, v27;
	v27 =	vld [tilespmem:$0xC10]  }
0xd0: {  	v30 =	vld [tilespmem:$0x1FED0]  }
0xd1: {  	[tilespmem:$0x1A40] =	vst v6;
	v6 =	vadd.s32 v32, v7;
	v32 =	vld [tilespmem:$0x430]  }
0xd2: {  	[tilespmem:$0x1FF80] =	vst v42;
	v42 =	vld [tilespmem:$0x2B0]  }
0xd3: {  	v35 =	vld [tilespmem:$0x1FF00]  }
0xd4: {  	v33 =	vld [tilespmem:$0x1FEF0]  }
0xd5: {  	v9 =	vmul.u32 $0xA20, v30;
	v30 =	vld [tilespmem:$0xC20]  }
0xd6: {  	v38 =	vld [tilespmem:$0x1FF20]  }
0xd7: {  	[tilespmem:$0x1FF70] =	vst v42;
	v42 =	vld [tilespmem:$0xAB0]  }
0xd8: {  	[tilespmem:$0x1A50] =	vst v6;
	v6 =	vadd.s32 v35, v9;
	v35 =	vld [tilespmem:$0x440]  }
0xd9: {  	[tilespmem:$0x1990] =	vst v36;
	v7 =	vmul.u32 $0xA20, v33;
	v36 =	vld [tilespmem:$0x1FF10]  }
0xda: {  	v33 =	vld [tilespmem:$0xC30]  }
0xdb: {  	v41 =	vmul.u32 $0xA20, v54;
	[tilespmem:$0x1A60] =	vst v6;
	v6 =	vadd.s32 v38, v7;
	v38 =	vmul.u32 $0xA20, v22;
	v22 =	vld [tilespmem:$0x460]  }
0xdc: {  	[tilespmem:$0x1FFA0] =	vst v42;
	v42 =	vld [tilespmem:$0x2C0]  }
0xdd: {  	v54 =	vadd.s32 v44, v41;
	v41 =	vld [tilespmem:$0x1FF40]  }
0xde: {  	v9 =	vmul.u32 $0xA20, v36;
	v36 =	vld [tilespmem:$0xC40]  }
0xdf: {  	v0 =	vmul.u32 $0xA20, v0;
	v50 =	vadd.s32 v47, v39;
	[tilespmem:$0x19D0] =	vst v54;
	v39 =	vld [tilespmem:$0x1FF30]  }
0xe0: {  	[tilespmem:$0x19C0] =	vst v50;
	v45 =	vld [tilespmem:$0x1FF60]  }
0xe1: {  	v0 =	vadd.s32 v1, v0;
	[tilespmem:$0x1FF90] =	vst v42;
	v42 =	vld [tilespmem:$0xAC0]  }
0xe2: {  	[tilespmem:$0x1B90] =	vst v0;
	v44 =	vld [tilespmem:$0x1FF50]  }
0xe3: {  	v12 =	vadd.s32 v12, v61;
	[tilespmem:$0x1A70] =	vst v6;
	v6 =	vadd.s32 v41, v9;
	v41 =	vmul.u32 $0xA20, v28;
	v28 =	vld [tilespmem:$0x480]  }
0xe4: {  	[tilespmem:$0x1BC0] =	vst v12;
	v48 =	vld [tilespmem:$0x1FF80]  }
0xe5: {  	[tilespmem:$0x1A80] =	vst v6;
	v7 =	vmul.u32 $0xA20, v39;
	v47 =	vld [tilespmem:$0x1FF70]  }
0xe6: {  	v39 =	vadd.s32 v13, v62;
	[tilespmem:$0x1FFC0] =	vst v42;
	v42 =	vld [tilespmem:$0x2D0]  }
0xe7: {  	v13 =	vld [tilespmem:$0xC60];
	[tilespmem:$0x1B00] =	vst v39;
	v6 =	vadd.s32 v45, v7;
	v9 =	vmul.u32 $0xA20, v44;
	v44 =	vmul.u32 $0xA20, v34  }
0xe8: {  	v45 =	vadd.s32 v25, v41;
	[tilespmem:$0x1A90] =	vst v6;
	v51 =	vld [tilespmem:$0x1FFA0]  }
0xe9: {  	[tilespmem:$0x1B20] =	vst v45;
	v6 =	vadd.s32 v48, v9;
	v48 =	vadd.s32 v31, v44;
	v31 =	vld [tilespmem:$0xC80]  }
0xea: {  	[tilespmem:$0x1AA0] =	vst v6;
	v7 =	vmul.u32 $0xA20, v47;
	v47 =	vmul.u32 $0xA20, v40;
	v40 =	vmul.u32 $0xA20, v26;
	v50 =	vld [tilespmem:$0x1FF90]  }
0xeb: {  	[tilespmem:$0x1FFB0] =	vst v42;
	v42 =	vld [tilespmem:$0xAD0]  }
0xec: {  	v61 =	vmul.u32 $0xA20, v28;
	v28 =	vld [tilespmem:$0x530];
	[tilespmem:$0x1B30] =	vst v48;
	v45 =	vadd.s32 v27, v40  }
0xed: {  	[tilespmem:$0x1C10] =	vst v45;
	v6 =	vadd.s32 v51, v7;
	v54 =	vld [tilespmem:$0x1FFC0]  }
0xee: {  	v25 =	vld [tilespmem:$0xC70];
	v51 =	vadd.s32 v37, v47;
	[tilespmem:$0x1AB0] =	vst v6  }
0xef: {  	[tilespmem:$0x1B40] =	vst v51;
	v9 =	vmul.u32 $0xA20, v50;
	v50 =	vmul.u32 $0xA20, v46;
	v46 =	vmul.u32 $0xA20, v32;
	v53 =	vld [tilespmem:$0x1FFB0]  }
0xf0: {  	v37 =	vmul.u32 $0xA20, v23;
	v23 =	vadd.s32 v31, v61;
	[tilespmem:$0x1FFE0] =	vst v42;
	v42 =	vld [tilespmem:$0x2E0]  }
0xf1: {  	[tilespmem:$0x1C80] =	vst v23;
	v51 =	vadd.s32 v33, v46;
	v57 =	vld [tilespmem:$0x1FFE0]  }
0xf2: {  	v41 =	vld [tilespmem:$0x4E0];
	[tilespmem:$0x1C30] =	vst v51;
	v6 =	vadd.s32 v54, v9;
	v54 =	vadd.s32 v43, v50;
	v43 =	vmul.u32 $0xA20, v29  }
0xf3: {  	v34 =	vld [tilespmem:$0x490];
	[tilespmem:$0x1AC0] =	vst v6  }
0xf4: {  	v44 =	vld [tilespmem:$0xCE0];
	[tilespmem:$0x1B50] =	vst v54;
	v48 =	vadd.s32 v30, v43;
	v7 =	vmul.u32 $0xA20, v53  }
0xf5: {  	v40 =	vld [tilespmem:$0x550];
	[tilespmem:$0x1C20] =	vst v48;
	v53 =	vmul.u32 $0xA20, v52  }
0xf6: {  	v47 =	vld [tilespmem:$0x4F0];
	[tilespmem:$0x1FFD0] =	vst v42;
	v6 =	vadd.s32 v57, v7  }
0xf7: {  	v31 =	vld [tilespmem:$0xD30];
	v52 =	vmul.u32 $0xA20, v10;
	v57 =	vadd.s32 v49, v53;
	[tilespmem:$0x1AD0] =	vst v6  }
0xf8: {  	v46 =	vld [tilespmem:$0x560];
	v49 =	vmul.u32 $0xA20, v35;
	v6 =	vadd.s32 v63, v59;
	[tilespmem:$0x1B60] =	vst v57  }
0xf9: {  	v50 =	vld [tilespmem:$0xCF0];
	v59 =	vmul.u32 $0xA20, v8;
	v57 =	vadd.s32 v16, v52;
	[tilespmem:$0x1AF0] =	vst v6  }
0xfa: {  	v56 =	vld [tilespmem:$0x1FFD0];
	v63 =	vmul.u32 $0xA20, v14;
	v54 =	vadd.s32 v36, v49;
	[tilespmem:$0x1C50] =	vst v57  }
0xfb: {  	v43 =	vld [tilespmem:$0xD50];
	v14 =	vmul.u32 $0xA20, v17;
	v17 =	vmul.u32 $0xA20, v20;
	v62 =	vadd.s32 v4, v59;
	[tilespmem:$0x1C40] =	vst v54  }
0xfc: {  	v42 =	vld [tilespmem:$0xAE0];
	v15 =	vadd.s32 v15, v63;
	[tilespmem:$0x1BB0] =	vst v62  }
0xfd: {  	v7 =	vld [tilespmem:$0x4A0];
	v36 =	vmul.u32 $0xA20, v41;
	v39 =	vadd.s32 v21, v17;
	[tilespmem:$0x1BD0] =	vst v15  }
0xfe: {  	v53 =	vld [tilespmem:$0x500];
	v20 =	vadd.s32 v18, v14;
	[tilespmem:$0x1BF0] =	vst v39;
	v39 =	vmul.u32 $0xA20, v47  }
0xff: {  	v8 =	vld [tilespmem:$0xCC0];
	[tilespmem:$0x1BE0] =	vst v20;
	v41 =	vadd.s32 v44, v36;
	v9 =	vmul.u32 $0xA20, v56  }
0x100: {  	v6 =	vld [tilespmem:$0xCA0];
	[tilespmem:$0x1CE0] =	vst v41;
	v44 =	vadd.s32 v50, v39  }
0x101: {  	v4 =	vld [tilespmem:$0x4C0];
	v56 =	vmul.u32 $0xA20, v58;
	v60 =	vadd.s32 v42, v9;
	[tilespmem:$0x1CF0] =	vst v44  }
0x102: {  	v3 =	vmul.u32 $0xA20, v3;
	v59 =	vld [tilespmem:$0x510];
	v42 =	vadd.s32 v19, v38;
	[tilespmem:$0x1AE0] =	vst v60  }
0x103: {  	v52 =	vld [tilespmem:$0xD60];
	v58 =	vadd.s32 v55, v56;
	[tilespmem:$0x1B10] =	vst v42  }
0x104: {  	v62 =	vld [tilespmem:$0xD10];
	v55 =	vmul.u32 $0xA20, v22;
	[tilespmem:$0x1B70] =	vst v58;
	v60 =	vadd.s32 v2, v3  }
0x105: {  	v49 =	vld [tilespmem:$0x570];
	v42 =	vadd.s32 v24, v37;
	v24 =	vmul.u32 $0xA20, v7;
	[tilespmem:$0x1BA0] =	vst v60  }
0x106: {  	v19 =	vld [tilespmem:$0x470];
	v30 =	vmul.u32 $0xA20, v4;
	[tilespmem:$0x1C00] =	vst v42;
	v60 =	vadd.s32 v13, v55  }
0x107: {  	v9 =	vld [tilespmem:$0xC90];
	v45 =	vmul.u32 $0xA20, v59;
	[tilespmem:$0x1C60] =	vst v60;
	v29 =	vadd.s32 v6, v24  }
0x108: {  	v57 =	vmul.u32 $0xA20, v40;
	v38 =	vld [tilespmem:$0xCD0];
	v35 =	vadd.s32 v8, v30;
	[tilespmem:$0x1CA0] =	vst v29  }
0x109: {  	v56 =	vld [tilespmem:$0xD00];
	v59 =	vmul.u32 $0xA20, v46;
	v50 =	vadd.s32 v62, v45;
	[tilespmem:$0x1CC0] =	vst v35  }
0x10a: {  	v21 =	vmul.u32 $0xA20, v34;
	v34 =	vld [tilespmem:$0x540];
	v60 =	vadd.s32 v43, v57;
	[tilespmem:$0x1D10] =	vst v50  }
0x10b: {  	v33 =	vmul.u32 $0xA20, v11;
	v3 =	vld [tilespmem:$0xCB0];
	v62 =	vadd.s32 v52, v59;
	[tilespmem:$0x1D50] =	vst v60  }
0x10c: {  	v22 =	vld [tilespmem:$0x520];
	v42 =	vmul.u32 $0xA20, v53;
	[tilespmem:$0x1D60] =	vst v62;
	v26 =	vadd.s32 v9, v21  }
0x10d: {  	v51 =	vmul.u32 $0xA20, v28;
	v37 =	vld [tilespmem:$0xD40];
	v58 =	vmul.u32 $0xA20, v19;
	v38 =	vadd.s32 v38, v33;
	[tilespmem:$0x1C90] =	vst v26  }
0x10e: {  	v27 =	vmul.u32 $0xA20, v5;
	v55 =	vld [tilespmem:$0xD70];
	v47 =	vadd.s32 v56, v42;
	[tilespmem:$0x1CD0] =	vst v38  }
0x10f: {  	v56 =	vadd.s32 v31, v51;
	[tilespmem:$0x1D00] =	vst v47;
	v63 =	vadd.s32 v25, v58;
	v25 =	vld [tilespmem:$0xD20]  }
0x110: {  	v54 =	vmul.u32 $0xA20, v34;
	v32 =	vadd.s32 v3, v27;
	[tilespmem:$0x1D30] =	vst v56  }
0x111: {  	v61 =	vmul.u32 $0xA20, v49;
	[tilespmem:$0x1CB0] =	vst v32  }
0x112: {  	v48 =	vmul.u32 $0xA20, v22;
	v58 =	vadd.s32 v37, v54;
	[tilespmem:$0x1C70] =	vst v63  }
0x113: {  	[tilespmem:$0x1D40] =	vst v58;
	v63 =	vadd.s32 v55, v61  }
0x114: {  	[tilespmem:$0x1D70] =	vst v63;
	v53 =	vadd.s32 v25, v48  }
0x115: {  	[tilespmem:$0x1D20] =	vst v53  }
0x116: {  	s30 =	simm.s32 $0x80;
	s31 =	simm.s32 $0x1800;
	[bflag:$0x0] =	sbarrier.arrive $0xFFFF  }
0x117: {  	[spmem:s4] =	stream.indirect.scatter.add.f32 [tilespmem:s29], [sflag:$0x1], $0x1, s31, s30, $0xb8;
	[tilespmem:$0x1BA80] =	vst v63  }
0x118: {  	s9 =	simm.s32 $0x1080;
	s8 =	simm.s32 $0x1880  }
0x119: {  	[spmem:s4] =	stream.indirect.scatter.add.f32 [tilespmem:s9], [sflag:$0x1], $0x1, s8, s30, $0xb8;
	[tilespmem:$0x1BA80] =	vst v63  }
0x11a: {  	s11 =	simm.s32 $0x1100;
	s10 =	simm.s32 $0x1900  }
0x11b: {  	[spmem:s4] =	stream.indirect.scatter.add.f32 [tilespmem:s11], [sflag:$0x1], $0x1, s10, s30, $0xb8;
	[tilespmem:$0x1BA80] =	vst v63  }
0x11c: {  	s13 =	simm.s32 $0x1180;
	s12 =	simm.s32 $0x1980  }
0x11d: {  	[spmem:s4] =	stream.indirect.scatter.add.f32 [tilespmem:s13], [sflag:$0x1], $0x1, s12, s30, $0xb8;
	[tilespmem:$0x1BA80] =	vst v63  }
0x11e: {  	s15 =	simm.s32 $0x1200;
	s14 =	simm.s32 $0x1A00  }
0x11f: {  	[spmem:s4] =	stream.indirect.scatter.add.f32 [tilespmem:s15], [sflag:$0x1], $0x1, s14, s30, $0xb8;
	[tilespmem:$0x1BA80] =	vst v63  }
0x120: {  	s16 =	simm.s32 $0x1A80;
	s17 =	simm.s32 $0x1280  }
0x121: {  	[spmem:s4] =	stream.indirect.scatter.add.f32 [tilespmem:s17], [sflag:$0x1], $0x1, s16, s30, $0xb8;
	[tilespmem:$0x1BA80] =	vst v63  }
0x122: {  	s18 =	simm.s32 $0x1B00;
	s19 =	simm.s32 $0x1300  }
0x123: {  	[spmem:s4] =	stream.indirect.scatter.add.f32 [tilespmem:s19], [sflag:$0x1], $0x1, s18, s30, $0xb8;
	[tilespmem:$0x1BA80] =	vst v63  }
0x124: {  	s20 =	simm.s32 $0x1B80;
	s21 =	simm.s32 $0x1380  }
0x125: {  	[spmem:s4] =	stream.indirect.scatter.add.f32 [tilespmem:s21], [sflag:$0x1], $0x1, s20, s30, $0xb8;
	[tilespmem:$0x1BA80] =	vst v63  }
0x126: {  	s22 =	simm.s32 $0x1C00;
	s23 =	simm.s32 $0x1400  }
0x127: {  	[spmem:s4] =	stream.indirect.scatter.add.f32 [tilespmem:s23], [sflag:$0x1], $0x1, s22, s30, $0xb8;
	[tilespmem:$0x1BA80] =	vst v63  }
0x128: {  	s24 =	simm.s32 $0x1C80;
	s25 =	simm.s32 $0x1480  }
0x129: {  	[spmem:s4] =	stream.indirect.scatter.add.f32 [tilespmem:s25], [sflag:$0x1], $0x1, s24, s30, $0xb8;
	[tilespmem:$0x1BA80] =	vst v63  }
0x12a: {  	s28 =	simm.s32 $0x1500;
	s26 =	simm.s32 $0x1D00;
	s29 =	simm.s32 $0x1  }
0x12b: {  	[spmem:s4] =	stream.indirect.scatter.add.f32 [tilespmem:s28], [sflag:$0x1], $0x1, s26, s30, $0xb8;
	[tilespmem:$0x1BA80] =	vst v63  }
0x12c: {  	_ =	swait.ge [sflag:s29], $0x80  }
0x12d: {  	[sflag:s29] =	ssyncset.done $0x0  }
0x12e: {  	[sflag:s29] =	ssyncadd.s32 $0xFFFFFF80  }
0x12f: {  	_ =	swait.ge [sflag:s29], $0x80  }
0x130: {  	[sflag:s29] =	ssyncset.done $0x0  }
0x131: {  	[sflag:s29] =	ssyncadd.s32 $0xFFFFFF80  }
0x132: {  	_ =	swait.ge [sflag:s29], $0x80  }
0x133: {  	[sflag:s29] =	ssyncset.done $0x0  }
0x134: {  	[sflag:s29] =	ssyncadd.s32 $0xFFFFFF80  }
0x135: {  	_ =	swait.ge [sflag:s29], $0x80  }
0x136: {  	[sflag:s29] =	ssyncset.done $0x0  }
0x137: {  	[sflag:s29] =	ssyncadd.s32 $0xFFFFFF80  }
0x138: {  	_ =	swait.ge [sflag:s29], $0x80  }
0x139: {  	[sflag:s29] =	ssyncset.done $0x0  }
0x13a: {  	[sflag:s29] =	ssyncadd.s32 $0xFFFFFF80  }
0x13b: {  	_ =	swait.ge [sflag:s29], $0x80  }
0x13c: {  	[sflag:s29] =	ssyncset.done $0x0  }
0x13d: {  	[sflag:s29] =	ssyncadd.s32 $0xFFFFFF80  }
0x13e: {  	_ =	swait.ge [sflag:s29], $0x80  }
0x13f: {  	[sflag:s29] =	ssyncset.done $0x0  }
0x140: {  	[sflag:s29] =	ssyncadd.s32 $0xFFFFFF80  }
0x141: {  	_ =	swait.ge [sflag:s29], $0x80  }
0x142: {  	[sflag:s29] =	ssyncset.done $0x0  }
0x143: {  	[sflag:s29] =	ssyncadd.s32 $0xFFFFFF80  }
0x144: {  	_ =	swait.ge [sflag:s29], $0x80  }
0x145: {  	[sflag:s29] =	ssyncset.done $0x0  }
0x146: {  	[sflag:s29] =	ssyncadd.s32 $0xFFFFFF80  }
0x147: {  	_ =	swait.ge [sflag:s29], $0x80  }
0x148: {  	[sflag:s29] =	ssyncset.done $0x0  }
0x149: {  	[sflag:s29] =	ssyncadd.s32 $0xFFFFFF80  }
0x14a: {  	_ =	swait.ge [sflag:s29], $0x80  }
0x14b: {  	[sflag:s29] =	ssyncset.done $0x0  }
0x14c: {  	s30 =	sshll.u32 s1, $0x6;
	[sflag:s29] =	ssyncadd.s32 $0xFFFFFF80  }
0x14d: {  	s31 =	sshrl.u32 s2, $0x3;
	s4 =	sor.u32 $0x1C02, s30;
	[bflag:$0x0] =	sbarrier.arrive $0xFFFF  }
0x14e: {  	[hbm:s3], [sflag:s4] =	dma.local [spmem:s31], $0x2D90  }
0x14f: {  	_ =	swait.ge [sflag:s5], $0x2D90  }
0x150: {  	[sflag:s5] =	ssyncset.done $0x0  }
0x151: {  	[sflag:s5] =	ssyncadd.s32 $0xFFFFD270  }
.LBB2_4:
0x152: {  	_ =	sfence.sel $0x180000  }
0x153: {  	[bflag:$0x0] =	sbarrier.arrive $0xFFFF  }
0x154: {  	p0 =	sne.s32 s1, $0x0;
	_ =	strace $0x9000004A  }
0x155: {  	s0 =	sadd.s32 @!p0 $0x100000, s0;
	[bflag:$0x2] =	sbarrier.arrive $0xFFFF  }
0x156: {  	[sflag:s0] =	ssyncadd.tile.s32 @!p0 $0x1;
	_ =	shalt  }
.Lfunc_end2:
_tile_overlayer_lowered:
.L_overlay_start_2:
0x157: {  	(tag) =	ssettag $0x2  }
0x158: {  	s0 =	rddreg [dreg:$0x0];
	s2 =	stileid.u32  }
0x159: {  	s1 =	rddreg [dreg:$0x1];
	p0 =	sne.s32 s2, $0x0  }
0x15a: {  	s3 =	rddreg [dreg:$0x2];
	[bflag:$0x3] =	sbarrier.arrive $0xFFFF;
	s2 =	simm.s32 @!p0 $0x1C02  }
0x15b: {  	[timem:s3], [sflag:s2] =	dma.local @!p0 [hbm:s0], s1  }
0x15c: {  	s0 =	simm.s32 @!p0 $0x2  }
0x15d: {  	_ =	swait.ge @!p0 [sflag:s0], s1  }
0x15e: {  	s1 =	ssub.s32 @!p0 $0x0, s1;
	[sflag:s0] =	ssyncset.done @!p0 $0x0  }
0x15f: {  	[sflag:s0] =	ssyncadd.s32 @!p0 s1  }
0x160: {  	[bflag:$0x3] =	sbarrier.arrive $0xFFFF  }
0x161: {  	_ =	shalt  }

// kernel: sparse-core-data-format-call.1.cloned.1.call-start
scs
called_computation.1_lowered:
.L_overlay_start_0:
0x0: {  	s1 =	sld [smem:$0x3FD9]  }
0x1: {  	s2 =	sld [smem:$0x3FFE];
	_ =	sdelay $0x1  }
0x2: {  	s3 =	srdreg.scid  }
0x3: {  	s0 =	sand.u32 $0x1, s3  }
0x4: {  	s17 =	sshll.u32 s0, $0xA;
	s1 =	sadd.s32 s2, s1  }
0x5: {  	s1 =	sadd.s32 s1, s17  }
0x6: {  	[smem:$0x3FC4] =	sst s1  }
0x7: {  	_ = 	snop  }
0x8: {  	(tm) =	ssettm $0x1  }
0x9: {  	s18 =	sld [smem:$0x3FFB];
	_ =	sdelay $0x3  }
0xa: {  	_ =	strace s18  }
0xb: {  	s1 =	sld [smem:$0x3FFC];
	_ =	sdelay $0x3  }
0xc: {  	_ =	strace s1  }
0xd: {  	s1 =	sld [smem:$0x3FFD];
	_ =	sdelay $0x3  }
0xe: {  	_ =	strace s1  }
0xf: {  	_ =	strace $0x8FFFFFFF  }
0x10: {  	s19 =	sld [smem:$0x3FDB];
	_ =	sdelay $0x1  }
0x11: {  	s20 =	simm.s32 $_scs_section_size  }
0x12: {  	s4 =	simm.s32 $_size__tile_overlayer_lowered;
	s5 =	simm.s32 $_tile_overlayer_lowered  }
0x13: {  	s23 =	simm.s32 $0x1BFF;
	s22 =	sshll.u32 s5, $0x1;
	s1 =	sadd.s32 s20, s19  }
0x14: {  	s6 =	simm.s32 $0x0;
	s21 =	sshll.u32 s4, $0x1;
	s4 =	sadd.s32 s22, s1  }
0x15: {  	[timem:s6], [sflag:s23] =	dma.local [hbm:s4], s21  }
0x16: {  	_ =	swait.ge [sflag:s23], s21  }
0x17: {  	s2 =	ssub.s32 $0x0, s21;
	[sflag:s23] =	ssyncset.done $0x0  }
0x18: {  	[sflag:s23] =	ssyncadd.s32 s2;
	_ =	sdelay $0x1  }
0x19: {  	s24 =	simm.s32 $0x1B8B  }
0x1a: {  	_ =	swait.ge [sflag:s24], $0x1  }
0x1b: {  	[sflag:s24] =	ssyncset.done $0x0  }
0x1c: {  	s26 =	simm.s32 $0x1B8E;
	s25 =	sld [smem:$0x3FFE];
	[sflag:s24] =	ssyncadd.s32 $0xFFFFFFFF  }
0x1d: {  	s27 =	simm.s32 $execute0_lowered;
	[smem:$0x3FD2] =	sst s26  }
0x1e: {  	s4 =	sshll.u32 s27, $0x1;
	_ =	strace $0x80000046;
	[dreg:$0x1] =	wrdreg $0xFFFFFFFF  }
0x1f: {  	s28 =	simm.s32 $_size_execute0_lowered;
	s1 =	sadd.s32 s1, s4;
	[dreg:$0x0] =	wrdreg $0x0  }
0x20: {  	s4 =	sshll.u32 s28, $0x1;
	[dreg:$0x2] =	wrdreg s1  }
0x21: {  	[dreg:$0x3] =	wrdreg s4  }
0x22: {  	[dreg:$0x4] =	wrdreg $0xC0  }
0x23: {  	_ =	task [dreg:s6], $0x5FFFF  }
0x24: {  	[dreg:$0x1] =	wrdreg $0xFFFFFFFF  }
0x25: {  	[dreg:$0x0] =	wrdreg $0x60  }
0x26: {  	[dreg:$0x2] =	wrdreg s25  }
0x27: {  	[dreg:$0x3] =	wrdreg $0x9  }
0x28: {  	_ =	task.clear_ibuf [dreg:s6], $0x4FFFF;
	_ =	strace $0x90000046  }
0x29: {  	s29 =	simm.s32 $0x9;
	_ =	strace $0x80000048  }
0x2a: {  	_ =	swait.ge [sflag:s29], $0x1  }
0x2b: {  	[sflag:s29] =	ssyncadd.s32 $0xFFFFFFFF  }
0x2c: {  	_ =	strace $0x90000048  }
0x2d: {  	_ =	sfence  }
0x2e: {  	s30 =	sld [smem:$0x0];
	_ =	sdelay $0x2  }
0x2f: {  	s31 =	sshll.u32 s3, $0xD;
	s3 =	sshrl.u32 s3, $0x2  }
0x30: {  	s2 =	sand.u32 $0x4000, s31;
	s1 =	sadd.s32 s3, s30  }
0x31: {  	s0 =	sor.u32 s2, s0;
	s1 =	sshll.u32 s1, $0x11  }
0x32: {  	s0 =	sor.u32 s1, s0  }
0x33: {  	s0 =	sadd.s32 $0x8F2B, s0  }
0x34: {  	[sflag:s0] =	ssyncadd.remote.s32 $0x1  }
0x35: {  	_ =	sfence.sel $0xFFFF  }
0x36: {  	[dreg:$0x0] =	wrdreg $0xFFFFFFFF;
	(pc) =	sbr.abs _section_cstart, $3  }
0x37: {  	[dreg:$0x1] =	wrdreg $0xFFFFFFFF  }
0x38: {  	_ =	task.clear_ibuf [dreg:s6], $0x2FFFF;
	_ =	strace $0x9FFFFFFF  }
0x39: {  	(tm) =	ssettm $0x7FFFFFFF  }
tec
execute0_lowered:
.L_overlay_start_1:
0x0: {  	(tag) =	ssettag $0x1  }
0x1: {  	s0 =	stileid.u32;
	s1 =	srdreg.scid  }
0x2: {  	s2 =	sshll.u32 s0, $0x1;
	s3 =	sshll.u32 s0, $0x4;
	s4 =	sshll.u32 s1, $0x8  }
0x3: {  	s7 =	rddreg [dreg:$0x0];
	s1 =	sand.u32 $0xE, s2;
	s29 =	sor.u32 s3, s4  }
0x4: {  	s8 =	simm.s32 $0x2;
	s2 =	sand.u32 $0x180, s29;
	s30 =	ssub.s32 $0x10, s1  }
0x5: {  	s14 =	simm.s32 $0x0;
	s31 =	sand.u32 $0xE, s30;
	s5 =	ssub.s32 $0x400, s2  }
0x6: {  	s4 =	simm.s32 $0x1;
	p0 =	sne.s32 s31, $0x0;
	s6 =	sand.u32 $0x180, s5  }
0x7: {  	s4 =	simm.s32 @!p0 $0x0;
	p0 =	sne.s32 s6, $0x0;
	s6 =	simm.s32 $0x1  }
0x8: {  	s3 =	sshrl.u32 s30, $0x4;
	s5 =	sshrl.u32 s5, $0x9;
	s6 =	simm.s32 @!p0 $0x0  }
0x9: {  	s9 =	simm.s32 $0x5400;
	s4 =	sadd.s32 s4, s3;
	s5 =	sadd.s32 s6, s5  }
0xa: {  	s15 =	simm.s32 $0x0;
	s16 =	simm.s32 $0x0;
	s6 =	smul.u32 s5, s4  }
.Ltmp0:
0xb: {  	s12 =	simm.s32 $0x0;
	s13 =	simm.s32 $0x0;
	(pc) =	sbr.rel .LBB1_1-.Ltmp0, $4  }
0xc: {  	s11 =	smov.u32 s1;
	s10 =	smov.u32 s2;
	s3 =	rddreg [dreg:$0x1]  }
0xd: {  	_ =	strace $0x80000047;
	s5 =	simm.s32 $0x1;
	s6 =	smul.u32 $0x15, s6  }
0xe: {  	p0 =	por $0x0, $0x0;
	s4 =	sadd.s32 $0x1200, s7;
	[sflag:s5] =	ssyncpa.u1 $0x0  }
0xf: {  	s7 =	sadd.s32 $0x289200, s7;
	[sflag:s8] =	ssyncpa.u1 $0x0;
	s8 =	sadd.s32 $0x1, s6  }
.LBB1_4:
0x10: {  	s22 =	sshrl.u32 s15, $0x3  }
0x11: {  	s23 =	sshll.u32 s16, $0x3;
	s22 =	smul.u32 $0x5400, s22  }
0x12: {  	s24 =	sshll.u32 s15, $0x7;
	s23 =	sand.u32 $0xFFFFFC00, s23  }
0x13: {  	v5 =	vld [tilespmem:s20+$0xFFFFFFD0];
	[tilespmem:s19+$0x2040 ss:$0x81] =	vst.msk $0xffff, v4;
	s31 =	sand.u32 $0x300, s24;
	s24 =	sshll.u32 s16, $0x1;
	s22 =	sadd.s32 s23, s22  }
0x14: {  	v58 =	vld [tilespmem:s20+$0xFFFFFFE0];
	[tilespmem:s19+$0x2850 ss:$0x81] =	vst.msk $0xffff, v3;
	s16 =	sand.u32 $0xFE, s24;
	s22 =	sor.u32 s31, s22  }
0x15: {  	s21 =	sshra.s32 s21, $0x2;
	v59 =	vld [tilespmem:s20+$0xFFFFFFF0];
	[tilespmem:s19+$0x3060 ss:$0x81] =	vst.msk $0xffff, v2;
	s16 =	sor.u32 s16, s22  }
0x16: {  	v60 =	vld [tilespmem:s20+$0x0];
	[tilespmem:s19+$0x0 ss:$0x81] =	vst.msk $0xffff, v0;
	s18 =	sadd.s32 s21, s18;
	s25 =	sshrl.u32 s16, $0x7  }
0x17: {  	v61 =	vld [tilespmem:s20+$0x10];
	[tilespmem:s18+$0x3870 ss:$0x81] =	vst.msk $0xffff, v1;
	s19 =	smulhi.u32 $0xC30C30D, s25  }
0x18: {  	v62 =	vld [tilespmem:s20+$0x20];
	[tilespmem:s18+$0x810 ss:$0x81] =	vst.msk $0xffff, v5  }
0x19: {  	v63 =	vld [tilespmem:s20+$0xFFFFFFC0];
	s26 =	sand.u32 $0x1, s15;
	[tilespmem:s18+$0x1020 ss:$0x81] =	vst.msk $0xffff, v58;
	s27 =	smul.u32 $0xA80, s19  }
0x1a: {  	s14 =	smul.u32 $0xA80, s14;
	[tilespmem:s18+$0x1830 ss:$0x81] =	vst.msk $0xffff, v59;
	s15 =	sor.u32 s26, s16;
	s28 =	sand.u32 $0xF, s19  }
0x1b: {  	[tilespmem:s18+$0x2040 ss:$0x81] =	vst.msk $0xffff, v60;
	s16 =	smul.u32 $0xA8, s28;
	s15 =	ssub.s32 s15, s27  }
0x1c: {  	s14 =	sadd.s32 s7, s14;
	[tilespmem:s18+$0x2850 ss:$0x81] =	vst.msk $0xffff, v61;
	s29 =	sshll.u32 s15, $0x11  }
0x1d: {  	[tilespmem:s18+$0x3060 ss:$0x81] =	vst.msk $0xffff, v62;
	s15 =	sshrl.u32 s15, $0x4;
	s14 =	sadd.s32 s16, s14;
	s30 =	sand.u32 $0x1C0000, s29  }
0x1e: {  	[tilespmem:s18+$0x0 ss:$0x81] =	vst.msk $0xffff, v63;
	s14 =	sadd.s32 s15, s14;
	s31 =	sor.u32 $0x80, s30  }
0x1f: {  	[hbm4b:s14+s31] =	stream.strided.scatter [tilespmem:s17], [sflag:$0x2], $0x4000, s9, s31, $0x20;
	[tilespmem:$0x10100] =	vst v63  }
.LBB1_5:
0x20: {  	s17 =	sadd.s32 $0x200, s10  }
0x21: {  	s14 =	sadd.s32 $0x10, s11;
	s18 =	smov.u32 s11;
	p2 =	sgt.s32 s17, $0x3FF  }
0x22: {  	s18 =	smov.u32 @p2 s14  }
0x23: {  	s20 =	smov.u32 s12;
	s14 =	sadd.s32 $0x80, s12;
	p3 =	sgt.s32 s18, $0xF  }
0x24: {  	s20 =	smov.u32 @p3 s14  }
0x25: {  	s17 =	smov.u32 @p2 s2;
	p2 =	sgt.s32 s20, $0xA1F  }
0x26: {  	p1 =	slt.u32 s13, $0x2;
	s20 =	simm.s32 @p2 $0x0;
	p2 =	sne.s32 s13, s8  }
.Ltmp1:
0x27: {  	s19 =	simm.s32 @!p1 $0x2;
	(pc) =	sbr.rel @!p2 .LBB1_6-.Ltmp1, $4  }
0x28: {  	s15 =	smov.u32 s11;
	s16 =	smov.u32 s12;
	_ =	swait.ge @!p1 [sflag:s19], $0x4000  }
0x29: {  	p0 =	por !p0, !p0;
	[sflag:s19] =	ssyncset.done @!p1 $0x0;
	s18 =	smov.u32 @p3 s1  }
0x2a: {  	s14 =	smov.u32 s10;
	[sflag:s19] =	ssyncadd.s32 @!p1 $0xFFFFC000;
	s10 =	smov.u32 s17  }
0x2b: {  	s11 =	smov.u32 s18;
	s13 =	sadd.s32 $0x1, s13;
	s12 =	smov.u32 s20  }
.LBB1_1:
0x2c: {  	p1 =	sge.u32 s13, s6  }
0x2d: {  	p2 =	sgt.s32 @!p1 s12, $0x9A0  }
0x2e: {  	s17 =	smov.u32 s12;
	s18 =	sshra.s32 @!p1 s12, $0x1F;
	p2 =	por !p2, p1  }
0x2f: {  	s18 =	sand.u32 @!p1 s18, s12;
	s17 =	simm.s32 @p2 $0x9A0  }
0x30: {  	s17 =	ssub.s32 @!p1 s17, s18  }
0x31: {  	s31 =	sadd.s32 $0xFFFFFFFF, s13;
	s19 =	sshll.u32 @!p1 s11, $0xA;
	s18 =	sadd.s32 @!p1 $0xFFFFF660, s17  }
0x32: {  	s20 =	sshra.s32 @!p1 s11, $0x1F;
	s21 =	sshra.s32 @!p1 s10, $0x1F;
	p2 =	sgt.s32 @!p1 s18, $0x7F  }
0x33: {  	s17 =	ssub.s32 @!p1 $0xA20, s17;
	s18 =	sand.u32 @!p1 $0x2000, s19;
	p2 =	por !p2, p1  }
0x34: {  	s19 =	sshll.u32 @!p1 s10, $0x3;
	s17 =	simm.s32 @!p2 $0x0;
	p2 =	sgt.s32 @!p1 s11, $0xE  }
0x35: {  	s18 =	sadd.s32 @!p1 s18, s19;
	s19 =	smov.u32 s11;
	p2 =	por !p2, p1  }
0x36: {  	s20 =	sand.u32 @!p1 s20, s11;
	s19 =	simm.s32 @p2 $0xE;
	p2 =	sgt.s32 @!p1 s10, $0x380  }
0x37: {  	s19 =	ssub.s32 @!p1 s19, s20;
	p2 =	por !p2, p1;
	s20 =	smov.u32 s10  }
0x38: {  	s21 =	sand.u32 @!p1 s21, s10;
	s22 =	sadd.s32 @!p1 $0xFFFFFFF2, s19;
	s20 =	simm.s32 @p2 $0x380  }
0x39: {  	s18 =	sshrl.u32 @!p1 s18, $0x4;
	p2 =	sgt.s32 @!p1 s22, $0x1;
	s20 =	ssub.s32 @!p1 s20, s21  }
0x3a: {  	s19 =	ssub.s32 @!p1 $0x10, s19;
	p2 =	por !p2, p1;
	s21 =	sadd.s32 @!p1 $0xFFFFFC80, s20  }
0x3b: {  	s18 =	sand.u32 @!p1 $0x3C0, s18;
	s19 =	simm.s32 @!p2 $0x0;
	p2 =	sgt.s32 @!p1 s21, $0x7F  }
0x3c: {  	s21 =	sshll.u32 @!p1 s11, $0x7;
	s17 =	smul.u32 @!p1 s17, s19;
	s19 =	ssub.s32 @!p1 $0x400, s20  }
0x3d: {  	p2 =	por !p2, p1;
	s20 =	sand.u32 @!p1 $0x300, s21;
	s21 =	sshll.u32 @!p1 s10, $0x1  }
0x3e: {  	s22 =	sxor.u32 @!p1 $0xFFFFFFFF, s13;
	s19 =	simm.s32 @!p2 $0x0;
	s21 =	sand.u32 @!p1 $0xF0, s21  }
0x3f: {  	s17 =	smul.u32 @!p1 s19, s17;
	s19 =	sor.u32 @!p1 s20, s21;
	s20 =	sshll.u32 @!p1 s12, $0xA  }
0x40: {  	s21 =	simm.s32 @!p1 $0x2000;
	s19 =	sshrl.u32 @!p1 s19, $0x4;
	s20 =	sadd.s32 @!p1 s4, s20  }
0x41: {  	s17 =	sshrl.u32 @!p1 s17, $0x1;
	s19 =	sadd.s32 @!p1 s19, s20;
	s20 =	sand.u32 @!p1 $0x7, s10  }
0x42: {  	s18 =	sadd.s32 @!p1 s18, s19;
	s19 =	sshll.u32 @!p1 s22, $0xE;
	s20 =	sshll.u32 @!p1 s20, $0x12  }
0x43: {  	s17 =	sand.u32 @!p1 $0x3FFFFFFF, s17;
	s19 =	sand.u32 @!p1 $0x4000, s19;
	s20 =	sor.u32 @!p1 $0x80, s20  }
0x44: {  	[tilespmem:s19], [sflag:$0x1] =	stream.strided.gather @!p1 [hbm4b:s18+s20], s17, s21, s20, $0x38;
	[tilespmem:$0x10100] =	vst v63  }
0x45: {  	p1 =	sge.u32 s31, s6  }
.Ltmp2:
0x46: {  	_ = 	snop;
	(pc) =	sbr.rel @p1 .LBB1_5-.Ltmp2, $1  }
0x47: {  	_ =	sdelay $0x3  }
0x48: {  	p1 =	sgt.s32 s16, $0x9A0;
	s17 =	smov.u32 s16;
	s18 =	sshra.s32 s16, $0x1F  }
0x49: {  	s17 =	simm.s32 @!p1 $0x9A0;
	s18 =	sand.u32 s18, s16  }
0x4a: {  	s17 =	ssub.s32 s17, s18  }
0x4b: {  	p2 =	sgt.s32 s15, $0xE;
	s19 =	sshra.s32 s15, $0x1F;
	s18 =	sadd.s32 $0xFFFFF660, s17  }
0x4c: {  	s20 =	sshra.s32 s14, $0x1F;
	p1 =	sgt.s32 s18, $0x7F;
	s18 =	smov.u32 s15  }
0x4d: {  	s19 =	sand.u32 s19, s15;
	s20 =	sand.u32 s20, s14;
	s18 =	simm.s32 @!p2 $0xE  }
0x4e: {  	p2 =	sgt.s32 s14, $0x380;
	s18 =	ssub.s32 s18, s19;
	s19 =	smov.u32 s14  }
0x4f: {  	s17 =	ssub.s32 $0xA20, s17;
	s21 =	sadd.s32 $0xFFFFFFF2, s18;
	s19 =	simm.s32 @!p2 $0x380  }
0x50: {  	s18 =	ssub.s32 $0x10, s18;
	p2 =	sgt.s32 s21, $0x1;
	s19 =	ssub.s32 s19, s20  }
0x51: {  	s17 =	simm.s32 @p1 $0x0;
	s18 =	simm.s32 @p2 $0x0;
	s20 =	sadd.s32 $0xFFFFFC80, s19  }
0x52: {  	s17 =	smul.u32 s17, s18;
	p1 =	sgt.s32 s20, $0x7F;
	s18 =	ssub.s32 $0x400, s19  }
0x53: {  	s18 =	simm.s32 @p1 $0x0  }
0x54: {  	s17 =	smul.u32 s18, s17;
	_ =	sdelay $0x1  }
0x55: {  	s17 =	sshrl.u32 s17, $0x1  }
0x56: {  	s18 =	simm.s32 $0x1;
	s17 =	sand.u32 $0x3FFFFFFF, s17  }
0x57: {  	s18 =	simm.s32 @!p0 $0x0;
	_ =	swait.ge [sflag:s5], s17  }
0x58: {  	s28 =	sshll.u32 s18, $0xE;
	s17 =	ssub.s32 $0x0, s17;
	[sflag:s5] =	ssyncset.done $0x0  }
0x59: {  	s29 =	sor.u32 $0x40, s28;
	[sflag:s5] =	ssyncadd.s32 s17  }
0x5a: {  	s30 =	smul.u32 $0x10200, s18;
	v0 =	vld [tilespmem:s29+$0x30]  }
0x5b: {  	v1 =	vld [tilespmem:s29+$0xFFFFFFD0]  }
0x5c: {  	s17 =	sshrl.u32 s30, $0x2;
	v5 =	vld [tilespmem:s29+$0xFFFFFFE0]  }
0x5d: {  	s18 =	sor.u32 $0x8000, s17;
	v6 =	vld [tilespmem:s29+$0xFFFFFFF0]  }
0x5e: {  	s31 =	sand.u32 $0x1, s13;
	v4 =	vld [tilespmem:s29+$0x0];
	s19 =	sadd.s32 $0x0, s18  }
0x5f: {  	s17 =	smul.u32 $0x10200, s31;
	v3 =	vld [tilespmem:s29+$0x10];
	[tilespmem:s19+$0x3870 ss:$0x81] =	vst.msk $0xffff, v0  }
0x60: {  	v2 =	vld [tilespmem:s29+$0x20];
	[tilespmem:s19+$0x810 ss:$0x81] =	vst.msk $0xffff, v1  }
0x61: {  	s20 =	sadd.s32 $0x80, s29;
	s17 =	sshrl.u32 s17, $0x2;
	v0 =	vld [tilespmem:s29+$0xFFFFFFC0];
	[tilespmem:s19+$0x1020 ss:$0x81] =	vst.msk $0xffff, v5  }
0x62: {  	s22 =	simm.s32 $0x8;
	s21 =	simm.s32 $0x4;
	s17 =	sor.u32 $0x8000, s17;
	v1 =	vld [tilespmem:s20+$0x30];
	[tilespmem:s19+$0x1830 ss:$0x81] =	vst.msk $0xffff, v6  }
.LBB1_3:
0x63: {  	p1 =	sne.s32 s22, $0x1FC;
	v5 =	vld [tilespmem:s20+$0xFFFFFFD0];
	[tilespmem:s19+$0x2040 ss:$0x81] =	vst.msk $0xffff, v4  }
0x64: {  	v6 =	vld [tilespmem:s20+$0xFFFFFFE0];
	[tilespmem:s19+$0x2850 ss:$0x81] =	vst.msk $0xffff, v3  }
0x65: {  	s23 =	sshra.s32 s21, $0x2;
	s21 =	smov.u32 s22;
	v7 =	vld [tilespmem:s20+$0xFFFFFFF0];
	[tilespmem:s19+$0x3060 ss:$0x81] =	vst.msk $0xffff, v2  }
.Ltmp3:
0x66: {  	v4 =	vld [tilespmem:s20+$0x0];
	[tilespmem:s19+$0x0 ss:$0x81] =	vst.msk $0xffff, v0;
	s19 =	sadd.s32 s23, s18;
	(pc) =	sbr.rel @p1 .LBB1_3-.Ltmp3, $4  }
0x67: {  	v3 =	vld [tilespmem:s20+$0x10];
	[tilespmem:s19+$0x3870 ss:$0x81] =	vst.msk $0xffff, v1  }
0x68: {  	[tilespmem:s19+$0x810 ss:$0x81] =	vst.msk $0xffff, v5;
	v2 =	vld [tilespmem:s20+$0x20]  }
0x69: {  	v0 =	vld [tilespmem:s20+$0xFFFFFFC0];
	[tilespmem:s19+$0x1020 ss:$0x81] =	vst.msk $0xffff, v6;
	s20 =	sadd.s32 $0x80, s20  }
0x6a: {  	s22 =	sadd.s32 $0x4, s22;
	v1 =	vld [tilespmem:s20+$0x30];
	[tilespmem:s19+$0x1830 ss:$0x81] =	vst.msk $0xffff, v7  }
.Ltmp4:
0x6b: {  	_ = 	snop;
	(pc) =	sbr.rel .LBB1_4-.Ltmp4, $1  }
0x6c: {  	_ =	sdelay $0x3  }
.LBB1_6:
0x6d: {  	_ =	sfence.sel $0x180000  }
0x6e: {  	s1 =	simm.s32 $0x1;
	[bflag:$0x0] =	sbarrier.arrive $0xFFFF  }
0x6f: {  	s31 =	simm.s32 $0x2;
	[sflag:s1] =	ssyncpa.u1 $0x1  }
0x70: {  	[sflag:s31] =	ssyncpa.u1 $0x1  }
0x71: {  	p0 =	sne.s32 s0, $0x0;
	_ =	strace $0x90000047  }
0x72: {  	s0 =	sadd.s32 @!p0 $0x100000, s3;
	[bflag:$0x2] =	sbarrier.arrive $0xFFFF  }
0x73: {  	[sflag:s0] =	ssyncadd.tile.s32 @!p0 $0x1;
	_ =	shalt  }
.Lfunc_end1:
_tile_overlayer_lowered:
.L_overlay_start_2:
0x74: {  	(tag) =	ssettag $0x2  }
0x75: {  	s0 =	rddreg [dreg:$0x0];
	s2 =	stileid.u32  }
0x76: {  	s1 =	rddreg [dreg:$0x1];
	p0 =	sne.s32 s2, $0x0  }
0x77: {  	s3 =	rddreg [dreg:$0x2];
	[bflag:$0x3] =	sbarrier.arrive $0xFFFF;
	s2 =	simm.s32 @!p0 $0x1C01  }
0x78: {  	[timem:s3], [sflag:s2] =	dma.local @!p0 [hbm:s0], s1  }
0x79: {  	s0 =	simm.s32 @!p0 $0x1  }
0x7a: {  	_ =	swait.ge @!p0 [sflag:s0], s1  }
0x7b: {  	s1 =	ssub.s32 @!p0 $0x0, s1;
	[sflag:s0] =	ssyncset.done @!p0 $0x0  }
0x7c: {  	[sflag:s0] =	ssyncadd.s32 @!p0 s1  }
0x7d: {  	[bflag:$0x3] =	sbarrier.arrive $0xFFFF  }
0x7e: {  	_ =	shalt  }

// kernel: sparse-core-data-format-call.cloned.1.call-start
scs
called_computation_lowered:
.L_overlay_start_0:
0x0: {  	s2 =	sld [smem:$0x3FD9]  }
0x1: {  	s3 =	sld [smem:$0x3FFE];
	_ =	sdelay $0x1  }
0x2: {  	s1 =	srdreg.scid  }
0x3: {  	s0 =	sand.u32 $0x1, s1  }
0x4: {  	s18 =	sshll.u32 s0, $0xA;
	s2 =	sadd.s32 s3, s2  }
0x5: {  	s2 =	sadd.s32 s2, s18  }
0x6: {  	[smem:$0x3FC4] =	sst s2  }
0x7: {  	_ = 	snop  }
0x8: {  	s2 =	sld [smem:$0x3FD0];
	(tm) =	ssettm $0x1  }
0x9: {  	s19 =	sld [smem:$0x3FFB];
	_ =	sdelay $0x3  }
0xa: {  	_ =	strace s19  }
0xb: {  	s3 =	sld [smem:$0x3FFC];
	_ =	sdelay $0x3  }
0xc: {  	_ =	strace s3  }
0xd: {  	s3 =	sld [smem:$0x3FFD];
	_ =	sdelay $0x3  }
0xe: {  	_ =	strace s3  }
0xf: {  	_ =	strace $0x8FFFFFFF  }
0x10: {  	s20 =	sld [smem:$0x3FDB];
	_ =	sdelay $0x1  }
0x11: {  	s4 =	simm.s32 $_scs_section_size  }
0x12: {  	s5 =	simm.s32 $_size__tile_overlayer_lowered;
	s6 =	simm.s32 $_tile_overlayer_lowered  }
0x13: {  	s23 =	simm.s32 $0x1BFF;
	s22 =	sshll.u32 s6, $0x1;
	s3 =	sadd.s32 s4, s20  }
0x14: {  	s7 =	simm.s32 $0x0;
	s21 =	sshll.u32 s5, $0x1;
	s5 =	sadd.s32 s22, s3  }
0x15: {  	[timem:s7], [sflag:s23] =	dma.local [hbm:s5], s21  }
0x16: {  	_ =	swait.ge [sflag:s23], s21  }
0x17: {  	s4 =	ssub.s32 $0x0, s21;
	[sflag:s23] =	ssyncset.done $0x0  }
0x18: {  	[sflag:s23] =	ssyncadd.s32 s4;
	_ =	sdelay $0x1  }
0x19: {  	s24 =	simm.s32 $0x1B8B  }
0x1a: {  	_ =	swait.ge [sflag:s24], $0x1  }
0x1b: {  	[sflag:s24] =	ssyncset.done $0x0  }
0x1c: {  	s26 =	simm.s32 $0x1B8E;
	s25 =	sld [smem:$0x3FFE];
	[sflag:s24] =	ssyncadd.s32 $0xFFFFFFFF  }
0x1d: {  	s27 =	simm.s32 $execute0_lowered;
	[smem:$0x3FD2] =	sst s26  }
0x1e: {  	s5 =	sshll.u32 s27, $0x1;
	_ =	strace $0x8000004C;
	[dreg:$0x1] =	wrdreg $0xFFFFFFFF  }
0x1f: {  	s28 =	simm.s32 $_size_execute0_lowered;
	s3 =	sadd.s32 s3, s5;
	[dreg:$0x0] =	wrdreg $0x0  }
0x20: {  	s5 =	sshll.u32 s28, $0x1;
	[dreg:$0x2] =	wrdreg s3  }
0x21: {  	[dreg:$0x3] =	wrdreg s5  }
0x22: {  	[dreg:$0x4] =	wrdreg $0xC0  }
0x23: {  	_ =	task [dreg:s7], $0x5FFFF  }
0x24: {  	[dreg:$0x1] =	wrdreg $0xFFFFFFFF  }
0x25: {  	[dreg:$0x0] =	wrdreg $0x60  }
0x26: {  	[dreg:$0x2] =	wrdreg s25  }
0x27: {  	[dreg:$0x3] =	wrdreg s2  }
0x28: {  	[dreg:$0x4] =	wrdreg $0x9  }
0x29: {  	_ =	task.clear_ibuf [dreg:s7], $0x5FFFF;
	_ =	strace $0x9000004C  }
0x2a: {  	s29 =	simm.s32 $0x9;
	_ =	strace $0x8000004E  }
0x2b: {  	_ =	swait.ge [sflag:s29], $0x1  }
0x2c: {  	[sflag:s29] =	ssyncadd.s32 $0xFFFFFFFF  }
0x2d: {  	_ =	strace $0x9000004E  }
0x2e: {  	_ =	sfence  }
0x2f: {  	s30 =	sld [smem:$0x0];
	_ =	sdelay $0x2  }
0x30: {  	s31 =	sshll.u32 s1, $0xD;
	s1 =	sshrl.u32 s1, $0x2  }
0x31: {  	s3 =	sand.u32 $0x4000, s31;
	s1 =	sadd.s32 s1, s30  }
0x32: {  	s0 =	sor.u32 s3, s0;
	s1 =	sshll.u32 s1, $0x11  }
0x33: {  	s0 =	sor.u32 s1, s0  }
0x34: {  	s0 =	sadd.s32 $0x8F2B, s0  }
0x35: {  	[sflag:s0] =	ssyncadd.remote.s32 $0x1  }
0x36: {  	_ =	sfence.sel $0xFFFF  }
0x37: {  	[dreg:$0x0] =	wrdreg $0xFFFFFFFF;
	(pc) =	sbr.abs _section_cstart, $3  }
0x38: {  	[dreg:$0x1] =	wrdreg $0xFFFFFFFF  }
0x39: {  	_ =	task.clear_ibuf [dreg:s7], $0x2FFFF;
	_ =	strace $0x9FFFFFFF  }
0x3a: {  	(tm) =	ssettm $0x7FFFFFFF  }
0x3b: {  	_ =	shalt  }
tec
execute0_lowered:
.L_overlay_start_1:
0x0: {  	(tag) =	ssettag $0x1  }
0x1: {  	s4 =	rddreg [dreg:$0x0]  }
0x2: {  	s0 =	stileid.u32;
	s2 =	rddreg [dreg:$0x1]  }
0x3: {  	s7 =	srdreg.scid;
	s8 =	simm.s32 $0x2;
	s17 =	simm.s32 $0x0  }
0x4: {  	s9 =	simm.s32 $0x4000;
	s19 =	simm.s32 $0x0;
	s18 =	simm.s32 $0x0  }
0x5: {  	s10 =	simm.s32 $0x0;
	s11 =	simm.s32 $0x0;
	s1 =	sshll.u32 s0, $0x7  }
0x6: {  	s12 =	simm.s32 $0x0;
	s13 =	simm.s32 $0x0;
	s3 =	sand.u32 $0x380, s1  }
0x7: {  	s16 =	simm.s32 $0x0;
	s7 =	sshll.u32 s7, $0x4;
	s5 =	ssub.s32 $0x400, s3  }
0x8: {  	s4 =	sadd.s32 $0x1200, s4;
	s1 =	rddreg [dreg:$0x2];
	s6 =	sand.u32 $0x380, s5  }
0x9: {  	s7 =	sand.u32 $0x10, s7;
	p0 =	sne.s32 s6, $0x0;
	s6 =	simm.s32 $0x1  }
.Ltmp0:
0xa: {  	s5 =	sshrl.u32 s5, $0xA;
	s6 =	simm.s32 @!p0 $0x0;
	(pc) =	sbr.rel .LBB1_1-.Ltmp0, $4  }
0xb: {  	_ =	strace $0x8000004D;
	s7 =	sor.u32 s0, s7;
	s6 =	sadd.s32 s6, s5  }
0xc: {  	s7 =	sshrl.u32 s7, $0x3;
	s5 =	simm.s32 $0x1;
	s6 =	smul.u32 $0x14, s6  }
0xd: {  	s15 =	smov.u32 s3;
	s14 =	smov.u32 s7;
	[sflag:s5] =	ssyncpa.u1 $0x0  }
0xe: {  	p0 =	por $0x0, $0x0;
	[sflag:s8] =	ssyncpa.u1 $0x0;
	s8 =	sor.u32 $0x1, s6  }
.LBB1_4:
0xf: {  	s24 =	sshra.s32 s24, $0x2;
	p1 =	sgt.s32 s10, $0x1C0;
	s25 =	smov.u32 s11  }
0x10: {  	s26 =	sshra.s32 s11, $0x1F;
	s27 =	sand.u32 $0x78, s12;
	s28 =	sshra.s32 s12, $0x1F  }
0x11: {  	s31 =	sshra.s32 s10, $0x1F;
	s23 =	sadd.s32 s24, s23;
	s24 =	smov.u32 s10  }
0x12: {  	s30 =	sshll.u32 s11, $0xA;
	s24 =	simm.s32 @!p1 $0x1C0;
	p1 =	sgt.s32 s11, $0xF  }
0x13: {  	s26 =	sand.u32 s26, s11;
	s28 =	sand.u32 s28, s12;
	s25 =	simm.s32 @!p1 $0xF  }
0x14: {  	v5 =	vld [tilespmem:s21+$0xFFFFFFD0];
	p1 =	sgt.s32 s12, $0x380;
	s25 =	ssub.s32 s25, s26;
	s26 =	smov.u32 s12  }
0x15: {  	[tilespmem:s22+$0x2040 ss:$0x81] =	vst.msk $0xffff, v4;
	v58 =	vld [tilespmem:s21+$0xFFFFFFE0];
	s29 =	sadd.s32 $0xFFFFFFF1, s25;
	s26 =	simm.s32 @!p1 $0x380;
	s25 =	ssub.s32 $0x10, s25  }
0x16: {  	[tilespmem:s22+$0x2850 ss:$0x81] =	vst.msk $0xffff, v3;
	v59 =	vld [tilespmem:s21+$0xFFFFFFF0];
	p1 =	sgt.s32 s29, $0x0;
	s26 =	ssub.s32 s26, s28;
	s29 =	sand.u32 s31, s10  }
0x17: {  	[tilespmem:s22+$0x3060 ss:$0x81] =	vst.msk $0xffff, v2;
	v60 =	vld [tilespmem:s21+$0x0];
	s28 =	sand.u32 $0x2000, s30;
	s30 =	sshll.u32 s12, $0x3;
	s24 =	ssub.s32 s24, s29  }
0x18: {  	[tilespmem:s22+$0x0 ss:$0x81] =	vst.msk $0xffff, v1;
	v61 =	vld [tilespmem:s21+$0x10];
	s25 =	simm.s32 @p1 $0x0;
	s31 =	sadd.s32 $0xFFFFFC80, s26;
	s26 =	ssub.s32 $0x400, s26  }
0x19: {  	v62 =	vld [tilespmem:s21+$0x20];
	[tilespmem:s23+$0x3870 ss:$0x81] =	vst.msk $0xffff, v0;
	s22 =	sand.u32 $0x3C00, s30;
	p1 =	sgt.s32 s31, $0x7F;
	s29 =	sadd.s32 $0xFFFFFE40, s24  }
0x1a: {  	v63 =	vld [tilespmem:s21+$0xFFFFFFC0];
	[tilespmem:s23+$0x810 ss:$0x81] =	vst.msk $0xffff, v5;
	s31 =	sshll.u32 s11, $0x7;
	s24 =	ssub.s32 $0x240, s24;
	s21 =	sadd.s32 s22, s28  }
0x1b: {  	[tilespmem:s23+$0x1020 ss:$0x81] =	vst.msk $0xffff, v58;
	s28 =	sand.u32 $0x7, s12;
	s26 =	simm.s32 @p1 $0x0;
	p1 =	sgt.s32 s29, $0x7F  }
0x1c: {  	[tilespmem:s23+$0x1830 ss:$0x81] =	vst.msk $0xffff, v59;
	s21 =	sshrl.u32 s21, $0x3;
	s25 =	smul.u32 s26, s25;
	s26 =	sand.u32 $0x380, s31  }
0x1d: {  	[tilespmem:s23+$0x2040 ss:$0x81] =	vst.msk $0xffff, v60;
	s24 =	simm.s32 @p1 $0x0;
	s22 =	sor.u32 s27, s26;
	s27 =	sshll.u32 s10, $0xB  }
0x1e: {  	[tilespmem:s23+$0x2850 ss:$0x81] =	vst.msk $0xffff, v61;
	s24 =	smul.u32 s24, s25;
	s22 =	sshrl.u32 s22, $0x3;
	s25 =	sadd.s32 s2, s27  }
0x1f: {  	[tilespmem:s23+$0x3060 ss:$0x81] =	vst.msk $0xffff, v62;
	s29 =	sshll.u32 s28, $0x12;
	s21 =	sand.u32 $0x780, s21;
	s22 =	sadd.s32 s22, s25  }
0x20: {  	[tilespmem:s23+$0x0 ss:$0x81] =	vst.msk $0xffff, v63;
	s31 =	sor.u32 $0x80, s29;
	s30 =	sand.u32 $0x3FFFFFFF, s24;
	s21 =	sadd.s32 s21, s22  }
0x21: {  	[hbm4b:s21+s31] =	stream.strided.scatter [tilespmem:s20], [sflag:$0x2], s30, s9, s31, $0x20;
	[tilespmem:$0x10100] =	vst v63  }
.LBB1_5:
0x22: {  	p1 =	slt.u32 s16, $0x2;
	s21 =	smov.u32 s19  }
0x23: {  	p2 =	sgt.s32 @!p1 s17, $0x1C0;
	s20 =	sshra.s32 @!p1 s17, $0x1F;
	p3 =	sgt.s32 @!p1 s19, $0xF  }
0x24: {  	s22 =	sshra.s32 @!p1 s19, $0x1F;
	p2 =	por !p2, p1;
	s20 =	sand.u32 @!p1 s20, s17  }
0x25: {  	p3 =	por !p3, p1;
	s19 =	sand.u32 @!p1 s22, s19;
	s22 =	sshra.s32 @!p1 s18, $0x1F  }
0x26: {  	s21 =	simm.s32 @p3 $0xF;
	p3 =	sgt.s32 @!p1 s18, $0x380;
	s17 =	simm.s32 @p2 $0x1C0  }
0x27: {  	s19 =	ssub.s32 @!p1 s21, s19;
	p3 =	por !p3, p1;
	s21 =	smov.u32 s18  }
0x28: {  	s18 =	sand.u32 @!p1 s22, s18;
	s17 =	ssub.s32 @!p1 s17, s20;
	s21 =	simm.s32 @p3 $0x380  }
0x29: {  	s20 =	sadd.s32 @!p1 $0xFFFFFFF1, s19;
	s19 =	ssub.s32 @!p1 $0x10, s19;
	s18 =	ssub.s32 @!p1 s21, s18  }
0x2a: {  	s21 =	sadd.s32 @!p1 $0xFFFFFE40, s17;
	p2 =	sgt.s32 @!p1 s20, $0x0;
	s20 =	sadd.s32 @!p1 $0xFFFFFC80, s18  }
0x2b: {  	s17 =	ssub.s32 @!p1 $0x240, s17;
	p2 =	por !p2, p1;
	p3 =	sgt.s32 @!p1 s20, $0x7F  }
0x2c: {  	s18 =	ssub.s32 @!p1 $0x400, s18;
	s19 =	simm.s32 @!p2 $0x0;
	p2 =	por !p3, p1  }
0x2d: {  	s20 =	sadd.s32 $0x80, s13;
	p3 =	sgt.s32 @!p1 s21, $0x7F;
	s18 =	simm.s32 @!p2 $0x0  }
0x2e: {  	s21 =	smov.u32 s14;
	p2 =	por !p3, p1;
	s18 =	smul.u32 @!p1 s18, s19  }
0x2f: {  	s17 =	simm.s32 @!p2 $0x0;
	p2 =	sgt.s32 s20, $0x23F;
	s19 =	sadd.s32 $0x4, s14  }
0x30: {  	s22 =	smov.u32 s15;
	s21 =	smov.u32 @p2 s19  }
0x31: {  	s17 =	smul.u32 @!p1 s17, s18;
	p3 =	sgt.s32 s21, $0xF;
	s18 =	sadd.s32 $0x400, s15  }
0x32: {  	p0 =	por !p0, !p0;
	s23 =	simm.s32 @!p1 $0x2;
	s22 =	smov.u32 @p3 s18  }
0x33: {  	s20 =	simm.s32 @p2 $0x0;
	s19 =	smov.u32 s11;
	p2 =	sgt.s32 s22, $0x3FF  }
0x34: {  	s11 =	smov.u32 s14;
	s22 =	smov.u32 @p2 s3;
	p2 =	sne.s32 s16, s8  }
.Ltmp1:
0x35: {  	s21 =	smov.u32 @p3 s7;
	s18 =	smov.u32 s12;
	(pc) =	sbr.rel @!p2 .LBB1_6-.Ltmp1, $4  }
0x36: {  	s12 =	smov.u32 s15;
	s17 =	sand.u32 @!p1 $0x3FFFFFFF, s17;
	s14 =	smov.u32 s21  }
0x37: {  	_ =	swait.ge @!p1 [sflag:s23], s17;
	s24 =	ssub.s32 @!p1 $0x0, s17;
	s17 =	smov.u32 s10  }
0x38: {  	s16 =	sadd.s32 $0x1, s16;
	s10 =	smov.u32 s13;
	[sflag:s23] =	ssyncset.done @!p1 $0x0  }
0x39: {  	s13 =	smov.u32 s20;
	s15 =	smov.u32 s22;
	[sflag:s23] =	ssyncadd.s32 @!p1 s24  }
.LBB1_1:
0x3a: {  	p1 =	sge.u32 s16, s6  }
0x3b: {  	s20 =	sshrl.u32 @!p1 s14, $0x3  }
0x3c: {  	s21 =	sshll.u32 @!p1 s13, $0x3;
	s20 =	smul.u32 @!p1 $0x1400, s20  }
0x3d: {  	s22 =	sshll.u32 @!p1 s14, $0x7;
	s21 =	sand.u32 @!p1 $0xFFFFFC00, s21  }
0x3e: {  	s20 =	sadd.s32 @!p1 s20, s21;
	s21 =	sand.u32 @!p1 $0x380, s22  }
0x3f: {  	s22 =	sand.u32 @!p1 $0x7F, s13;
	s20 =	sor.u32 @!p1 s21, s20  }
0x40: {  	s21 =	sor.u32 @!p1 s22, s20  }
0x41: {  	s22 =	smulhi.u32 @!p1 $0xCCCCCCCD, s21  }
0x42: {  	s20 =	smulhi.u32 @!p1 $0xCCCCCCCD, s20  }
0x43: {  	s22 =	sshrl.u32 @!p1 s22, $0x9  }
0x44: {  	s31 =	sadd.s32 $0xFFFFFFFF, s16;
	s20 =	sshrl.u32 @!p1 s20, $0x9;
	s22 =	smul.u32 @!p1 $0x280, s22  }
0x45: {  	s23 =	sxor.u32 @!p1 $0xFFFFFFFF, s16;
	s24 =	smul.u32 @!p1 $0x500, s15;
	s20 =	sand.u32 @!p1 $0xF, s20  }
0x46: {  	s23 =	sshll.u32 @!p1 s23, $0xE;
	s20 =	smul.u32 @!p1 $0x50, s20;
	s21 =	ssub.s32 @!p1 s21, s22  }
0x47: {  	s22 =	sand.u32 @!p1 $0x4000, s23;
	s23 =	sadd.s32 @!p1 s4, s24;
	s24 =	sand.u32 @!p1 $0x7, s21  }
0x48: {  	s21 =	sshrl.u32 @!p1 s21, $0x3;
	s20 =	sadd.s32 @!p1 s20, s23;
	s23 =	sshll.u32 @!p1 s24, $0x12  }
0x49: {  	s20 =	sadd.s32 @!p1 s21, s20;
	s21 =	sor.u32 @!p1 $0x80, s23;
	s23 =	simm.s32 @!p1 $0x2800  }
0x4a: {  	[tilespmem:s22], [sflag:$0x1] =	stream.strided.gather @!p1 [hbm4b:s20+s21], $0x4000, s23, s21, $0x38;
	[tilespmem:$0x10100] =	vst v63  }
0x4b: {  	p1 =	sge.u32 s31, s6  }
.Ltmp2:
0x4c: {  	_ = 	snop;
	(pc) =	sbr.rel @p1 .LBB1_5-.Ltmp2, $1  }
0x4d: {  	_ =	sdelay $0x3  }
0x4e: {  	s20 =	simm.s32 $0x1  }
0x4f: {  	_ =	swait.ge [sflag:s5], $0x4000;
	s20 =	simm.s32 @!p0 $0x0  }
0x50: {  	[sflag:s5] =	ssyncset.done $0x0;
	s21 =	sshll.u32 s20, $0xE  }
0x51: {  	[sflag:s5] =	ssyncadd.s32 $0xFFFFC000;
	s21 =	sor.u32 $0x40, s21  }
0x52: {  	s20 =	smul.u32 $0x10200, s20;
	v0 =	vld [tilespmem:s21+$0x30]  }
0x53: {  	v1 =	vld [tilespmem:s21+$0xFFFFFFD0]  }
0x54: {  	s20 =	sshrl.u32 s20, $0x2;
	v5 =	vld [tilespmem:s21+$0xFFFFFFE0]  }
0x55: {  	v6 =	vld [tilespmem:s21+$0xFFFFFFF0];
	s23 =	sor.u32 $0x8000, s20  }
0x56: {  	s31 =	sand.u32 $0x1, s16;
	v4 =	vld [tilespmem:s21+$0x0];
	s22 =	sadd.s32 $0x0, s23  }
0x57: {  	v3 =	vld [tilespmem:s21+$0x10];
	s20 =	smul.u32 $0x10200, s31;
	[tilespmem:s22+$0x3870 ss:$0x81] =	vst.msk $0xffff, v0  }
0x58: {  	v2 =	vld [tilespmem:s21+$0x20];
	[tilespmem:s22+$0x810 ss:$0x81] =	vst.msk $0xffff, v1  }
0x59: {  	s20 =	sshrl.u32 s20, $0x2;
	v1 =	vld [tilespmem:s21+$0xFFFFFFC0];
	[tilespmem:s22+$0x1020 ss:$0x81] =	vst.msk $0xffff, v5;
	s21 =	sadd.s32 $0x80, s21  }
0x5a: {  	s24 =	simm.s32 $0x4;
	s25 =	simm.s32 $0x8;
	s20 =	sor.u32 $0x8000, s20;
	[tilespmem:s22+$0x1830 ss:$0x81] =	vst.msk $0xffff, v6;
	v0 =	vld [tilespmem:s21+$0x30]  }
.LBB1_3:
0x5b: {  	p1 =	sne.s32 s25, $0x1FC;
	v5 =	vld [tilespmem:s21+$0xFFFFFFD0];
	[tilespmem:s22+$0x2040 ss:$0x81] =	vst.msk $0xffff, v4  }
0x5c: {  	v6 =	vld [tilespmem:s21+$0xFFFFFFE0];
	[tilespmem:s22+$0x2850 ss:$0x81] =	vst.msk $0xffff, v3  }
0x5d: {  	s26 =	sshra.s32 s24, $0x2;
	s24 =	smov.u32 s25;
	v7 =	vld [tilespmem:s21+$0xFFFFFFF0];
	[tilespmem:s22+$0x3060 ss:$0x81] =	vst.msk $0xffff, v2  }
.Ltmp3:
0x5e: {  	v4 =	vld [tilespmem:s21+$0x0];
	[tilespmem:s22+$0x0 ss:$0x81] =	vst.msk $0xffff, v1;
	s22 =	sadd.s32 s26, s23;
	(pc) =	sbr.rel @p1 .LBB1_3-.Ltmp3, $4  }
0x5f: {  	v3 =	vld [tilespmem:s21+$0x10];
	[tilespmem:s22+$0x3870 ss:$0x81] =	vst.msk $0xffff, v0  }
0x60: {  	[tilespmem:s22+$0x810 ss:$0x81] =	vst.msk $0xffff, v5;
	v2 =	vld [tilespmem:s21+$0x20]  }
0x61: {  	v1 =	vld [tilespmem:s21+$0xFFFFFFC0];
	[tilespmem:s22+$0x1020 ss:$0x81] =	vst.msk $0xffff, v6;
	s21 =	sadd.s32 $0x80, s21  }
0x62: {  	s25 =	sadd.s32 $0x4, s25;
	v0 =	vld [tilespmem:s21+$0x30];
	[tilespmem:s22+$0x1830 ss:$0x81] =	vst.msk $0xffff, v7  }
.Ltmp4:
0x63: {  	_ = 	snop;
	(pc) =	sbr.rel .LBB1_4-.Ltmp4, $1  }
0x64: {  	_ =	sdelay $0x3  }
.LBB1_6:
0x65: {  	_ =	sfence.sel $0x180000  }
0x66: {  	s2 =	simm.s32 $0x1;
	[bflag:$0x0] =	sbarrier.arrive $0xFFFF  }
0x67: {  	s31 =	simm.s32 $0x2;
	[sflag:s2] =	ssyncpa.u1 $0x1  }
0x68: {  	[sflag:s31] =	ssyncpa.u1 $0x1  }
0x69: {  	p0 =	sne.s32 s0, $0x0;
	_ =	strace $0x9000004D  }
0x6a: {  	s0 =	sadd.s32 @!p0 $0x100000, s1;
	[bflag:$0x2] =	sbarrier.arrive $0xFFFF  }
0x6b: {  	[sflag:s0] =	ssyncadd.tile.s32 @!p0 $0x1;
	_ =	shalt  }
.Lfunc_end1:
_tile_overlayer_lowered:
.L_overlay_start_2:
0x6c: {  	(tag) =	ssettag $0x2  }
0x6d: {  	s0 =	rddreg [dreg:$0x0];
	s2 =	stileid.u32  }
0x6e: {  	s1 =	rddreg [dreg:$0x1];
	p0 =	sne.s32 s2, $0x0  }
0x6f: {  	s3 =	rddreg [dreg:$0x2];
	[bflag:$0x3] =	sbarrier.arrive $0xFFFF;
	s2 =	simm.s32 @!p0 $0x1C01  }
0x70: {  	[timem:s3], [sflag:s2] =	dma.local @!p0 [hbm:s0], s1  }
0x71: {  	s0 =	simm.s32 @!p0 $0x1  }
0x72: {  	_ =	swait.ge @!p0 [sflag:s0], s1  }
0x73: {  	s1 =	ssub.s32 @!p0 $0x0, s1;
	[sflag:s0] =	ssyncset.done @!p0 $0x0  }
0x74: {  	[sflag:s0] =	ssyncadd.s32 @!p0 s1  }
0x75: {  	[bflag:$0x3] =	sbarrier.arrive $0xFFFF  }
0x76: {  	_ =	shalt  }

</sc_bundles>
